<compile_context>
chip_gen: v7x
topology: tpu7x:2x2x1
jax: 0.10.2.dev20260603
libtpu: 0.0.44.dev20260713+nightly
codegen_flags: <defaults>
</compile_context>

<pallas_src>
import functools

import jax
import jax.numpy as jnp
from jax import lax
from jax.experimental import pallas as pl
from jax.experimental.pallas import tpu as pltpu
from jax.experimental.pallas import tpu_sc as plsc

N = 10000
E = 320000
D = 128
H = 128

NC = 2
NS = 16
C = 80

NP = 10240
RPT = NP // NS

PER_TILE = E // (NC * NS)
CHUNKS = PER_TILE // C

ZROWS = 40

GK = 3
NGROUPS = CHUNKS // GK

C1 = 128
K1_CHUNKS = PER_TILE // C1
K1_TAIL = PER_TILE - K1_CHUNKS * C1

BLK = 8
EP = ((E + BLK * 128 - 1) // (BLK * 128)) * (BLK * 128)
NB = EP // 128
NBLK = NB // BLK
NW = NC * NS
NDEG = N + 2000


@functools.cache
def _mesh():
    return plsc.VectorSubcoreMesh(
        core_axis_name="c", subcore_axis_name="s",
        num_cores=NC, num_subcores=NS)


def _fill_1d(ref, n, val):
    def body(i, _):
        ref[pl.ds(i * 16, 16)] = jnp.full((16,), val, jnp.float32)
        return 0
    lax.fori_loop(0, n // 16, body, 0)


def _fill_2d(ref, rows, cols, val):
    def body(i, _):
        def body2(j, _):
            ref[i, pl.ds(j * 16, 16)] = jnp.full((16,), val, jnp.float32)
            return 0
        lax.fori_loop(0, cols // 16, body2, 0)
        return 0
    lax.fori_loop(0, rows, body, 0)


@functools.cache
def _k1_build():
    @functools.partial(
        pl.kernel,
        mesh=_mesh(),
        out_type=[
            jax.ShapeDtypeStruct((NC * N,), jnp.float32),
            jax.ShapeDtypeStruct((NC * N,), jnp.float32),
        ],
        scratch_types=[
            pltpu.VMEM_SHARED((N,), jnp.float32),
            pltpu.VMEM_SHARED((N,), jnp.float32),
            pltpu.VMEM((2, C1), jnp.int32),
            pltpu.VMEM((2, C1), jnp.int32),
            pltpu.VMEM((C1,), jnp.float32),
            pltpu.VMEM((K1_TAIL,), jnp.int32),
            pltpu.VMEM((K1_TAIL,), jnp.float32),
            pltpu.VMEM((2000,), jnp.float32),
            pltpu.SemaphoreType.DMA,
            pltpu.SemaphoreType.DMA,
        ],
    )
    def _k1(src_hbm, dst_hbm, do_out, di_out, do_sh, di_sh,
            si2, di2, ones_v, ti_v, tones_v, zb_v, lsem, asem):
        c = lax.axis_index("c")
        s = lax.axis_index("s")

        _fill_1d(zb_v, 2000, 0.0)

        @pl.when(s < 5)
        def _():
            pltpu.sync_copy(zb_v, do_sh.at[pl.ds(s * 2000, 2000)])

        @pl.when(jnp.logical_and(s >= 5, s < 10))
        def _():
            pltpu.sync_copy(zb_v, di_sh.at[pl.ds((s - 5) * 2000, 2000)])

        _fill_1d(ones_v, C1, 1.0)
        _fill_1d(tones_v, K1_TAIL, 1.0)

        plsc.subcore_barrier()

        base0 = c * (E // NC) + s * PER_TILE

        pltpu.async_copy(src_hbm.at[pl.ds(base0, C1)], si2.at[0], lsem)
        pltpu.async_copy(dst_hbm.at[pl.ds(base0, C1)], di2.at[0], lsem)

        def body(i, _):
            p = lax.rem(i, 2)
            q = 1 - p

            @pl.when(i > 0)
            def _():
                base_q = base0 + (i - 1) * C1
                pltpu.make_async_copy(
                    src_hbm.at[pl.ds(base_q, C1)], si2.at[q], asem).wait()
                pltpu.make_async_copy(
                    dst_hbm.at[pl.ds(base_q, C1)], di2.at[q], asem).wait()

            @pl.when(i < K1_CHUNKS - 1)
            def _():
                base = base0 + (i + 1) * C1
                pltpu.async_copy(src_hbm.at[pl.ds(base, C1)], si2.at[q], lsem)
                pltpu.async_copy(dst_hbm.at[pl.ds(base, C1)], di2.at[q], lsem)

            base = base0 + i * C1
            pltpu.make_async_copy(
                src_hbm.at[pl.ds(base, C1)], si2.at[p], lsem).wait()
            pltpu.make_async_copy(
                dst_hbm.at[pl.ds(base, C1)], di2.at[p], lsem).wait()

            pltpu.async_copy(ones_v, do_sh.at[si2.at[p]], asem, add=True)
            pltpu.async_copy(ones_v, di_sh.at[di2.at[p]], asem, add=True)
            return 0
        lax.fori_loop(0, K1_CHUNKS, body, 0)

        pfl = (K1_CHUNKS - 1) % 2
        base_l = base0 + (K1_CHUNKS - 1) * C1
        pltpu.make_async_copy(
            src_hbm.at[pl.ds(base_l, C1)], si2.at[pfl], asem).wait()
        pltpu.make_async_copy(
            dst_hbm.at[pl.ds(base_l, C1)], di2.at[pfl], asem).wait()

        base_t = base0 + K1_CHUNKS * C1
        pltpu.sync_copy(src_hbm.at[pl.ds(base_t, K1_TAIL)], ti_v)
        pltpu.sync_copy(tones_v, do_sh.at[ti_v], add=True)
        pltpu.sync_copy(dst_hbm.at[pl.ds(base_t, K1_TAIL)], ti_v)
        pltpu.sync_copy(tones_v, di_sh.at[ti_v], add=True)

        plsc.subcore_barrier()

        @pl.when(s < 5)
        def _():
            pltpu.sync_copy(do_sh.at[pl.ds(s * 2000, 2000)], zb_v)
            pltpu.sync_copy(zb_v, do_out.at[pl.ds(c * N + s * 2000, 2000)])

        @pl.when(jnp.logical_and(s >= 5, s < 10))
        def _():
            pltpu.sync_copy(di_sh.at[pl.ds((s - 5) * 2000, 2000)], zb_v)
            pltpu.sync_copy(
                zb_v, di_out.at[pl.ds(c * N + (s - 5) * 2000, 2000)])

    return _k1


def _k2_body(x_ref, w_ref, dop_ref, h_ref):
    deg = dop_ref[0] + dop_ref[1]
    norm = jnp.where(deg > 0, lax.rsqrt(deg), 0.0)
    xw = jnp.dot(x_ref[...], w_ref[...], preferred_element_type=jnp.float32)
    h_ref[...] = xw * norm[:, None]


def _k2(features, W, deg_o_part):
    return pl.pallas_call(
        _k2_body,
        out_shape=jax.ShapeDtypeStruct((N, H), jnp.float32),
    )(features, W, deg_o_part)


@functools.cache
def _k3_build():
    @functools.partial(
        pl.kernel,
        mesh=_mesh(),
        out_type=jax.ShapeDtypeStruct((NC, NP, H), jnp.float32),
        scratch_types=[
            pltpu.VMEM_SHARED((NP, H), jnp.float32),
            pltpu.VMEM((4, C), jnp.int32),
            pltpu.VMEM((4, C), jnp.int32),
            pltpu.VMEM((3, C, H), jnp.float32),
            pltpu.VMEM((ZROWS, H), jnp.float32),
            pltpu.SemaphoreType.DMA,
            pltpu.SemaphoreType.DMA,
        ],
    )
    def _k3(h_hbm, src_hbm, dst_hbm, out_hbm,
            agg_sh, si4, di4, rows3, zb_v, lsem, gsem):
        c = lax.axis_index("c")
        s = lax.axis_index("s")

        _fill_2d(zb_v, ZROWS, H, 0.0)
        for r in range(RPT // ZROWS):
            pltpu.sync_copy(
                zb_v, agg_sh.at[pl.ds(s * RPT + r * ZROWS, ZROWS)])

        plsc.subcore_barrier()

        base0 = c * (E // NC) + s * PER_TILE

        def load_idx(i, slot):
            base = base0 + i * C
            pltpu.async_copy(src_hbm.at[pl.ds(base, C)], si4.at[slot], lsem)
            pltpu.async_copy(dst_hbm.at[pl.ds(base, C)], di4.at[slot], lsem)

        def drain_idx(i, slot):
            base = base0 + i * C
            pltpu.make_async_copy(
                src_hbm.at[pl.ds(base, C)], si4.at[slot], lsem).wait()
            pltpu.make_async_copy(
                dst_hbm.at[pl.ds(base, C)], di4.at[slot], lsem).wait()

        for i in range(3):
            load_idx(i, i)
        for i in range(2):
            drain_idx(i, i)
            pltpu.async_copy(h_hbm.at[si4.at[i]], rows3.at[i], gsem)

        def body(i, _):
            @pl.when(i + 2 < CHUNKS)
            def _():
                drain_idx(i + 2, lax.rem(i + 2, 4))
                pltpu.async_copy(h_hbm.at[si4.at[lax.rem(i + 2, 4)]],
                                 rows3.at[lax.rem(i + 2, 3)], gsem)

            @pl.when(i + 3 < CHUNKS)
            def _():
                load_idx(i + 3, lax.rem(i + 3, 4))

            p3 = lax.rem(i, 3)
            p4 = lax.rem(i, 4)
            pltpu.make_async_copy(
                h_hbm.at[si4.at[p4]], rows3.at[p3], gsem).wait()
            pltpu.sync_copy(rows3.at[p3], agg_sh.at[di4.at[p4]], add=True)
            return 0
        lax.fori_loop(0, CHUNKS, body, 0)

        plsc.subcore_barrier()

        for r in range(RPT // ZROWS):
            off = s * RPT + r * ZROWS
            pltpu.sync_copy(agg_sh.at[pl.ds(off, ZROWS)], zb_v)
            pltpu.sync_copy(zb_v, out_hbm.at[c, pl.ds(off, ZROWS)])

    return _k3


def _k4_body(agg_ref, dip_ref, b_ref, out_ref):
    deg = dip_ref[0] + dip_ref[1]
    norm = jnp.where(deg > 0, lax.rsqrt(deg), 0.0)
    agg = agg_ref[0, :N, :] + agg_ref[1, :N, :]
    out_ref[...] = jnp.maximum(agg * norm[:, None] + b_ref[...], 0.0)


def _k4(agg_split, deg_i_part, b):
    return pl.pallas_call(
        _k4_body,
        out_shape=jax.ShapeDtypeStruct((N, H), jnp.float32),
    )(agg_split, deg_i_part, b.reshape(1, H))


def kernel(features, edge_index, W, b):
    src = edge_index[0]
    dst = edge_index[1]
    deg_o_flat, deg_i_flat = _k1_build()(src, dst)
    deg_o_part = deg_o_flat.reshape(NC, N)
    deg_i_part = deg_i_flat.reshape(NC, N)
    h = _k2(features, W, deg_o_part)
    agg_split = _k3_build()(h, src, dst)
    return _k4(agg_split, deg_i_part, b)

# --- scband reference (transcript-rebuilt; emitter-appended) ---
"""Pipeline reference for scband-gcn-29523605193127 (READ-ONLY COPY).

The authoritative reference and input builder live on the scoring server;
editing this copy changes nothing except your own understanding.
"""

import jax, jax.numpy as jnp
import numpy as np

N = 10000
E = 320000
D = 128
H = 128


def setup_inputs(seed: int = 0) -> dict:
    key = jax.random.key(seed)
    k1, k2, k3, k4 = jax.random.split(key, 4)
    features = jax.random.normal(k1, (N, D), dtype=jnp.float32)
    edge_index = jax.random.randint(k2, (2, E), 0, N, dtype=jnp.int32)
    W = jax.random.normal(k3, (D, H), dtype=jnp.float32) * (1.0 / np.sqrt(D))
    b = jnp.zeros((H,), dtype=jnp.float32)
    return {"features": features, "edge_index": edge_index, "W": W, "b": b}


def reference(features, edge_index, W, b):
    # DGL GraphConv with norm='both': out = relu(D_in^{-1/2} A D_out^{-1/2} X W + b)
    src = edge_index[0]
    dst = edge_index[1]
    ones = jnp.ones((E,), dtype=features.dtype)
    deg_out = jnp.zeros((N,), dtype=features.dtype).at[src].add(ones)
    deg_in = jnp.zeros((N,), dtype=features.dtype).at[dst].add(ones)
    norm_src = jnp.where(deg_out > 0, deg_out ** -0.5, 0.0)
    norm_dst = jnp.where(deg_in > 0, deg_in ** -0.5, 0.0)
    h = features * norm_src[:, None]
    h = h @ W
    msg = jnp.take(h, src, axis=0)
    agg = jnp.zeros((N, H), dtype=h.dtype).at[dst].add(msg)
    out = agg * norm_dst[:, None] + b
    return jax.nn.relu(out)

if __name__ == "__main__":
    import jax
    _d = setup_inputs()
    print(jax.jit(kernel)(*tuple(_d.values())))

</pallas_src>

<mosaic_0001>
#map = affine_map<(d0, d1) -> (0)>
module attributes {stable_mosaic.version = 14 : i64} {
  func.func @_k1(%arg0: i32, %arg1: i32, %arg2: memref<320000xi32, #tpu.memory_space<hbm>>, %arg3: memref<320000xi32, #tpu.memory_space<hbm>>, %arg4: memref<20000xf32, #tpu.memory_space<hbm>>, %arg5: memref<20000xf32, #tpu.memory_space<hbm>>, %arg6: memref<10000xf32, #tpu.memory_space<vmem_shared>>, %arg7: memref<10000xf32, #tpu.memory_space<vmem_shared>>, %arg8: memref<2x128xi32, #tpu.memory_space<vmem>>, %arg9: memref<2x128xi32, #tpu.memory_space<vmem>>, %arg10: memref<128xf32, #tpu.memory_space<vmem>>, %arg11: memref<16xi32, #tpu.memory_space<vmem>>, %arg12: memref<16xf32, #tpu.memory_space<vmem>>, %arg13: memref<2000xf32, #tpu.memory_space<vmem>>, %arg14: memref<!tpu.dma_semaphore, #tpu.memory_space<semaphore_mem>>, %arg15: memref<!tpu.dma_semaphore, #tpu.memory_space<semaphore_mem>>) attributes {dimension_semantics = [#tpu.dimension_semantics<core_parallel>, #tpu.dimension_semantics<subcore_parallel>], iteration_bounds = array<i64: 2, 16>, scalar_prefetch = 0 : i64, scratch_operands = 10 : i64, tpu.core_type = #tpu.core_type<sc_vector_subcore>, window_params = [{transform_indices = #map}, {transform_indices = #map}, {transform_indices = #map}, {transform_indices = #map}]} {
    %scan3A = arith.constant 0 : i32
    %scan3A_0 = arith.constant 0 : i32
    %scan3A_1 = arith.constant 125 : i32
    %scan3A_2 = arith.addi %scan3A_0, %scan3A_1 : i32
    %scan3A_3 = arith.constant 1 : i32
    %scan3A_4 = scf.for %scan3A_93 = %scan3A_0 to %scan3A_2 step %scan3A_3 iter_args(%scan3A_94 = %scan3A) -> (i32)  : i32 {
      %broadcast_in_dim3A_95 = arith.constant 0.000000e+00 : f32
      %broadcast_in_dim3A_96 = vector.broadcast %broadcast_in_dim3A_95 : f32 to vector<16xf32>
      %mul3A_97 = arith.constant 16 : i32
      %mul3A_98 = arith.muli %scan3A_93, %mul3A_97 : i32
      %swap3A_99 = arith.index_cast %mul3A_98 : i32 to index
      %swap3A_100 = tpu.vector_load %arg13[%swap3A_99] {strides = array<i32>} : memref<2000xf32, #tpu.memory_space<vmem>>, vector<16xf32>,
      %swap3A_101 = vector.shape_cast %swap3A_100 : vector<16xf32> to vector<16xf32>
      %swap3A_102 = vector.shape_cast %broadcast_in_dim3A_96 : vector<16xf32> to vector<16xf32>
      tpu.vector_store %arg13[%swap3A_99], %swap3A_102 {strides = array<i32>} : memref<2000xf32, #tpu.memory_space<vmem>>, vector<16xf32>,
      %scan3A_103 = arith.constant 0 : i32
      scf.yield %scan3A_103 : i32
    }
    %scan3A_5 = arith.constant 125 : i32
    %lt3A = arith.constant 5 : i32
    %lt3A_6 = arith.cmpi slt, %arg1, %lt3A : i32
    %convert_element_type3A = arith.extui %lt3A_6 : i1 to i32
    %cond3A = arith.constant 0 : i32
    %cond3A_7 = arith.cmpi ne, %convert_element_type3A, %cond3A : i32
    scf.if %cond3A_7 {
      %mul3A_93 = arith.constant 2000 : i32
      %mul3A_94 = arith.muli %arg1, %mul3A_93 : i32
      "tpu.region"() ({
        %run_scoped3A = tpu.sem_alloc : memref<!tpu.dma_semaphore, #tpu.memory_space<semaphore_mem>>
        %dma_start3A_95 = tpu.memref_slice %arg6[%mul3A_94] : memref<10000xf32, #tpu.memory_space<vmem_shared>> -> memref<2000xf32, #tpu.memory_space<vmem_shared>>
        %dma_start3A_96 = tpu.memref_slice %arg6[%mul3A_94] : memref<10000xf32, #tpu.memory_space<vmem_shared>> -> memref<2000xf32, #tpu.memory_space<vmem_shared>>
        tpu.enqueue_dma source(%arg13 : memref<2000xf32, #tpu.memory_space<vmem>>) target(%dma_start3A_96 : memref<2000xf32, #tpu.memory_space<vmem_shared>>) target_semaphore(%run_scoped3A : memref<!tpu.dma_semaphore, #tpu.memory_space<semaphore_mem>>)
        %dma_wait3A_97 = tpu.memref_slice %arg6[%mul3A_94] : memref<10000xf32, #tpu.memory_space<vmem_shared>> -> memref<2000xf32, #tpu.memory_space<vmem_shared>>
        %dma_wait3A_98 = tpu.memref_slice %arg6[%mul3A_94] : memref<10000xf32, #tpu.memory_space<vmem_shared>> -> memref<2000xf32, #tpu.memory_space<vmem_shared>>
        tpu.wait_dma2 semaphore(%run_scoped3A : memref<!tpu.dma_semaphore, #tpu.memory_space<semaphore_mem>>) src(%arg13 : memref<2000xf32, #tpu.memory_space<vmem>>) dst(%dma_wait3A_98 : memref<2000xf32, #tpu.memory_space<vmem_shared>>)
        tpu.yield
      }) : () -> ()
    } else {
    }
    %ge3A = arith.constant 5 : i32
    %ge3A_8 = arith.cmpi sge, %arg1, %ge3A : i32
    %lt3A_9 = arith.constant 10 : i32
    %lt3A_10 = arith.cmpi slt, %arg1, %lt3A_9 : i32
    %and3A = arith.andi %ge3A_8, %lt3A_10 : i1
    %convert_element_type3A_11 = arith.extui %and3A : i1 to i32
    %cond3A_12 = arith.constant 0 : i32
    %cond3A_13 = arith.cmpi ne, %convert_element_type3A_11, %cond3A_12 : i32
    scf.if %cond3A_13 {
      %sub3A = arith.constant 5 : i32
      %sub3A_93 = arith.subi %arg1, %sub3A : i32
      %mul3A_94 = arith.constant 2000 : i32
      %mul3A_95 = arith.muli %sub3A_93, %mul3A_94 : i32
      "tpu.region"() ({
        %run_scoped3A = tpu.sem_alloc : memref<!tpu.dma_semaphore, #tpu.memory_space<semaphore_mem>>
        %dma_start3A_96 = tpu.memref_slice %arg7[%mul3A_95] : memref<10000xf32, #tpu.memory_space<vmem_shared>> -> memref<2000xf32, #tpu.memory_space<vmem_shared>>
        %dma_start3A_97 = tpu.memref_slice %arg7[%mul3A_95] : memref<10000xf32, #tpu.memory_space<vmem_shared>> -> memref<2000xf32, #tpu.memory_space<vmem_shared>>
        tpu.enqueue_dma source(%arg13 : memref<2000xf32, #tpu.memory_space<vmem>>) target(%dma_start3A_97 : memref<2000xf32, #tpu.memory_space<vmem_shared>>) target_semaphore(%run_scoped3A : memref<!tpu.dma_semaphore, #tpu.memory_space<semaphore_mem>>)
        %dma_wait3A_98 = tpu.memref_slice %arg7[%mul3A_95] : memref<10000xf32, #tpu.memory_space<vmem_shared>> -> memref<2000xf32, #tpu.memory_space<vmem_shared>>
        %dma_wait3A_99 = tpu.memref_slice %arg7[%mul3A_95] : memref<10000xf32, #tpu.memory_space<vmem_shared>> -> memref<2000xf32, #tpu.memory_space<vmem_shared>>
        tpu.wait_dma2 semaphore(%run_scoped3A : memref<!tpu.dma_semaphore, #tpu.memory_space<semaphore_mem>>) src(%arg13 : memref<2000xf32, #tpu.memory_space<vmem>>) dst(%dma_wait3A_99 : memref<2000xf32, #tpu.memory_space<vmem_shared>>)
        tpu.yield
      }) : () -> ()
    } else {
    }
    %scan3A_14 = arith.constant 0 : i32
    %scan3A_15 = arith.constant 0 : i32
    %scan3A_16 = arith.constant 8 : i32
    %scan3A_17 = arith.addi %scan3A_15, %scan3A_16 : i32
    %scan3A_18 = arith.constant 1 : i32
    %scan3A_19 = scf.for %scan3A_93 = %scan3A_15 to %scan3A_17 step %scan3A_18 iter_args(%scan3A_94 = %scan3A_14) -> (i32)  : i32 {
      %broadcast_in_dim3A_95 = arith.constant 1.000000e+00 : f32
      %broadcast_in_dim3A_96 = vector.broadcast %broadcast_in_dim3A_95 : f32 to vector<16xf32>
      %mul3A_97 = arith.constant 16 : i32
      %mul3A_98 = arith.muli %scan3A_93, %mul3A_97 : i32
      %swap3A_99 = arith.index_cast %mul3A_98 : i32 to index
      %swap3A_100 = tpu.vector_load %arg10[%swap3A_99] {strides = array<i32>} : memref<128xf32, #tpu.memory_space<vmem>>, vector<16xf32>,
      %swap3A_101 = vector.shape_cast %swap3A_100 : vector<16xf32> to vector<16xf32>
      %swap3A_102 = vector.shape_cast %broadcast_in_dim3A_96 : vector<16xf32> to vector<16xf32>
      tpu.vector_store %arg10[%swap3A_99], %swap3A_102 {strides = array<i32>} : memref<128xf32, #tpu.memory_space<vmem>>, vector<16xf32>,
      %scan3A_103 = arith.constant 0 : i32
      scf.yield %scan3A_103 : i32
    }
    %scan3A_20 = arith.constant 8 : i32
    %scan3A_21 = arith.constant 0 : i32
    %scan3A_22 = arith.constant 0 : i32
    %broadcast_in_dim3A = arith.constant 1.000000e+00 : f32
    %broadcast_in_dim3A_23 = vector.broadcast %broadcast_in_dim3A : f32 to vector<16xf32>
    %mul3A = arith.constant 16 : i32
    %mul3A_24 = arith.muli %scan3A_22, %mul3A : i32
    %swap3A = arith.index_cast %mul3A_24 : i32 to index
    %swap3A_25 = tpu.vector_load %arg12[%swap3A] {strides = array<i32>} : memref<16xf32, #tpu.memory_space<vmem>>, vector<16xf32>,
    %swap3A_26 = vector.shape_cast %swap3A_25 : vector<16xf32> to vector<16xf32>
    %swap3A_27 = vector.shape_cast %broadcast_in_dim3A_23 : vector<16xf32> to vector<16xf32>
    tpu.vector_store %arg12[%swap3A], %swap3A_27 {strides = array<i32>} : memref<16xf32, #tpu.memory_space<vmem>>, vector<16xf32>,
    %scan3A_28 = arith.constant 0 : i32
    %scan3A_29 = arith.constant 1 : i32
    %barrier3A = arith.constant 0 : index
    tpu.barrier barrier_id(%barrier3A)
    %mul3A_30 = arith.constant 160000 : i32
    %mul3A_31 = arith.muli %arg0, %mul3A_30 : i32
    %mul3A_32 = arith.constant 10000 : i32
    %mul3A_33 = arith.muli %arg1, %mul3A_32 : i32
    %add3A = arith.addi %mul3A_31, %mul3A_33 : i32
    %dma_start3A = arith.constant 0 : i32
    %dma_start3A_34 = arith.constant 0 : i32
    %dma_start3A_35 = tpu.memref_slice %arg8[%dma_start3A, %dma_start3A_34] : memref<2x128xi32, #tpu.memory_space<vmem>> -> memref<1x128xi32, #tpu.memory_space<vmem>>
    %dma_start3A_36 = tpu.memref_squeeze %dma_start3A_35 : memref<1x128xi32, #tpu.memory_space<vmem>> -> memref<128xi32, #tpu.memory_space<vmem>>
    %dma_start3A_37 = tpu.memref_slice %arg2[%add3A] : memref<320000xi32, #tpu.memory_space<hbm>> -> memref<128xi32, #tpu.memory_space<hbm>>
    %dma_start3A_38 = arith.constant 0 : i32
    %dma_start3A_39 = tpu.memref_slice %arg8[%dma_start3A, %dma_start3A_38] : memref<2x128xi32, #tpu.memory_space<vmem>> -> memref<1x128xi32, #tpu.memory_space<vmem>>
    %dma_start3A_40 = tpu.memref_squeeze %dma_start3A_39 : memref<1x128xi32, #tpu.memory_space<vmem>> -> memref<128xi32, #tpu.memory_space<vmem>>
    %dma_start3A_41 = tpu.memref_slice %arg2[%add3A] : memref<320000xi32, #tpu.memory_space<hbm>> -> memref<128xi32, #tpu.memory_space<hbm>>
    tpu.enqueue_dma source(%dma_start3A_41 : memref<128xi32, #tpu.memory_space<hbm>>) target(%dma_start3A_40 : memref<128xi32, #tpu.memory_space<vmem>>) target_semaphore(%arg14 : memref<!tpu.dma_semaphore, #tpu.memory_space<semaphore_mem>>)
    %dma_start3A_42 = arith.constant 0 : i32
    %dma_start3A_43 = arith.constant 0 : i32
    %dma_start3A_44 = tpu.memref_slice %arg9[%dma_start3A_42, %dma_start3A_43] : memref<2x128xi32, #tpu.memory_space<vmem>> -> memref<1x128xi32, #tpu.memory_space<vmem>>
    %dma_start3A_45 = tpu.memref_squeeze %dma_start3A_44 : memref<1x128xi32, #tpu.memory_space<vmem>> -> memref<128xi32, #tpu.memory_space<vmem>>
    %dma_start3A_46 = tpu.memref_slice %arg3[%add3A] : memref<320000xi32, #tpu.memory_space<hbm>> -> memref<128xi32, #tpu.memory_space<hbm>>
    %dma_start3A_47 = arith.constant 0 : i32
    %dma_start3A_48 = tpu.memref_slice %arg9[%dma_start3A_42, %dma_start3A_47] : memref<2x128xi32, #tpu.memory_space<vmem>> -> memref<1x128xi32, #tpu.memory_space<vmem>>
    %dma_start3A_49 = tpu.memref_squeeze %dma_start3A_48 : memref<1x128xi32, #tpu.memory_space<vmem>> -> memref<128xi32, #tpu.memory_space<vmem>>
    %dma_start3A_50 = tpu.memref_slice %arg3[%add3A] : memref<320000xi32, #tpu.memory_space<hbm>> -> memref<128xi32, #tpu.memory_space<hbm>>
    tpu.enqueue_dma source(%dma_start3A_50 : memref<128xi32, #tpu.memory_space<hbm>>) target(%dma_start3A_49 : memref<128xi32, #tpu.memory_space<vmem>>) target_semaphore(%arg14 : memref<!tpu.dma_semaphore, #tpu.memory_space<semaphore_mem>>)
    %scan3A_51 = arith.constant 0 : i32
    %scan3A_52 = arith.constant 0 : i32
    %scan3A_53 = arith.constant 78 : i32
    %scan3A_54 = arith.addi %scan3A_52, %scan3A_53 : i32
    %scan3A_55 = arith.constant 1 : i32
    %scan3A_56 = scf.for %scan3A_93 = %scan3A_52 to %scan3A_54 step %scan3A_55 iter_args(%scan3A_94 = %scan3A_51) -> (i32)  : i32 {
      %rem3A = arith.constant 2 : i32
      %rem3A_95 = arith.remsi %scan3A_93, %rem3A : i32
      %sub3A = arith.constant 1 : i32
      %sub3A_96 = arith.subi %sub3A, %rem3A_95 : i32
      %gt3A = arith.constant 0 : i32
      %gt3A_97 = arith.cmpi sgt, %scan3A_93, %gt3A : i32
      %convert_element_type3A_98 = arith.extui %gt3A_97 : i1 to i32
      %cond3A_99 = arith.constant 0 : i32
      %cond3A_100 = arith.cmpi ne, %convert_element_type3A_98, %cond3A_99 : i32
      scf.if %cond3A_100 {
        %sub3A_136 = arith.constant 1 : i32
        %sub3A_137 = arith.subi %scan3A_93, %sub3A_136 : i32
        %mul3A_138 = arith.constant 128 : i32
        %mul3A_139 = arith.muli %sub3A_137, %mul3A_138 : i32
        %add3A_140 = arith.addi %add3A, %mul3A_139 : i32
        %dma_wait3A_141 = arith.constant 0 : i32
        %dma_wait3A_142 = tpu.memref_slice %arg8[%sub3A_96, %dma_wait3A_141] : memref<2x128xi32, #tpu.memory_space<vmem>> -> memref<1x128xi32, #tpu.memory_space<vmem>>
        %dma_wait3A_143 = tpu.memref_squeeze %dma_wait3A_142 : memref<1x128xi32, #tpu.memory_space<vmem>> -> memref<128xi32, #tpu.memory_space<vmem>>
        %dma_wait3A_144 = tpu.memref_slice %arg2[%add3A_140] : memref<320000xi32, #tpu.memory_space<hbm>> -> memref<128xi32, #tpu.memory_space<hbm>>
        %dma_wait3A_145 = arith.constant 0 : i32
        %dma_wait3A_146 = tpu.memref_slice %arg8[%sub3A_96, %dma_wait3A_145] : memref<2x128xi32, #tpu.memory_space<vmem>> -> memref<1x128xi32, #tpu.memory_space<vmem>>
        %dma_wait3A_147 = tpu.memref_squeeze %dma_wait3A_146 : memref<1x128xi32, #tpu.memory_space<vmem>> -> memref<128xi32, #tpu.memory_space<vmem>>
        %dma_wait3A_148 = tpu.memref_slice %arg2[%add3A_140] : memref<320000xi32, #tpu.memory_space<hbm>> -> memref<128xi32, #tpu.memory_space<hbm>>
        tpu.wait_dma2 semaphore(%arg15 : memref<!tpu.dma_semaphore, #tpu.memory_space<semaphore_mem>>) src(%dma_wait3A_148 : memref<128xi32, #tpu.memory_space<hbm>>) dst(%dma_wait3A_147 : memref<128xi32, #tpu.memory_space<vmem>>)
        %dma_wait3A_149 = arith.constant 0 : i32
        %dma_wait3A_150 = tpu.memref_slice %arg9[%sub3A_96, %dma_wait3A_149] : memref<2x128xi32, #tpu.memory_space<vmem>> -> memref<1x128xi32, #tpu.memory_space<vmem>>
        %dma_wait3A_151 = tpu.memref_squeeze %dma_wait3A_150 : memref<1x128xi32, #tpu.memory_space<vmem>> -> memref<128xi32, #tpu.memory_space<vmem>>
        %dma_wait3A_152 = tpu.memref_slice %arg3[%add3A_140] : memref<320000xi32, #tpu.memory_space<hbm>> -> memref<128xi32, #tpu.memory_space<hbm>>
        %dma_wait3A_153 = arith.constant 0 : i32
        %dma_wait3A_154 = tpu.memref_slice %arg9[%sub3A_96, %dma_wait3A_153] : memref<2x128xi32, #tpu.memory_space<vmem>> -> memref<1x128xi32, #tpu.memory_space<vmem>>
        %dma_wait3A_155 = tpu.memref_squeeze %dma_wait3A_154 : memref<1x128xi32, #tpu.memory_space<vmem>> -> memref<128xi32, #tpu.memory_space<vmem>>
        %dma_wait3A_156 = tpu.memref_slice %arg3[%add3A_140] : memref<320000xi32, #tpu.memory_space<hbm>> -> memref<128xi32, #tpu.memory_space<hbm>>
        tpu.wait_dma2 semaphore(%arg15 : memref<!tpu.dma_semaphore, #tpu.memory_space<semaphore_mem>>) src(%dma_wait3A_156 : memref<128xi32, #tpu.memory_space<hbm>>) dst(%dma_wait3A_155 : memref<128xi32, #tpu.memory_space<vmem>>)
      } else {
      }
      %lt3A_101 = arith.constant 77 : i32
      %lt3A_102 = arith.cmpi slt, %scan3A_93, %lt3A_101 : i32
      %convert_element_type3A_103 = arith.extui %lt3A_102 : i1 to i32
      %cond3A_104 = arith.constant 0 : i32
      %cond3A_105 = arith.cmpi ne, %convert_element_type3A_103, %cond3A_104 : i32
      scf.if %cond3A_105 {
        %add3A_136 = arith.constant 1 : i32
        %add3A_137 = arith.addi %scan3A_93, %add3A_136 : i32
        %mul3A_138 = arith.constant 128 : i32
        %mul3A_139 = arith.muli %add3A_137, %mul3A_138 : i32
        %add3A_140 = arith.addi %add3A, %mul3A_139 : i32
        %dma_start3A_141 = arith.constant 0 : i32
        %dma_start3A_142 = tpu.memref_slice %arg8[%sub3A_96, %dma_start3A_141] : memref<2x128xi32, #tpu.memory_space<vmem>> -> memref<1x128xi32, #tpu.memory_space<vmem>>
        %dma_start3A_143 = tpu.memref_squeeze %dma_start3A_142 : memref<1x128xi32, #tpu.memory_space<vmem>> -> memref<128xi32, #tpu.memory_space<vmem>>
        %dma_start3A_144 = tpu.memref_slice %arg2[%add3A_140] : memref<320000xi32, #tpu.memory_space<hbm>> -> memref<128xi32, #tpu.memory_space<hbm>>
        %dma_start3A_145 = arith.constant 0 : i32
        %dma_start3A_146 = tpu.memref_slice %arg8[%sub3A_96, %dma_start3A_145] : memref<2x128xi32, #tpu.memory_space<vmem>> -> memref<1x128xi32, #tpu.memory_space<vmem>>
        %dma_start3A_147 = tpu.memref_squeeze %dma_start3A_146 : memref<1x128xi32, #tpu.memory_space<vmem>> -> memref<128xi32, #tpu.memory_space<vmem>>
        %dma_start3A_148 = tpu.memref_slice %arg2[%add3A_140] : memref<320000xi32, #tpu.memory_space<hbm>> -> memref<128xi32, #tpu.memory_space<hbm>>
        tpu.enqueue_dma source(%dma_start3A_148 : memref<128xi32, #tpu.memory_space<hbm>>) target(%dma_start3A_147 : memref<128xi32, #tpu.memory_space<vmem>>) target_semaphore(%arg14 : memref<!tpu.dma_semaphore, #tpu.memory_space<semaphore_mem>>)
        %dma_start3A_149 = arith.constant 0 : i32
        %dma_start3A_150 = tpu.memref_slice %arg9[%sub3A_96, %dma_start3A_149] : memref<2x128xi32, #tpu.memory_space<vmem>> -> memref<1x128xi32, #tpu.memory_space<vmem>>
        %dma_start3A_151 = tpu.memref_squeeze %dma_start3A_150 : memref<1x128xi32, #tpu.memory_space<vmem>> -> memref<128xi32, #tpu.memory_space<vmem>>
        %dma_start3A_152 = tpu.memref_slice %arg3[%add3A_140] : memref<320000xi32, #tpu.memory_space<hbm>> -> memref<128xi32, #tpu.memory_space<hbm>>
        %dma_start3A_153 = arith.constant 0 : i32
        %dma_start3A_154 = tpu.memref_slice %arg9[%sub3A_96, %dma_start3A_153] : memref<2x128xi32, #tpu.memory_space<vmem>> -> memref<1x128xi32, #tpu.memory_space<vmem>>
        %dma_start3A_155 = tpu.memref_squeeze %dma_start3A_154 : memref<1x128xi32, #tpu.memory_space<vmem>> -> memref<128xi32, #tpu.memory_space<vmem>>
        %dma_start3A_156 = tpu.memref_slice %arg3[%add3A_140] : memref<320000xi32, #tpu.memory_space<hbm>> -> memref<128xi32, #tpu.memory_space<hbm>>
        tpu.enqueue_dma source(%dma_start3A_156 : memref<128xi32, #tpu.memory_space<hbm>>) target(%dma_start3A_155 : memref<128xi32, #tpu.memory_space<vmem>>) target_semaphore(%arg14 : memref<!tpu.dma_semaphore, #tpu.memory_space<semaphore_mem>>)
      } else {
      }
      %mul3A_106 = arith.constant 128 : i32
      %mul3A_107 = arith.muli %scan3A_93, %mul3A_106 : i32
      %add3A_108 = arith.addi %add3A, %mul3A_107 : i32
      %dma_wait3A_109 = arith.constant 0 : i32
      %dma_wait3A_110 = tpu.memref_slice %arg8[%rem3A_95, %dma_wait3A_109] : memref<2x128xi32, #tpu.memory_space<vmem>> -> memref<1x128xi32, #tpu.memory_space<vmem>>
      %dma_wait3A_111 = tpu.memref_squeeze %dma_wait3A_110 : memref<1x128xi32, #tpu.memory_space<vmem>> -> memref<128xi32, #tpu.memory_space<vmem>>
      %dma_wait3A_112 = tpu.memref_slice %arg2[%add3A_108] : memref<320000xi32, #tpu.memory_space<hbm>> -> memref<128xi32, #tpu.memory_space<hbm>>
      %dma_wait3A_113 = arith.constant 0 : i32
      %dma_wait3A_114 = tpu.memref_slice %arg8[%rem3A_95, %dma_wait3A_113] : memref<2x128xi32, #tpu.memory_space<vmem>> -> memref<1x128xi32, #tpu.memory_space<vmem>>
      %dma_wait3A_115 = tpu.memref_squeeze %dma_wait3A_114 : memref<1x128xi32, #tpu.memory_space<vmem>> -> memref<128xi32, #tpu.memory_space<vmem>>
      %dma_wait3A_116 = tpu.memref_slice %arg2[%add3A_108] : memref<320000xi32, #tpu.memory_space<hbm>> -> memref<128xi32, #tpu.memory_space<hbm>>
      tpu.wait_dma2 semaphore(%arg14 : memref<!tpu.dma_semaphore, #tpu.memory_space<semaphore_mem>>) src(%dma_wait3A_116 : memref<128xi32, #tpu.memory_space<hbm>>) dst(%dma_wait3A_115 : memref<128xi32, #tpu.memory_space<vmem>>)
      %dma_wait3A_117 = arith.constant 0 : i32
      %dma_wait3A_118 = tpu.memref_slice %arg9[%rem3A_95, %dma_wait3A_117] : memref<2x128xi32, #tpu.memory_space<vmem>> -> memref<1x128xi32, #tpu.memory_space<vmem>>
      %dma_wait3A_119 = tpu.memref_squeeze %dma_wait3A_118 : memref<1x128xi32, #tpu.memory_space<vmem>> -> memref<128xi32, #tpu.memory_space<vmem>>
      %dma_wait3A_120 = tpu.memref_slice %arg3[%add3A_108] : memref<320000xi32, #tpu.memory_space<hbm>> -> memref<128xi32, #tpu.memory_space<hbm>>
      %dma_wait3A_121 = arith.constant 0 : i32
      %dma_wait3A_122 = tpu.memref_slice %arg9[%rem3A_95, %dma_wait3A_121] : memref<2x128xi32, #tpu.memory_space<vmem>> -> memref<1x128xi32, #tpu.memory_space<vmem>>
      %dma_wait3A_123 = tpu.memref_squeeze %dma_wait3A_122 : memref<1x128xi32, #tpu.memory_space<vmem>> -> memref<128xi32, #tpu.memory_space<vmem>>
      %dma_wait3A_124 = tpu.memref_slice %arg3[%add3A_108] : memref<320000xi32, #tpu.memory_space<hbm>> -> memref<128xi32, #tpu.memory_space<hbm>>
      tpu.wait_dma2 semaphore(%arg14 : memref<!tpu.dma_semaphore, #tpu.memory_space<semaphore_mem>>) src(%dma_wait3A_124 : memref<128xi32, #tpu.memory_space<hbm>>) dst(%dma_wait3A_123 : memref<128xi32, #tpu.memory_space<vmem>>)
      %dma_start3A_125 = arith.constant 0 : i32
      %dma_start3A_126 = tpu.memref_slice %arg8[%rem3A_95, %dma_start3A_125] : memref<2x128xi32, #tpu.memory_space<vmem>> -> memref<1x128xi32, #tpu.memory_space<vmem>>
      %dma_start3A_127 = tpu.memref_squeeze %dma_start3A_126 : memref<1x128xi32, #tpu.memory_space<vmem>> -> memref<128xi32, #tpu.memory_space<vmem>>
      %dma_start3A_128 = arith.constant 0 : i32
      %dma_start3A_129 = tpu.memref_slice %arg6[%dma_start3A_128] : memref<10000xf32, #tpu.memory_space<vmem_shared>> -> memref<10000xf32, #tpu.memory_space<vmem_shared>>
      tpu.enqueue_indirect_dma source(%arg10 : memref<128xf32, #tpu.memory_space<vmem>>) target(%dma_start3A_129 : memref<10000xf32, #tpu.memory_space<vmem_shared>>) offsets(%dma_start3A_127 : memref<128xi32, #tpu.memory_space<vmem>>) semaphore(%arg15 : memref<!tpu.dma_semaphore, #tpu.memory_space<semaphore_mem>>) {add = true}
      %dma_start3A_130 = arith.constant 0 : i32
      %dma_start3A_131 = tpu.memref_slice %arg9[%rem3A_95, %dma_start3A_130] : memref<2x128xi32, #tpu.memory_space<vmem>> -> memref<1x128xi32, #tpu.memory_space<vmem>>
      %dma_start3A_132 = tpu.memref_squeeze %dma_start3A_131 : memref<1x128xi32, #tpu.memory_space<vmem>> -> memref<128xi32, #tpu.memory_space<vmem>>
      %dma_start3A_133 = arith.constant 0 : i32
      %dma_start3A_134 = tpu.memref_slice %arg7[%dma_start3A_133] : memref<10000xf32, #tpu.memory_space<vmem_shared>> -> memref<10000xf32, #tpu.memory_space<vmem_shared>>
      tpu.enqueue_indirect_dma source(%arg10 : memref<128xf32, #tpu.memory_space<vmem>>) target(%dma_start3A_134 : memref<10000xf32, #tpu.memory_space<vmem_shared>>) offsets(%dma_start3A_132 : memref<128xi32, #tpu.memory_space<vmem>>) semaphore(%arg15 : memref<!tpu.dma_semaphore, #tpu.memory_space<semaphore_mem>>) {add = true}
      %scan3A_135 = arith.constant 0 : i32
      scf.yield %scan3A_135 : i32
    }
    %scan3A_57 = arith.constant 78 : i32
    %add3A_58 = arith.constant 9856 : i32
    %add3A_59 = arith.addi %add3A, %add3A_58 : i32
    %dma_wait3A = arith.constant 1 : i32
    %dma_wait3A_60 = arith.constant 0 : i32
    %dma_wait3A_61 = tpu.memref_slice %arg8[%dma_wait3A, %dma_wait3A_60] : memref<2x128xi32, #tpu.memory_space<vmem>> -> memref<1x128xi32, #tpu.memory_space<vmem>>
    %dma_wait3A_62 = tpu.memref_squeeze %dma_wait3A_61 : memref<1x128xi32, #tpu.memory_space<vmem>> -> memref<128xi32, #tpu.memory_space<vmem>>
    %dma_wait3A_63 = tpu.memref_slice %arg2[%add3A_59] : memref<320000xi32, #tpu.memory_space<hbm>> -> memref<128xi32, #tpu.memory_space<hbm>>
    %dma_wait3A_64 = arith.constant 0 : i32
    %dma_wait3A_65 = tpu.memref_slice %arg8[%dma_wait3A, %dma_wait3A_64] : memref<2x128xi32, #tpu.memory_space<vmem>> -> memref<1x128xi32, #tpu.memory_space<vmem>>
    %dma_wait3A_66 = tpu.memref_squeeze %dma_wait3A_65 : memref<1x128xi32, #tpu.memory_space<vmem>> -> memref<128xi32, #tpu.memory_space<vmem>>
    %dma_wait3A_67 = tpu.memref_slice %arg2[%add3A_59] : memref<320000xi32, #tpu.memory_space<hbm>> -> memref<128xi32, #tpu.memory_space<hbm>>
    tpu.wait_dma2 semaphore(%arg15 : memref<!tpu.dma_semaphore, #tpu.memory_space<semaphore_mem>>) src(%dma_wait3A_67 : memref<128xi32, #tpu.memory_space<hbm>>) dst(%dma_wait3A_66 : memref<128xi32, #tpu.memory_space<vmem>>)
    %dma_wait3A_68 = arith.constant 1 : i32
    %dma_wait3A_69 = arith.constant 0 : i32
    %dma_wait3A_70 = tpu.memref_slice %arg9[%dma_wait3A_68, %dma_wait3A_69] : memref<2x128xi32, #tpu.memory_space<vmem>> -> memref<1x128xi32, #tpu.memory_space<vmem>>
    %dma_wait3A_71 = tpu.memref_squeeze %dma_wait3A_70 : memref<1x128xi32, #tpu.memory_space<vmem>> -> memref<128xi32, #tpu.memory_space<vmem>>
    %dma_wait3A_72 = tpu.memref_slice %arg3[%add3A_59] : memref<320000xi32, #tpu.memory_space<hbm>> -> memref<128xi32, #tpu.memory_space<hbm>>
    %dma_wait3A_73 = arith.constant 0 : i32
    %dma_wait3A_74 = tpu.memref_slice %arg9[%dma_wait3A_68, %dma_wait3A_73] : memref<2x128xi32, #tpu.memory_space<vmem>> -> memref<1x128xi32, #tpu.memory_space<vmem>>
    %dma_wait3A_75 = tpu.memref_squeeze %dma_wait3A_74 : memref<1x128xi32, #tpu.memory_space<vmem>> -> memref<128xi32, #tpu.memory_space<vmem>>
    %dma_wait3A_76 = tpu.memref_slice %arg3[%add3A_59] : memref<320000xi32, #tpu.memory_space<hbm>> -> memref<128xi32, #tpu.memory_space<hbm>>
    tpu.wait_dma2 semaphore(%arg15 : memref<!tpu.dma_semaphore, #tpu.memory_space<semaphore_mem>>) src(%dma_wait3A_76 : memref<128xi32, #tpu.memory_space<hbm>>) dst(%dma_wait3A_75 : memref<128xi32, #tpu.memory_space<vmem>>)
    %add3A_77 = arith.constant 9984 : i32
    %add3A_78 = arith.addi %add3A, %add3A_77 : i32
    "tpu.region"() ({
      %run_scoped3A = tpu.sem_alloc : memref<!tpu.dma_semaphore, #tpu.memory_space<semaphore_mem>>
      %dma_start3A_93 = tpu.memref_slice %arg2[%add3A_78] : memref<320000xi32, #tpu.memory_space<hbm>> -> memref<16xi32, #tpu.memory_space<hbm>>
      %dma_start3A_94 = tpu.memref_slice %arg2[%add3A_78] : memref<320000xi32, #tpu.memory_space<hbm>> -> memref<16xi32, #tpu.memory_space<hbm>>
      tpu.enqueue_dma source(%dma_start3A_94 : memref<16xi32, #tpu.memory_space<hbm>>) target(%arg11 : memref<16xi32, #tpu.memory_space<vmem>>) target_semaphore(%run_scoped3A : memref<!tpu.dma_semaphore, #tpu.memory_space<semaphore_mem>>)
      %dma_wait3A_95 = tpu.memref_slice %arg2[%add3A_78] : memref<320000xi32, #tpu.memory_space<hbm>> -> memref<16xi32, #tpu.memory_space<hbm>>
      %dma_wait3A_96 = tpu.memref_slice %arg2[%add3A_78] : memref<320000xi32, #tpu.memory_space<hbm>> -> memref<16xi32, #tpu.memory_space<hbm>>
      tpu.wait_dma2 semaphore(%run_scoped3A : memref<!tpu.dma_semaphore, #tpu.memory_space<semaphore_mem>>) src(%dma_wait3A_96 : memref<16xi32, #tpu.memory_space<hbm>>) dst(%arg11 : memref<16xi32, #tpu.memory_space<vmem>>)
      tpu.yield
    }) : () -> ()
    "tpu.region"() ({
      %run_scoped3A = tpu.sem_alloc : memref<!tpu.dma_semaphore, #tpu.memory_space<semaphore_mem>>
      %dma_start3A_93 = arith.constant 0 : i32
      %dma_start3A_94 = tpu.memref_slice %arg6[%dma_start3A_93] : memref<10000xf32, #tpu.memory_space<vmem_shared>> -> memref<10000xf32, #tpu.memory_space<vmem_shared>>
      tpu.enqueue_indirect_dma source(%arg12 : memref<16xf32, #tpu.memory_space<vmem>>) target(%dma_start3A_94 : memref<10000xf32, #tpu.memory_space<vmem_shared>>) offsets(%arg11 : memref<16xi32, #tpu.memory_space<vmem>>) semaphore(%run_scoped3A : memref<!tpu.dma_semaphore, #tpu.memory_space<semaphore_mem>>) {add = true}
      %dma_wait3A_95 = arith.constant 0 : i32
      %dma_wait3A_96 = tpu.memref_slice %arg6[%dma_wait3A_95] : memref<10000xf32, #tpu.memory_space<vmem_shared>> -> memref<10000xf32, #tpu.memory_space<vmem_shared>>
      tpu.wait_indirect_dma semaphore(%run_scoped3A : memref<!tpu.dma_semaphore, #tpu.memory_space<semaphore_mem>>) src(%arg12 : memref<16xf32, #tpu.memory_space<vmem>>) dst(%dma_wait3A_96 : memref<10000xf32, #tpu.memory_space<vmem_shared>>)
      tpu.yield
    }) : () -> ()
    "tpu.region"() ({
      %run_scoped3A = tpu.sem_alloc : memref<!tpu.dma_semaphore, #tpu.memory_space<semaphore_mem>>
      %dma_start3A_93 = tpu.memref_slice %arg3[%add3A_78] : memref<320000xi32, #tpu.memory_space<hbm>> -> memref<16xi32, #tpu.memory_space<hbm>>
      %dma_start3A_94 = tpu.memref_slice %arg3[%add3A_78] : memref<320000xi32, #tpu.memory_space<hbm>> -> memref<16xi32, #tpu.memory_space<hbm>>
      tpu.enqueue_dma source(%dma_start3A_94 : memref<16xi32, #tpu.memory_space<hbm>>) target(%arg11 : memref<16xi32, #tpu.memory_space<vmem>>) target_semaphore(%run_scoped3A : memref<!tpu.dma_semaphore, #tpu.memory_space<semaphore_mem>>)
      %dma_wait3A_95 = tpu.memref_slice %arg3[%add3A_78] : memref<320000xi32, #tpu.memory_space<hbm>> -> memref<16xi32, #tpu.memory_space<hbm>>
      %dma_wait3A_96 = tpu.memref_slice %arg3[%add3A_78] : memref<320000xi32, #tpu.memory_space<hbm>> -> memref<16xi32, #tpu.memory_space<hbm>>
      tpu.wait_dma2 semaphore(%run_scoped3A : memref<!tpu.dma_semaphore, #tpu.memory_space<semaphore_mem>>) src(%dma_wait3A_96 : memref<16xi32, #tpu.memory_space<hbm>>) dst(%arg11 : memref<16xi32, #tpu.memory_space<vmem>>)
      tpu.yield
    }) : () -> ()
    "tpu.region"() ({
      %run_scoped3A = tpu.sem_alloc : memref<!tpu.dma_semaphore, #tpu.memory_space<semaphore_mem>>
      %dma_start3A_93 = arith.constant 0 : i32
      %dma_start3A_94 = tpu.memref_slice %arg7[%dma_start3A_93] : memref<10000xf32, #tpu.memory_space<vmem_shared>> -> memref<10000xf32, #tpu.memory_space<vmem_shared>>
      tpu.enqueue_indirect_dma source(%arg12 : memref<16xf32, #tpu.memory_space<vmem>>) target(%dma_start3A_94 : memref<10000xf32, #tpu.memory_space<vmem_shared>>) offsets(%arg11 : memref<16xi32, #tpu.memory_space<vmem>>) semaphore(%run_scoped3A : memref<!tpu.dma_semaphore, #tpu.memory_space<semaphore_mem>>) {add = true}
      %dma_wait3A_95 = arith.constant 0 : i32
      %dma_wait3A_96 = tpu.memref_slice %arg7[%dma_wait3A_95] : memref<10000xf32, #tpu.memory_space<vmem_shared>> -> memref<10000xf32, #tpu.memory_space<vmem_shared>>
      tpu.wait_indirect_dma semaphore(%run_scoped3A : memref<!tpu.dma_semaphore, #tpu.memory_space<semaphore_mem>>) src(%arg12 : memref<16xf32, #tpu.memory_space<vmem>>) dst(%dma_wait3A_96 : memref<10000xf32, #tpu.memory_space<vmem_shared>>)
      tpu.yield
    }) : () -> ()
    %barrier3A_79 = arith.constant 0 : index
    tpu.barrier barrier_id(%barrier3A_79)
    %lt3A_80 = arith.constant 5 : i32
    %lt3A_81 = arith.cmpi slt, %arg1, %lt3A_80 : i32
    %convert_element_type3A_82 = arith.extui %lt3A_81 : i1 to i32
    %cond3A_83 = arith.constant 0 : i32
    %cond3A_84 = arith.cmpi ne, %convert_element_type3A_82, %cond3A_83 : i32
    scf.if %cond3A_84 {
      %mul3A_93 = arith.constant 2000 : i32
      %mul3A_94 = arith.muli %arg1, %mul3A_93 : i32
      "tpu.region"() ({
        %run_scoped3A = tpu.sem_alloc : memref<!tpu.dma_semaphore, #tpu.memory_space<semaphore_mem>>
        %dma_start3A_100 = tpu.memref_slice %arg6[%mul3A_94] : memref<10000xf32, #tpu.memory_space<vmem_shared>> -> memref<2000xf32, #tpu.memory_space<vmem_shared>>
        %dma_start3A_101 = tpu.memref_slice %arg6[%mul3A_94] : memref<10000xf32, #tpu.memory_space<vmem_shared>> -> memref<2000xf32, #tpu.memory_space<vmem_shared>>
        tpu.enqueue_dma source(%dma_start3A_101 : memref<2000xf32, #tpu.memory_space<vmem_shared>>) target(%arg13 : memref<2000xf32, #tpu.memory_space<vmem>>) target_semaphore(%run_scoped3A : memref<!tpu.dma_semaphore, #tpu.memory_space<semaphore_mem>>)
        %dma_wait3A_102 = tpu.memref_slice %arg6[%mul3A_94] : memref<10000xf32, #tpu.memory_space<vmem_shared>> -> memref<2000xf32, #tpu.memory_space<vmem_shared>>
        %dma_wait3A_103 = tpu.memref_slice %arg6[%mul3A_94] : memref<10000xf32, #tpu.memory_space<vmem_shared>> -> memref<2000xf32, #tpu.memory_space<vmem_shared>>
        tpu.wait_dma2 semaphore(%run_scoped3A : memref<!tpu.dma_semaphore, #tpu.memory_space<semaphore_mem>>) src(%dma_wait3A_103 : memref<2000xf32, #tpu.memory_space<vmem_shared>>) dst(%arg13 : memref<2000xf32, #tpu.memory_space<vmem>>)
        tpu.yield
      }) : () -> ()
      %mul3A_95 = arith.constant 10000 : i32
      %mul3A_96 = arith.muli %arg0, %mul3A_95 : i32
      %mul3A_97 = arith.constant 2000 : i32
      %mul3A_98 = arith.muli %arg1, %mul3A_97 : i32
      %add3A_99 = arith.addi %mul3A_96, %mul3A_98 : i32
      "tpu.region"() ({
        %run_scoped3A = tpu.sem_alloc : memref<!tpu.dma_semaphore, #tpu.memory_space<semaphore_mem>>
        %dma_start3A_100 = tpu.memref_slice %arg4[%add3A_99] : memref<20000xf32, #tpu.memory_space<hbm>> -> memref<2000xf32, #tpu.memory_space<hbm>>
        %dma_start3A_101 = tpu.memref_slice %arg4[%add3A_99] : memref<20000xf32, #tpu.memory_space<hbm>> -> memref<2000xf32, #tpu.memory_space<hbm>>
        tpu.enqueue_dma source(%arg13 : memref<2000xf32, #tpu.memory_space<vmem>>) target(%dma_start3A_101 : memref<2000xf32, #tpu.memory_space<hbm>>) target_semaphore(%run_scoped3A : memref<!tpu.dma_semaphore, #tpu.memory_space<semaphore_mem>>)
        %dma_wait3A_102 = tpu.memref_slice %arg4[%add3A_99] : memref<20000xf32, #tpu.memory_space<hbm>> -> memref<2000xf32, #tpu.memory_space<hbm>>
        %dma_wait3A_103 = tpu.memref_slice %arg4[%add3A_99] : memref<20000xf32, #tpu.memory_space<hbm>> -> memref<2000xf32, #tpu.memory_space<hbm>>
        tpu.wait_dma2 semaphore(%run_scoped3A : memref<!tpu.dma_semaphore, #tpu.memory_space<semaphore_mem>>) src(%arg13 : memref<2000xf32, #tpu.memory_space<vmem>>) dst(%dma_wait3A_103 : memref<2000xf32, #tpu.memory_space<hbm>>)
        tpu.yield
      }) : () -> ()
    } else {
    }
    %ge3A_85 = arith.constant 5 : i32
    %ge3A_86 = arith.cmpi sge, %arg1, %ge3A_85 : i32
    %lt3A_87 = arith.constant 10 : i32
    %lt3A_88 = arith.cmpi slt, %arg1, %lt3A_87 : i32
    %and3A_89 = arith.andi %ge3A_86, %lt3A_88 : i1
    %convert_element_type3A_90 = arith.extui %and3A_89 : i1 to i32
    %cond3A_91 = arith.constant 0 : i32
    %cond3A_92 = arith.cmpi ne, %convert_element_type3A_90, %cond3A_91 : i32
    scf.if %cond3A_92 {
      %sub3A = arith.constant 5 : i32
      %sub3A_93 = arith.subi %arg1, %sub3A : i32
      %mul3A_94 = arith.constant 2000 : i32
      %mul3A_95 = arith.muli %sub3A_93, %mul3A_94 : i32
      "tpu.region"() ({
        %run_scoped3A = tpu.sem_alloc : memref<!tpu.dma_semaphore, #tpu.memory_space<semaphore_mem>>
        %dma_start3A_103 = tpu.memref_slice %arg7[%mul3A_95] : memref<10000xf32, #tpu.memory_space<vmem_shared>> -> memref<2000xf32, #tpu.memory_space<vmem_shared>>
        %dma_start3A_104 = tpu.memref_slice %arg7[%mul3A_95] : memref<10000xf32, #tpu.memory_space<vmem_shared>> -> memref<2000xf32, #tpu.memory_space<vmem_shared>>
        tpu.enqueue_dma source(%dma_start3A_104 : memref<2000xf32, #tpu.memory_space<vmem_shared>>) target(%arg13 : memref<2000xf32, #tpu.memory_space<vmem>>) target_semaphore(%run_scoped3A : memref<!tpu.dma_semaphore, #tpu.memory_space<semaphore_mem>>)
        %dma_wait3A_105 = tpu.memref_slice %arg7[%mul3A_95] : memref<10000xf32, #tpu.memory_space<vmem_shared>> -> memref<2000xf32, #tpu.memory_space<vmem_shared>>
        %dma_wait3A_106 = tpu.memref_slice %arg7[%mul3A_95] : memref<10000xf32, #tpu.memory_space<vmem_shared>> -> memref<2000xf32, #tpu.memory_space<vmem_shared>>
        tpu.wait_dma2 semaphore(%run_scoped3A : memref<!tpu.dma_semaphore, #tpu.memory_space<semaphore_mem>>) src(%dma_wait3A_106 : memref<2000xf32, #tpu.memory_space<vmem_shared>>) dst(%arg13 : memref<2000xf32, #tpu.memory_space<vmem>>)
        tpu.yield
      }) : () -> ()
      %mul3A_96 = arith.constant 10000 : i32
      %mul3A_97 = arith.muli %arg0, %mul3A_96 : i32
      %sub3A_98 = arith.constant 5 : i32
      %sub3A_99 = arith.subi %arg1, %sub3A_98 : i32
      %mul3A_100 = arith.constant 2000 : i32
      %mul3A_101 = arith.muli %sub3A_99, %mul3A_100 : i32
      %add3A_102 = arith.addi %mul3A_97, %mul3A_101 : i32
      "tpu.region"() ({
        %run_scoped3A = tpu.sem_alloc : memref<!tpu.dma_semaphore, #tpu.memory_space<semaphore_mem>>
        %dma_start3A_103 = tpu.memref_slice %arg5[%add3A_102] : memref<20000xf32, #tpu.memory_space<hbm>> -> memref<2000xf32, #tpu.memory_space<hbm>>
        %dma_start3A_104 = tpu.memref_slice %arg5[%add3A_102] : memref<20000xf32, #tpu.memory_space<hbm>> -> memref<2000xf32, #tpu.memory_space<hbm>>
        tpu.enqueue_dma source(%arg13 : memref<2000xf32, #tpu.memory_space<vmem>>) target(%dma_start3A_104 : memref<2000xf32, #tpu.memory_space<hbm>>) target_semaphore(%run_scoped3A : memref<!tpu.dma_semaphore, #tpu.memory_space<semaphore_mem>>)
        %dma_wait3A_105 = tpu.memref_slice %arg5[%add3A_102] : memref<20000xf32, #tpu.memory_space<hbm>> -> memref<2000xf32, #tpu.memory_space<hbm>>
        %dma_wait3A_106 = tpu.memref_slice %arg5[%add3A_102] : memref<20000xf32, #tpu.memory_space<hbm>> -> memref<2000xf32, #tpu.memory_space<hbm>>
        tpu.wait_dma2 semaphore(%run_scoped3A : memref<!tpu.dma_semaphore, #tpu.memory_space<semaphore_mem>>) src(%arg13 : memref<2000xf32, #tpu.memory_space<vmem>>) dst(%dma_wait3A_106 : memref<2000xf32, #tpu.memory_space<hbm>>)
        tpu.yield
      }) : () -> ()
    } else {
    }
    return
  }
}

#map = affine_map<(d0, d1) -> (0, 0)>
#map1 = affine_map<(d0, d1) -> (0)>
#map2 = affine_map<(d0, d1) -> (0, 0, 0)>
module attributes {stable_mosaic.version = 14 : i64} {
  func.func @_k3(%arg0: i32, %arg1: i32, %arg2: memref<10000x128xf32, #tpu.memory_space<hbm>>, %arg3: memref<320000xi32, #tpu.memory_space<hbm>>, %arg4: memref<320000xi32, #tpu.memory_space<hbm>>, %arg5: memref<2x10240x128xf32, #tpu.memory_space<hbm>>, %arg6: memref<10240x128xf32, #tpu.memory_space<vmem_shared>>, %arg7: memref<4x80xi32, #tpu.memory_space<vmem>>, %arg8: memref<4x80xi32, #tpu.memory_space<vmem>>, %arg9: memref<3x80x128xf32, #tpu.memory_space<vmem>>, %arg10: memref<40x128xf32, #tpu.memory_space<vmem>>, %arg11: memref<!tpu.dma_semaphore, #tpu.memory_space<semaphore_mem>>, %arg12: memref<!tpu.dma_semaphore, #tpu.memory_space<semaphore_mem>>) attributes {dimension_semantics = [#tpu.dimension_semantics<core_parallel>, #tpu.dimension_semantics<subcore_parallel>], iteration_bounds = array<i64: 2, 16>, scalar_prefetch = 0 : i64, scratch_operands = 7 : i64, tpu.core_type = #tpu.core_type<sc_vector_subcore>, window_params = [{transform_indices = #map}, {transform_indices = #map1}, {transform_indices = #map1}, {transform_indices = #map2}]} {
    %scan3A = arith.constant 0 : i32
    %scan3A_0 = arith.constant 0 : i32
    %scan3A_1 = arith.constant 40 : i32
    %scan3A_2 = arith.addi %scan3A_0, %scan3A_1 : i32
    %scan3A_3 = arith.constant 1 : i32
    %scan3A_4 = scf.for %scan3A_267 = %scan3A_0 to %scan3A_2 step %scan3A_3 iter_args(%scan3A_268 = %scan3A) -> (i32)  : i32 {
      %scan3A_269 = arith.constant 0 : i32
      %scan3A_270 = arith.constant 0 : i32
      %scan3A_271 = arith.constant 8 : i32
      %scan3A_272 = arith.addi %scan3A_270, %scan3A_271 : i32
      %scan3A_273 = arith.constant 1 : i32
      %scan3A_274 = scf.for %scan3A_277 = %scan3A_270 to %scan3A_272 step %scan3A_273 iter_args(%scan3A_278 = %scan3A_269) -> (i32)  : i32 {
        %broadcast_in_dim3A = arith.constant 0.000000e+00 : f32
        %broadcast_in_dim3A_279 = vector.broadcast %broadcast_in_dim3A : f32 to vector<16xf32>
        %mul3A_280 = arith.constant 16 : i32
        %mul3A_281 = arith.muli %scan3A_277, %mul3A_280 : i32
        %swap3A = arith.index_cast %scan3A_267 : i32 to index
        %swap3A_282 = arith.index_cast %mul3A_281 : i32 to index
        %swap3A_283 = tpu.vector_load %arg10[%swap3A, %swap3A_282] {strides = array<i32>} : memref<40x128xf32, #tpu.memory_space<vmem>>, vector<1x16xf32>,
        %swap3A_284 = vector.shape_cast %swap3A_283 : vector<1x16xf32> to vector<16xf32>
        %swap3A_285 = vector.shape_cast %broadcast_in_dim3A_279 : vector<16xf32> to vector<1x16xf32>
        tpu.vector_store %arg10[%swap3A, %swap3A_282], %swap3A_285 {strides = array<i32>} : memref<40x128xf32, #tpu.memory_space<vmem>>, vector<1x16xf32>,
        %scan3A_286 = arith.constant 0 : i32
        scf.yield %scan3A_286 : i32
      }
      %scan3A_275 = arith.constant 8 : i32
      %scan3A_276 = arith.constant 0 : i32
      scf.yield %scan3A_276 : i32
    }
    %scan3A_5 = arith.constant 40 : i32
    %mul3A = arith.constant 640 : i32
    %mul3A_6 = arith.muli %arg1, %mul3A : i32
    %add3A = arith.constant 0 : i32
    %add3A_7 = arith.addi %mul3A_6, %add3A : i32
    "tpu.region"() ({
      %run_scoped3A = tpu.sem_alloc : memref<!tpu.dma_semaphore, #tpu.memory_space<semaphore_mem>>
      %dma_start3A_267 = arith.constant 0 : i32
      %dma_start3A_268 = tpu.memref_slice %arg6[%add3A_7, %dma_start3A_267] : memref<10240x128xf32, #tpu.memory_space<vmem_shared>> -> memref<40x128xf32, #tpu.memory_space<vmem_shared>>
      %dma_start3A_269 = arith.constant 0 : i32
      %dma_start3A_270 = tpu.memref_slice %arg6[%add3A_7, %dma_start3A_269] : memref<10240x128xf32, #tpu.memory_space<vmem_shared>> -> memref<40x128xf32, #tpu.memory_space<vmem_shared>>
      tpu.enqueue_dma source(%arg10 : memref<40x128xf32, #tpu.memory_space<vmem>>) target(%dma_start3A_270 : memref<40x128xf32, #tpu.memory_space<vmem_shared>>) target_semaphore(%run_scoped3A : memref<!tpu.dma_semaphore, #tpu.memory_space<semaphore_mem>>)
      %dma_wait3A_271 = arith.constant 0 : i32
      %dma_wait3A_272 = tpu.memref_slice %arg6[%add3A_7, %dma_wait3A_271] : memref<10240x128xf32, #tpu.memory_space<vmem_shared>> -> memref<40x128xf32, #tpu.memory_space<vmem_shared>>
      %dma_wait3A_273 = arith.constant 0 : i32
      %dma_wait3A_274 = tpu.memref_slice %arg6[%add3A_7, %dma_wait3A_273] : memref<10240x128xf32, #tpu.memory_space<vmem_shared>> -> memref<40x128xf32, #tpu.memory_space<vmem_shared>>
      tpu.wait_dma2 semaphore(%run_scoped3A : memref<!tpu.dma_semaphore, #tpu.memory_space<semaphore_mem>>) src(%arg10 : memref<40x128xf32, #tpu.memory_space<vmem>>) dst(%dma_wait3A_274 : memref<40x128xf32, #tpu.memory_space<vmem_shared>>)
      tpu.yield
    }) : () -> ()
    %mul3A_8 = arith.constant 640 : i32
    %mul3A_9 = arith.muli %arg1, %mul3A_8 : i32
    %add3A_10 = arith.constant 40 : i32
    %add3A_11 = arith.addi %mul3A_9, %add3A_10 : i32
    "tpu.region"() ({
      %run_scoped3A = tpu.sem_alloc : memref<!tpu.dma_semaphore, #tpu.memory_space<semaphore_mem>>
      %dma_start3A_267 = arith.constant 0 : i32
      %dma_start3A_268 = tpu.memref_slice %arg6[%add3A_11, %dma_start3A_267] : memref<10240x128xf32, #tpu.memory_space<vmem_shared>> -> memref<40x128xf32, #tpu.memory_space<vmem_shared>>
      %dma_start3A_269 = arith.constant 0 : i32
      %dma_start3A_270 = tpu.memref_slice %arg6[%add3A_11, %dma_start3A_269] : memref<10240x128xf32, #tpu.memory_space<vmem_shared>> -> memref<40x128xf32, #tpu.memory_space<vmem_shared>>
      tpu.enqueue_dma source(%arg10 : memref<40x128xf32, #tpu.memory_space<vmem>>) target(%dma_start3A_270 : memref<40x128xf32, #tpu.memory_space<vmem_shared>>) target_semaphore(%run_scoped3A : memref<!tpu.dma_semaphore, #tpu.memory_space<semaphore_mem>>)
      %dma_wait3A_271 = arith.constant 0 : i32
      %dma_wait3A_272 = tpu.memref_slice %arg6[%add3A_11, %dma_wait3A_271] : memref<10240x128xf32, #tpu.memory_space<vmem_shared>> -> memref<40x128xf32, #tpu.memory_space<vmem_shared>>
      %dma_wait3A_273 = arith.constant 0 : i32
      %dma_wait3A_274 = tpu.memref_slice %arg6[%add3A_11, %dma_wait3A_273] : memref<10240x128xf32, #tpu.memory_space<vmem_shared>> -> memref<40x128xf32, #tpu.memory_space<vmem_shared>>
      tpu.wait_dma2 semaphore(%run_scoped3A : memref<!tpu.dma_semaphore, #tpu.memory_space<semaphore_mem>>) src(%arg10 : memref<40x128xf32, #tpu.memory_space<vmem>>) dst(%dma_wait3A_274 : memref<40x128xf32, #tpu.memory_space<vmem_shared>>)
      tpu.yield
    }) : () -> ()
    %mul3A_12 = arith.constant 640 : i32
    %mul3A_13 = arith.muli %arg1, %mul3A_12 : i32
    %add3A_14 = arith.constant 80 : i32
    %add3A_15 = arith.addi %mul3A_13, %add3A_14 : i32
    "tpu.region"() ({
      %run_scoped3A = tpu.sem_alloc : memref<!tpu.dma_semaphore, #tpu.memory_space<semaphore_mem>>
      %dma_start3A_267 = arith.constant 0 : i32
      %dma_start3A_268 = tpu.memref_slice %arg6[%add3A_15, %dma_start3A_267] : memref<10240x128xf32, #tpu.memory_space<vmem_shared>> -> memref<40x128xf32, #tpu.memory_space<vmem_shared>>
      %dma_start3A_269 = arith.constant 0 : i32
      %dma_start3A_270 = tpu.memref_slice %arg6[%add3A_15, %dma_start3A_269] : memref<10240x128xf32, #tpu.memory_space<vmem_shared>> -> memref<40x128xf32, #tpu.memory_space<vmem_shared>>
      tpu.enqueue_dma source(%arg10 : memref<40x128xf32, #tpu.memory_space<vmem>>) target(%dma_start3A_270 : memref<40x128xf32, #tpu.memory_space<vmem_shared>>) target_semaphore(%run_scoped3A : memref<!tpu.dma_semaphore, #tpu.memory_space<semaphore_mem>>)
      %dma_wait3A_271 = arith.constant 0 : i32
      %dma_wait3A_272 = tpu.memref_slice %arg6[%add3A_15, %dma_wait3A_271] : memref<10240x128xf32, #tpu.memory_space<vmem_shared>> -> memref<40x128xf32, #tpu.memory_space<vmem_shared>>
      %dma_wait3A_273 = arith.constant 0 : i32
      %dma_wait3A_274 = tpu.memref_slice %arg6[%add3A_15, %dma_wait3A_273] : memref<10240x128xf32, #tpu.memory_space<vmem_shared>> -> memref<40x128xf32, #tpu.memory_space<vmem_shared>>
      tpu.wait_dma2 semaphore(%run_scoped3A : memref<!tpu.dma_semaphore, #tpu.memory_space<semaphore_mem>>) src(%arg10 : memref<40x128xf32, #tpu.memory_space<vmem>>) dst(%dma_wait3A_274 : memref<40x128xf32, #tpu.memory_space<vmem_shared>>)
      tpu.yield
    }) : () -> ()
    %mul3A_16 = arith.constant 640 : i32
    %mul3A_17 = arith.muli %arg1, %mul3A_16 : i32
    %add3A_18 = arith.constant 120 : i32
    %add3A_19 = arith.addi %mul3A_17, %add3A_18 : i32
    "tpu.region"() ({
      %run_scoped3A = tpu.sem_alloc : memref<!tpu.dma_semaphore, #tpu.memory_space<semaphore_mem>>
      %dma_start3A_267 = arith.constant 0 : i32
      %dma_start3A_268 = tpu.memref_slice %arg6[%add3A_19, %dma_start3A_267] : memref<10240x128xf32, #tpu.memory_space<vmem_shared>> -> memref<40x128xf32, #tpu.memory_space<vmem_shared>>
      %dma_start3A_269 = arith.constant 0 : i32
      %dma_start3A_270 = tpu.memref_slice %arg6[%add3A_19, %dma_start3A_269] : memref<10240x128xf32, #tpu.memory_space<vmem_shared>> -> memref<40x128xf32, #tpu.memory_space<vmem_shared>>
      tpu.enqueue_dma source(%arg10 : memref<40x128xf32, #tpu.memory_space<vmem>>) target(%dma_start3A_270 : memref<40x128xf32, #tpu.memory_space<vmem_shared>>) target_semaphore(%run_scoped3A : memref<!tpu.dma_semaphore, #tpu.memory_space<semaphore_mem>>)
      %dma_wait3A_271 = arith.constant 0 : i32
      %dma_wait3A_272 = tpu.memref_slice %arg6[%add3A_19, %dma_wait3A_271] : memref<10240x128xf32, #tpu.memory_space<vmem_shared>> -> memref<40x128xf32, #tpu.memory_space<vmem_shared>>
      %dma_wait3A_273 = arith.constant 0 : i32
      %dma_wait3A_274 = tpu.memref_slice %arg6[%add3A_19, %dma_wait3A_273] : memref<10240x128xf32, #tpu.memory_space<vmem_shared>> -> memref<40x128xf32, #tpu.memory_space<vmem_shared>>
      tpu.wait_dma2 semaphore(%run_scoped3A : memref<!tpu.dma_semaphore, #tpu.memory_space<semaphore_mem>>) src(%arg10 : memref<40x128xf32, #tpu.memory_space<vmem>>) dst(%dma_wait3A_274 : memref<40x128xf32, #tpu.memory_space<vmem_shared>>)
      tpu.yield
    }) : () -> ()
    %mul3A_20 = arith.constant 640 : i32
    %mul3A_21 = arith.muli %arg1, %mul3A_20 : i32
    %add3A_22 = arith.constant 160 : i32
    %add3A_23 = arith.addi %mul3A_21, %add3A_22 : i32
    "tpu.region"() ({
      %run_scoped3A = tpu.sem_alloc : memref<!tpu.dma_semaphore, #tpu.memory_space<semaphore_mem>>
      %dma_start3A_267 = arith.constant 0 : i32
      %dma_start3A_268 = tpu.memref_slice %arg6[%add3A_23, %dma_start3A_267] : memref<10240x128xf32, #tpu.memory_space<vmem_shared>> -> memref<40x128xf32, #tpu.memory_space<vmem_shared>>
      %dma_start3A_269 = arith.constant 0 : i32
      %dma_start3A_270 = tpu.memref_slice %arg6[%add3A_23, %dma_start3A_269] : memref<10240x128xf32, #tpu.memory_space<vmem_shared>> -> memref<40x128xf32, #tpu.memory_space<vmem_shared>>
      tpu.enqueue_dma source(%arg10 : memref<40x128xf32, #tpu.memory_space<vmem>>) target(%dma_start3A_270 : memref<40x128xf32, #tpu.memory_space<vmem_shared>>) target_semaphore(%run_scoped3A : memref<!tpu.dma_semaphore, #tpu.memory_space<semaphore_mem>>)
      %dma_wait3A_271 = arith.constant 0 : i32
      %dma_wait3A_272 = tpu.memref_slice %arg6[%add3A_23, %dma_wait3A_271] : memref<10240x128xf32, #tpu.memory_space<vmem_shared>> -> memref<40x128xf32, #tpu.memory_space<vmem_shared>>
      %dma_wait3A_273 = arith.constant 0 : i32
      %dma_wait3A_274 = tpu.memref_slice %arg6[%add3A_23, %dma_wait3A_273] : memref<10240x128xf32, #tpu.memory_space<vmem_shared>> -> memref<40x128xf32, #tpu.memory_space<vmem_shared>>
      tpu.wait_dma2 semaphore(%run_scoped3A : memref<!tpu.dma_semaphore, #tpu.memory_space<semaphore_mem>>) src(%arg10 : memref<40x128xf32, #tpu.memory_space<vmem>>) dst(%dma_wait3A_274 : memref<40x128xf32, #tpu.memory_space<vmem_shared>>)
      tpu.yield
    }) : () -> ()
    %mul3A_24 = arith.constant 640 : i32
    %mul3A_25 = arith.muli %arg1, %mul3A_24 : i32
    %add3A_26 = arith.constant 200 : i32
    %add3A_27 = arith.addi %mul3A_25, %add3A_26 : i32
    "tpu.region"() ({
      %run_scoped3A = tpu.sem_alloc : memref<!tpu.dma_semaphore, #tpu.memory_space<semaphore_mem>>
      %dma_start3A_267 = arith.constant 0 : i32
      %dma_start3A_268 = tpu.memref_slice %arg6[%add3A_27, %dma_start3A_267] : memref<10240x128xf32, #tpu.memory_space<vmem_shared>> -> memref<40x128xf32, #tpu.memory_space<vmem_shared>>
      %dma_start3A_269 = arith.constant 0 : i32
      %dma_start3A_270 = tpu.memref_slice %arg6[%add3A_27, %dma_start3A_269] : memref<10240x128xf32, #tpu.memory_space<vmem_shared>> -> memref<40x128xf32, #tpu.memory_space<vmem_shared>>
      tpu.enqueue_dma source(%arg10 : memref<40x128xf32, #tpu.memory_space<vmem>>) target(%dma_start3A_270 : memref<40x128xf32, #tpu.memory_space<vmem_shared>>) target_semaphore(%run_scoped3A : memref<!tpu.dma_semaphore, #tpu.memory_space<semaphore_mem>>)
      %dma_wait3A_271 = arith.constant 0 : i32
      %dma_wait3A_272 = tpu.memref_slice %arg6[%add3A_27, %dma_wait3A_271] : memref<10240x128xf32, #tpu.memory_space<vmem_shared>> -> memref<40x128xf32, #tpu.memory_space<vmem_shared>>
      %dma_wait3A_273 = arith.constant 0 : i32
      %dma_wait3A_274 = tpu.memref_slice %arg6[%add3A_27, %dma_wait3A_273] : memref<10240x128xf32, #tpu.memory_space<vmem_shared>> -> memref<40x128xf32, #tpu.memory_space<vmem_shared>>
      tpu.wait_dma2 semaphore(%run_scoped3A : memref<!tpu.dma_semaphore, #tpu.memory_space<semaphore_mem>>) src(%arg10 : memref<40x128xf32, #tpu.memory_space<vmem>>) dst(%dma_wait3A_274 : memref<40x128xf32, #tpu.memory_space<vmem_shared>>)
      tpu.yield
    }) : () -> ()
    %mul3A_28 = arith.constant 640 : i32
    %mul3A_29 = arith.muli %arg1, %mul3A_28 : i32
    %add3A_30 = arith.constant 240 : i32
    %add3A_31 = arith.addi %mul3A_29, %add3A_30 : i32
    "tpu.region"() ({
      %run_scoped3A = tpu.sem_alloc : memref<!tpu.dma_semaphore, #tpu.memory_space<semaphore_mem>>
      %dma_start3A_267 = arith.constant 0 : i32
      %dma_start3A_268 = tpu.memref_slice %arg6[%add3A_31, %dma_start3A_267] : memref<10240x128xf32, #tpu.memory_space<vmem_shared>> -> memref<40x128xf32, #tpu.memory_space<vmem_shared>>
      %dma_start3A_269 = arith.constant 0 : i32
      %dma_start3A_270 = tpu.memref_slice %arg6[%add3A_31, %dma_start3A_269] : memref<10240x128xf32, #tpu.memory_space<vmem_shared>> -> memref<40x128xf32, #tpu.memory_space<vmem_shared>>
      tpu.enqueue_dma source(%arg10 : memref<40x128xf32, #tpu.memory_space<vmem>>) target(%dma_start3A_270 : memref<40x128xf32, #tpu.memory_space<vmem_shared>>) target_semaphore(%run_scoped3A : memref<!tpu.dma_semaphore, #tpu.memory_space<semaphore_mem>>)
      %dma_wait3A_271 = arith.constant 0 : i32
      %dma_wait3A_272 = tpu.memref_slice %arg6[%add3A_31, %dma_wait3A_271] : memref<10240x128xf32, #tpu.memory_space<vmem_shared>> -> memref<40x128xf32, #tpu.memory_space<vmem_shared>>
      %dma_wait3A_273 = arith.constant 0 : i32
      %dma_wait3A_274 = tpu.memref_slice %arg6[%add3A_31, %dma_wait3A_273] : memref<10240x128xf32, #tpu.memory_space<vmem_shared>> -> memref<40x128xf32, #tpu.memory_space<vmem_shared>>
      tpu.wait_dma2 semaphore(%run_scoped3A : memref<!tpu.dma_semaphore, #tpu.memory_space<semaphore_mem>>) src(%arg10 : memref<40x128xf32, #tpu.memory_space<vmem>>) dst(%dma_wait3A_274 : memref<40x128xf32, #tpu.memory_space<vmem_shared>>)
      tpu.yield
    }) : () -> ()
    %mul3A_32 = arith.constant 640 : i32
    %mul3A_33 = arith.muli %arg1, %mul3A_32 : i32
    %add3A_34 = arith.constant 280 : i32
    %add3A_35 = arith.addi %mul3A_33, %add3A_34 : i32
    "tpu.region"() ({
      %run_scoped3A = tpu.sem_alloc : memref<!tpu.dma_semaphore, #tpu.memory_space<semaphore_mem>>
      %dma_start3A_267 = arith.constant 0 : i32
      %dma_start3A_268 = tpu.memref_slice %arg6[%add3A_35, %dma_start3A_267] : memref<10240x128xf32, #tpu.memory_space<vmem_shared>> -> memref<40x128xf32, #tpu.memory_space<vmem_shared>>
      %dma_start3A_269 = arith.constant 0 : i32
      %dma_start3A_270 = tpu.memref_slice %arg6[%add3A_35, %dma_start3A_269] : memref<10240x128xf32, #tpu.memory_space<vmem_shared>> -> memref<40x128xf32, #tpu.memory_space<vmem_shared>>
      tpu.enqueue_dma source(%arg10 : memref<40x128xf32, #tpu.memory_space<vmem>>) target(%dma_start3A_270 : memref<40x128xf32, #tpu.memory_space<vmem_shared>>) target_semaphore(%run_scoped3A : memref<!tpu.dma_semaphore, #tpu.memory_space<semaphore_mem>>)
      %dma_wait3A_271 = arith.constant 0 : i32
      %dma_wait3A_272 = tpu.memref_slice %arg6[%add3A_35, %dma_wait3A_271] : memref<10240x128xf32, #tpu.memory_space<vmem_shared>> -> memref<40x128xf32, #tpu.memory_space<vmem_shared>>
      %dma_wait3A_273 = arith.constant 0 : i32
      %dma_wait3A_274 = tpu.memref_slice %arg6[%add3A_35, %dma_wait3A_273] : memref<10240x128xf32, #tpu.memory_space<vmem_shared>> -> memref<40x128xf32, #tpu.memory_space<vmem_shared>>
      tpu.wait_dma2 semaphore(%run_scoped3A : memref<!tpu.dma_semaphore, #tpu.memory_space<semaphore_mem>>) src(%arg10 : memref<40x128xf32, #tpu.memory_space<vmem>>) dst(%dma_wait3A_274 : memref<40x128xf32, #tpu.memory_space<vmem_shared>>)
      tpu.yield
    }) : () -> ()
    %mul3A_36 = arith.constant 640 : i32
    %mul3A_37 = arith.muli %arg1, %mul3A_36 : i32
    %add3A_38 = arith.constant 320 : i32
    %add3A_39 = arith.addi %mul3A_37, %add3A_38 : i32
    "tpu.region"() ({
      %run_scoped3A = tpu.sem_alloc : memref<!tpu.dma_semaphore, #tpu.memory_space<semaphore_mem>>
      %dma_start3A_267 = arith.constant 0 : i32
      %dma_start3A_268 = tpu.memref_slice %arg6[%add3A_39, %dma_start3A_267] : memref<10240x128xf32, #tpu.memory_space<vmem_shared>> -> memref<40x128xf32, #tpu.memory_space<vmem_shared>>
      %dma_start3A_269 = arith.constant 0 : i32
      %dma_start3A_270 = tpu.memref_slice %arg6[%add3A_39, %dma_start3A_269] : memref<10240x128xf32, #tpu.memory_space<vmem_shared>> -> memref<40x128xf32, #tpu.memory_space<vmem_shared>>
      tpu.enqueue_dma source(%arg10 : memref<40x128xf32, #tpu.memory_space<vmem>>) target(%dma_start3A_270 : memref<40x128xf32, #tpu.memory_space<vmem_shared>>) target_semaphore(%run_scoped3A : memref<!tpu.dma_semaphore, #tpu.memory_space<semaphore_mem>>)
      %dma_wait3A_271 = arith.constant 0 : i32
      %dma_wait3A_272 = tpu.memref_slice %arg6[%add3A_39, %dma_wait3A_271] : memref<10240x128xf32, #tpu.memory_space<vmem_shared>> -> memref<40x128xf32, #tpu.memory_space<vmem_shared>>
      %dma_wait3A_273 = arith.constant 0 : i32
      %dma_wait3A_274 = tpu.memref_slice %arg6[%add3A_39, %dma_wait3A_273] : memref<10240x128xf32, #tpu.memory_space<vmem_shared>> -> memref<40x128xf32, #tpu.memory_space<vmem_shared>>
      tpu.wait_dma2 semaphore(%run_scoped3A : memref<!tpu.dma_semaphore, #tpu.memory_space<semaphore_mem>>) src(%arg10 : memref<40x128xf32, #tpu.memory_space<vmem>>) dst(%dma_wait3A_274 : memref<40x128xf32, #tpu.memory_space<vmem_shared>>)
      tpu.yield
    }) : () -> ()
    %mul3A_40 = arith.constant 640 : i32
    %mul3A_41 = arith.muli %arg1, %mul3A_40 : i32
    %add3A_42 = arith.constant 360 : i32
    %add3A_43 = arith.addi %mul3A_41, %add3A_42 : i32
    "tpu.region"() ({
      %run_scoped3A = tpu.sem_alloc : memref<!tpu.dma_semaphore, #tpu.memory_space<semaphore_mem>>
      %dma_start3A_267 = arith.constant 0 : i32
      %dma_start3A_268 = tpu.memref_slice %arg6[%add3A_43, %dma_start3A_267] : memref<10240x128xf32, #tpu.memory_space<vmem_shared>> -> memref<40x128xf32, #tpu.memory_space<vmem_shared>>
      %dma_start3A_269 = arith.constant 0 : i32
      %dma_start3A_270 = tpu.memref_slice %arg6[%add3A_43, %dma_start3A_269] : memref<10240x128xf32, #tpu.memory_space<vmem_shared>> -> memref<40x128xf32, #tpu.memory_space<vmem_shared>>
      tpu.enqueue_dma source(%arg10 : memref<40x128xf32, #tpu.memory_space<vmem>>) target(%dma_start3A_270 : memref<40x128xf32, #tpu.memory_space<vmem_shared>>) target_semaphore(%run_scoped3A : memref<!tpu.dma_semaphore, #tpu.memory_space<semaphore_mem>>)
      %dma_wait3A_271 = arith.constant 0 : i32
      %dma_wait3A_272 = tpu.memref_slice %arg6[%add3A_43, %dma_wait3A_271] : memref<10240x128xf32, #tpu.memory_space<vmem_shared>> -> memref<40x128xf32, #tpu.memory_space<vmem_shared>>
      %dma_wait3A_273 = arith.constant 0 : i32
      %dma_wait3A_274 = tpu.memref_slice %arg6[%add3A_43, %dma_wait3A_273] : memref<10240x128xf32, #tpu.memory_space<vmem_shared>> -> memref<40x128xf32, #tpu.memory_space<vmem_shared>>
      tpu.wait_dma2 semaphore(%run_scoped3A : memref<!tpu.dma_semaphore, #tpu.memory_space<semaphore_mem>>) src(%arg10 : memref<40x128xf32, #tpu.memory_space<vmem>>) dst(%dma_wait3A_274 : memref<40x128xf32, #tpu.memory_space<vmem_shared>>)
      tpu.yield
    }) : () -> ()
    %mul3A_44 = arith.constant 640 : i32
    %mul3A_45 = arith.muli %arg1, %mul3A_44 : i32
    %add3A_46 = arith.constant 400 : i32
    %add3A_47 = arith.addi %mul3A_45, %add3A_46 : i32
    "tpu.region"() ({
      %run_scoped3A = tpu.sem_alloc : memref<!tpu.dma_semaphore, #tpu.memory_space<semaphore_mem>>
      %dma_start3A_267 = arith.constant 0 : i32
      %dma_start3A_268 = tpu.memref_slice %arg6[%add3A_47, %dma_start3A_267] : memref<10240x128xf32, #tpu.memory_space<vmem_shared>> -> memref<40x128xf32, #tpu.memory_space<vmem_shared>>
      %dma_start3A_269 = arith.constant 0 : i32
      %dma_start3A_270 = tpu.memref_slice %arg6[%add3A_47, %dma_start3A_269] : memref<10240x128xf32, #tpu.memory_space<vmem_shared>> -> memref<40x128xf32, #tpu.memory_space<vmem_shared>>
      tpu.enqueue_dma source(%arg10 : memref<40x128xf32, #tpu.memory_space<vmem>>) target(%dma_start3A_270 : memref<40x128xf32, #tpu.memory_space<vmem_shared>>) target_semaphore(%run_scoped3A : memref<!tpu.dma_semaphore, #tpu.memory_space<semaphore_mem>>)
      %dma_wait3A_271 = arith.constant 0 : i32
      %dma_wait3A_272 = tpu.memref_slice %arg6[%add3A_47, %dma_wait3A_271] : memref<10240x128xf32, #tpu.memory_space<vmem_shared>> -> memref<40x128xf32, #tpu.memory_space<vmem_shared>>
      %dma_wait3A_273 = arith.constant 0 : i32
      %dma_wait3A_274 = tpu.memref_slice %arg6[%add3A_47, %dma_wait3A_273] : memref<10240x128xf32, #tpu.memory_space<vmem_shared>> -> memref<40x128xf32, #tpu.memory_space<vmem_shared>>
      tpu.wait_dma2 semaphore(%run_scoped3A : memref<!tpu.dma_semaphore, #tpu.memory_space<semaphore_mem>>) src(%arg10 : memref<40x128xf32, #tpu.memory_space<vmem>>) dst(%dma_wait3A_274 : memref<40x128xf32, #tpu.memory_space<vmem_shared>>)
      tpu.yield
    }) : () -> ()
    %mul3A_48 = arith.constant 640 : i32
    %mul3A_49 = arith.muli %arg1, %mul3A_48 : i32
    %add3A_50 = arith.constant 440 : i32
    %add3A_51 = arith.addi %mul3A_49, %add3A_50 : i32
    "tpu.region"() ({
      %run_scoped3A = tpu.sem_alloc : memref<!tpu.dma_semaphore, #tpu.memory_space<semaphore_mem>>
      %dma_start3A_267 = arith.constant 0 : i32
      %dma_start3A_268 = tpu.memref_slice %arg6[%add3A_51, %dma_start3A_267] : memref<10240x128xf32, #tpu.memory_space<vmem_shared>> -> memref<40x128xf32, #tpu.memory_space<vmem_shared>>
      %dma_start3A_269 = arith.constant 0 : i32
      %dma_start3A_270 = tpu.memref_slice %arg6[%add3A_51, %dma_start3A_269] : memref<10240x128xf32, #tpu.memory_space<vmem_shared>> -> memref<40x128xf32, #tpu.memory_space<vmem_shared>>
      tpu.enqueue_dma source(%arg10 : memref<40x128xf32, #tpu.memory_space<vmem>>) target(%dma_start3A_270 : memref<40x128xf32, #tpu.memory_space<vmem_shared>>) target_semaphore(%run_scoped3A : memref<!tpu.dma_semaphore, #tpu.memory_space<semaphore_mem>>)
      %dma_wait3A_271 = arith.constant 0 : i32
      %dma_wait3A_272 = tpu.memref_slice %arg6[%add3A_51, %dma_wait3A_271] : memref<10240x128xf32, #tpu.memory_space<vmem_shared>> -> memref<40x128xf32, #tpu.memory_space<vmem_shared>>
      %dma_wait3A_273 = arith.constant 0 : i32
      %dma_wait3A_274 = tpu.memref_slice %arg6[%add3A_51, %dma_wait3A_273] : memref<10240x128xf32, #tpu.memory_space<vmem_shared>> -> memref<40x128xf32, #tpu.memory_space<vmem_shared>>
      tpu.wait_dma2 semaphore(%run_scoped3A : memref<!tpu.dma_semaphore, #tpu.memory_space<semaphore_mem>>) src(%arg10 : memref<40x128xf32, #tpu.memory_space<vmem>>) dst(%dma_wait3A_274 : memref<40x128xf32, #tpu.memory_space<vmem_shared>>)
      tpu.yield
    }) : () -> ()
    %mul3A_52 = arith.constant 640 : i32
    %mul3A_53 = arith.muli %arg1, %mul3A_52 : i32
    %add3A_54 = arith.constant 480 : i32
    %add3A_55 = arith.addi %mul3A_53, %add3A_54 : i32
    "tpu.region"() ({
      %run_scoped3A = tpu.sem_alloc : memref<!tpu.dma_semaphore, #tpu.memory_space<semaphore_mem>>
      %dma_start3A_267 = arith.constant 0 : i32
      %dma_start3A_268 = tpu.memref_slice %arg6[%add3A_55, %dma_start3A_267] : memref<10240x128xf32, #tpu.memory_space<vmem_shared>> -> memref<40x128xf32, #tpu.memory_space<vmem_shared>>
      %dma_start3A_269 = arith.constant 0 : i32
      %dma_start3A_270 = tpu.memref_slice %arg6[%add3A_55, %dma_start3A_269] : memref<10240x128xf32, #tpu.memory_space<vmem_shared>> -> memref<40x128xf32, #tpu.memory_space<vmem_shared>>
      tpu.enqueue_dma source(%arg10 : memref<40x128xf32, #tpu.memory_space<vmem>>) target(%dma_start3A_270 : memref<40x128xf32, #tpu.memory_space<vmem_shared>>) target_semaphore(%run_scoped3A : memref<!tpu.dma_semaphore, #tpu.memory_space<semaphore_mem>>)
      %dma_wait3A_271 = arith.constant 0 : i32
      %dma_wait3A_272 = tpu.memref_slice %arg6[%add3A_55, %dma_wait3A_271] : memref<10240x128xf32, #tpu.memory_space<vmem_shared>> -> memref<40x128xf32, #tpu.memory_space<vmem_shared>>
      %dma_wait3A_273 = arith.constant 0 : i32
      %dma_wait3A_274 = tpu.memref_slice %arg6[%add3A_55, %dma_wait3A_273] : memref<10240x128xf32, #tpu.memory_space<vmem_shared>> -> memref<40x128xf32, #tpu.memory_space<vmem_shared>>
      tpu.wait_dma2 semaphore(%run_scoped3A : memref<!tpu.dma_semaphore, #tpu.memory_space<semaphore_mem>>) src(%arg10 : memref<40x128xf32, #tpu.memory_space<vmem>>) dst(%dma_wait3A_274 : memref<40x128xf32, #tpu.memory_space<vmem_shared>>)
      tpu.yield
    }) : () -> ()
    %mul3A_56 = arith.constant 640 : i32
    %mul3A_57 = arith.muli %arg1, %mul3A_56 : i32
    %add3A_58 = arith.constant 520 : i32
    %add3A_59 = arith.addi %mul3A_57, %add3A_58 : i32
    "tpu.region"() ({
      %run_scoped3A = tpu.sem_alloc : memref<!tpu.dma_semaphore, #tpu.memory_space<semaphore_mem>>
      %dma_start3A_267 = arith.constant 0 : i32
      %dma_start3A_268 = tpu.memref_slice %arg6[%add3A_59, %dma_start3A_267] : memref<10240x128xf32, #tpu.memory_space<vmem_shared>> -> memref<40x128xf32, #tpu.memory_space<vmem_shared>>
      %dma_start3A_269 = arith.constant 0 : i32
      %dma_start3A_270 = tpu.memref_slice %arg6[%add3A_59, %dma_start3A_269] : memref<10240x128xf32, #tpu.memory_space<vmem_shared>> -> memref<40x128xf32, #tpu.memory_space<vmem_shared>>
      tpu.enqueue_dma source(%arg10 : memref<40x128xf32, #tpu.memory_space<vmem>>) target(%dma_start3A_270 : memref<40x128xf32, #tpu.memory_space<vmem_shared>>) target_semaphore(%run_scoped3A : memref<!tpu.dma_semaphore, #tpu.memory_space<semaphore_mem>>)
      %dma_wait3A_271 = arith.constant 0 : i32
      %dma_wait3A_272 = tpu.memref_slice %arg6[%add3A_59, %dma_wait3A_271] : memref<10240x128xf32, #tpu.memory_space<vmem_shared>> -> memref<40x128xf32, #tpu.memory_space<vmem_shared>>
      %dma_wait3A_273 = arith.constant 0 : i32
      %dma_wait3A_274 = tpu.memref_slice %arg6[%add3A_59, %dma_wait3A_273] : memref<10240x128xf32, #tpu.memory_space<vmem_shared>> -> memref<40x128xf32, #tpu.memory_space<vmem_shared>>
      tpu.wait_dma2 semaphore(%run_scoped3A : memref<!tpu.dma_semaphore, #tpu.memory_space<semaphore_mem>>) src(%arg10 : memref<40x128xf32, #tpu.memory_space<vmem>>) dst(%dma_wait3A_274 : memref<40x128xf32, #tpu.memory_space<vmem_shared>>)
      tpu.yield
    }) : () -> ()
    %mul3A_60 = arith.constant 640 : i32
    %mul3A_61 = arith.muli %arg1, %mul3A_60 : i32
    %add3A_62 = arith.constant 560 : i32
    %add3A_63 = arith.addi %mul3A_61, %add3A_62 : i32
    "tpu.region"() ({
      %run_scoped3A = tpu.sem_alloc : memref<!tpu.dma_semaphore, #tpu.memory_space<semaphore_mem>>
      %dma_start3A_267 = arith.constant 0 : i32
      %dma_start3A_268 = tpu.memref_slice %arg6[%add3A_63, %dma_start3A_267] : memref<10240x128xf32, #tpu.memory_space<vmem_shared>> -> memref<40x128xf32, #tpu.memory_space<vmem_shared>>
      %dma_start3A_269 = arith.constant 0 : i32
      %dma_start3A_270 = tpu.memref_slice %arg6[%add3A_63, %dma_start3A_269] : memref<10240x128xf32, #tpu.memory_space<vmem_shared>> -> memref<40x128xf32, #tpu.memory_space<vmem_shared>>
      tpu.enqueue_dma source(%arg10 : memref<40x128xf32, #tpu.memory_space<vmem>>) target(%dma_start3A_270 : memref<40x128xf32, #tpu.memory_space<vmem_shared>>) target_semaphore(%run_scoped3A : memref<!tpu.dma_semaphore, #tpu.memory_space<semaphore_mem>>)
      %dma_wait3A_271 = arith.constant 0 : i32
      %dma_wait3A_272 = tpu.memref_slice %arg6[%add3A_63, %dma_wait3A_271] : memref<10240x128xf32, #tpu.memory_space<vmem_shared>> -> memref<40x128xf32, #tpu.memory_space<vmem_shared>>
      %dma_wait3A_273 = arith.constant 0 : i32
      %dma_wait3A_274 = tpu.memref_slice %arg6[%add3A_63, %dma_wait3A_273] : memref<10240x128xf32, #tpu.memory_space<vmem_shared>> -> memref<40x128xf32, #tpu.memory_space<vmem_shared>>
      tpu.wait_dma2 semaphore(%run_scoped3A : memref<!tpu.dma_semaphore, #tpu.memory_space<semaphore_mem>>) src(%arg10 : memref<40x128xf32, #tpu.memory_space<vmem>>) dst(%dma_wait3A_274 : memref<40x128xf32, #tpu.memory_space<vmem_shared>>)
      tpu.yield
    }) : () -> ()
    %mul3A_64 = arith.constant 640 : i32
    %mul3A_65 = arith.muli %arg1, %mul3A_64 : i32
    %add3A_66 = arith.constant 600 : i32
    %add3A_67 = arith.addi %mul3A_65, %add3A_66 : i32
    "tpu.region"() ({
      %run_scoped3A = tpu.sem_alloc : memref<!tpu.dma_semaphore, #tpu.memory_space<semaphore_mem>>
      %dma_start3A_267 = arith.constant 0 : i32
      %dma_start3A_268 = tpu.memref_slice %arg6[%add3A_67, %dma_start3A_267] : memref<10240x128xf32, #tpu.memory_space<vmem_shared>> -> memref<40x128xf32, #tpu.memory_space<vmem_shared>>
      %dma_start3A_269 = arith.constant 0 : i32
      %dma_start3A_270 = tpu.memref_slice %arg6[%add3A_67, %dma_start3A_269] : memref<10240x128xf32, #tpu.memory_space<vmem_shared>> -> memref<40x128xf32, #tpu.memory_space<vmem_shared>>
      tpu.enqueue_dma source(%arg10 : memref<40x128xf32, #tpu.memory_space<vmem>>) target(%dma_start3A_270 : memref<40x128xf32, #tpu.memory_space<vmem_shared>>) target_semaphore(%run_scoped3A : memref<!tpu.dma_semaphore, #tpu.memory_space<semaphore_mem>>)
      %dma_wait3A_271 = arith.constant 0 : i32
      %dma_wait3A_272 = tpu.memref_slice %arg6[%add3A_67, %dma_wait3A_271] : memref<10240x128xf32, #tpu.memory_space<vmem_shared>> -> memref<40x128xf32, #tpu.memory_space<vmem_shared>>
      %dma_wait3A_273 = arith.constant 0 : i32
      %dma_wait3A_274 = tpu.memref_slice %arg6[%add3A_67, %dma_wait3A_273] : memref<10240x128xf32, #tpu.memory_space<vmem_shared>> -> memref<40x128xf32, #tpu.memory_space<vmem_shared>>
      tpu.wait_dma2 semaphore(%run_scoped3A : memref<!tpu.dma_semaphore, #tpu.memory_space<semaphore_mem>>) src(%arg10 : memref<40x128xf32, #tpu.memory_space<vmem>>) dst(%dma_wait3A_274 : memref<40x128xf32, #tpu.memory_space<vmem_shared>>)
      tpu.yield
    }) : () -> ()
    %barrier3A = arith.constant 0 : index
    tpu.barrier barrier_id(%barrier3A)
    %mul3A_68 = arith.constant 160000 : i32
    %mul3A_69 = arith.muli %arg0, %mul3A_68 : i32
    %mul3A_70 = arith.constant 10000 : i32
    %mul3A_71 = arith.muli %arg1, %mul3A_70 : i32
    %add3A_72 = arith.addi %mul3A_69, %mul3A_71 : i32
    %add3A_73 = arith.constant 0 : i32
    %add3A_74 = arith.addi %add3A_72, %add3A_73 : i32
    %dma_start3A = arith.constant 0 : i32
    %dma_start3A_75 = arith.constant 0 : i32
    %dma_start3A_76 = tpu.memref_slice %arg7[%dma_start3A, %dma_start3A_75] : memref<4x80xi32, #tpu.memory_space<vmem>> -> memref<1x80xi32, #tpu.memory_space<vmem>>
    %dma_start3A_77 = tpu.memref_squeeze %dma_start3A_76 : memref<1x80xi32, #tpu.memory_space<vmem>> -> memref<80xi32, #tpu.memory_space<vmem>>
    %dma_start3A_78 = tpu.memref_slice %arg3[%add3A_74] : memref<320000xi32, #tpu.memory_space<hbm>> -> memref<80xi32, #tpu.memory_space<hbm>>
    %dma_start3A_79 = arith.constant 0 : i32
    %dma_start3A_80 = tpu.memref_slice %arg7[%dma_start3A, %dma_start3A_79] : memref<4x80xi32, #tpu.memory_space<vmem>> -> memref<1x80xi32, #tpu.memory_space<vmem>>
    %dma_start3A_81 = tpu.memref_squeeze %dma_start3A_80 : memref<1x80xi32, #tpu.memory_space<vmem>> -> memref<80xi32, #tpu.memory_space<vmem>>
    %dma_start3A_82 = tpu.memref_slice %arg3[%add3A_74] : memref<320000xi32, #tpu.memory_space<hbm>> -> memref<80xi32, #tpu.memory_space<hbm>>
    tpu.enqueue_dma source(%dma_start3A_82 : memref<80xi32, #tpu.memory_space<hbm>>) target(%dma_start3A_81 : memref<80xi32, #tpu.memory_space<vmem>>) target_semaphore(%arg11 : memref<!tpu.dma_semaphore, #tpu.memory_space<semaphore_mem>>)
    %dma_start3A_83 = arith.constant 0 : i32
    %dma_start3A_84 = arith.constant 0 : i32
    %dma_start3A_85 = tpu.memref_slice %arg8[%dma_start3A_83, %dma_start3A_84] : memref<4x80xi32, #tpu.memory_space<vmem>> -> memref<1x80xi32, #tpu.memory_space<vmem>>
    %dma_start3A_86 = tpu.memref_squeeze %dma_start3A_85 : memref<1x80xi32, #tpu.memory_space<vmem>> -> memref<80xi32, #tpu.memory_space<vmem>>
    %dma_start3A_87 = tpu.memref_slice %arg4[%add3A_74] : memref<320000xi32, #tpu.memory_space<hbm>> -> memref<80xi32, #tpu.memory_space<hbm>>
    %dma_start3A_88 = arith.constant 0 : i32
    %dma_start3A_89 = tpu.memref_slice %arg8[%dma_start3A_83, %dma_start3A_88] : memref<4x80xi32, #tpu.memory_space<vmem>> -> memref<1x80xi32, #tpu.memory_space<vmem>>
    %dma_start3A_90 = tpu.memref_squeeze %dma_start3A_89 : memref<1x80xi32, #tpu.memory_space<vmem>> -> memref<80xi32, #tpu.memory_space<vmem>>
    %dma_start3A_91 = tpu.memref_slice %arg4[%add3A_74] : memref<320000xi32, #tpu.memory_space<hbm>> -> memref<80xi32, #tpu.memory_space<hbm>>
    tpu.enqueue_dma source(%dma_start3A_91 : memref<80xi32, #tpu.memory_space<hbm>>) target(%dma_start3A_90 : memref<80xi32, #tpu.memory_space<vmem>>) target_semaphore(%arg11 : memref<!tpu.dma_semaphore, #tpu.memory_space<semaphore_mem>>)
    %add3A_92 = arith.constant 80 : i32
    %add3A_93 = arith.addi %add3A_72, %add3A_92 : i32
    %dma_start3A_94 = arith.constant 1 : i32
    %dma_start3A_95 = arith.constant 0 : i32
    %dma_start3A_96 = tpu.memref_slice %arg7[%dma_start3A_94, %dma_start3A_95] : memref<4x80xi32, #tpu.memory_space<vmem>> -> memref<1x80xi32, #tpu.memory_space<vmem>>
    %dma_start3A_97 = tpu.memref_squeeze %dma_start3A_96 : memref<1x80xi32, #tpu.memory_space<vmem>> -> memref<80xi32, #tpu.memory_space<vmem>>
    %dma_start3A_98 = tpu.memref_slice %arg3[%add3A_93] : memref<320000xi32, #tpu.memory_space<hbm>> -> memref<80xi32, #tpu.memory_space<hbm>>
    %dma_start3A_99 = arith.constant 0 : i32
    %dma_start3A_100 = tpu.memref_slice %arg7[%dma_start3A_94, %dma_start3A_99] : memref<4x80xi32, #tpu.memory_space<vmem>> -> memref<1x80xi32, #tpu.memory_space<vmem>>
    %dma_start3A_101 = tpu.memref_squeeze %dma_start3A_100 : memref<1x80xi32, #tpu.memory_space<vmem>> -> memref<80xi32, #tpu.memory_space<vmem>>
    %dma_start3A_102 = tpu.memref_slice %arg3[%add3A_93] : memref<320000xi32, #tpu.memory_space<hbm>> -> memref<80xi32, #tpu.memory_space<hbm>>
    tpu.enqueue_dma source(%dma_start3A_102 : memref<80xi32, #tpu.memory_space<hbm>>) target(%dma_start3A_101 : memref<80xi32, #tpu.memory_space<vmem>>) target_semaphore(%arg11 : memref<!tpu.dma_semaphore, #tpu.memory_space<semaphore_mem>>)
    %dma_start3A_103 = arith.constant 1 : i32
    %dma_start3A_104 = arith.constant 0 : i32
    %dma_start3A_105 = tpu.memref_slice %arg8[%dma_start3A_103, %dma_start3A_104] : memref<4x80xi32, #tpu.memory_space<vmem>> -> memref<1x80xi32, #tpu.memory_space<vmem>>
    %dma_start3A_106 = tpu.memref_squeeze %dma_start3A_105 : memref<1x80xi32, #tpu.memory_space<vmem>> -> memref<80xi32, #tpu.memory_space<vmem>>
    %dma_start3A_107 = tpu.memref_slice %arg4[%add3A_93] : memref<320000xi32, #tpu.memory_space<hbm>> -> memref<80xi32, #tpu.memory_space<hbm>>
    %dma_start3A_108 = arith.constant 0 : i32
    %dma_start3A_109 = tpu.memref_slice %arg8[%dma_start3A_103, %dma_start3A_108] : memref<4x80xi32, #tpu.memory_space<vmem>> -> memref<1x80xi32, #tpu.memory_space<vmem>>
    %dma_start3A_110 = tpu.memref_squeeze %dma_start3A_109 : memref<1x80xi32, #tpu.memory_space<vmem>> -> memref<80xi32, #tpu.memory_space<vmem>>
    %dma_start3A_111 = tpu.memref_slice %arg4[%add3A_93] : memref<320000xi32, #tpu.memory_space<hbm>> -> memref<80xi32, #tpu.memory_space<hbm>>
    tpu.enqueue_dma source(%dma_start3A_111 : memref<80xi32, #tpu.memory_space<hbm>>) target(%dma_start3A_110 : memref<80xi32, #tpu.memory_space<vmem>>) target_semaphore(%arg11 : memref<!tpu.dma_semaphore, #tpu.memory_space<semaphore_mem>>)
    %add3A_112 = arith.constant 160 : i32
    %add3A_113 = arith.addi %add3A_72, %add3A_112 : i32
    %dma_start3A_114 = arith.constant 2 : i32
    %dma_start3A_115 = arith.constant 0 : i32
    %dma_start3A_116 = tpu.memref_slice %arg7[%dma_start3A_114, %dma_start3A_115] : memref<4x80xi32, #tpu.memory_space<vmem>> -> memref<1x80xi32, #tpu.memory_space<vmem>>
    %dma_start3A_117 = tpu.memref_squeeze %dma_start3A_116 : memref<1x80xi32, #tpu.memory_space<vmem>> -> memref<80xi32, #tpu.memory_space<vmem>>
    %dma_start3A_118 = tpu.memref_slice %arg3[%add3A_113] : memref<320000xi32, #tpu.memory_space<hbm>> -> memref<80xi32, #tpu.memory_space<hbm>>
    %dma_start3A_119 = arith.constant 0 : i32
    %dma_start3A_120 = tpu.memref_slice %arg7[%dma_start3A_114, %dma_start3A_119] : memref<4x80xi32, #tpu.memory_space<vmem>> -> memref<1x80xi32, #tpu.memory_space<vmem>>
    %dma_start3A_121 = tpu.memref_squeeze %dma_start3A_120 : memref<1x80xi32, #tpu.memory_space<vmem>> -> memref<80xi32, #tpu.memory_space<vmem>>
    %dma_start3A_122 = tpu.memref_slice %arg3[%add3A_113] : memref<320000xi32, #tpu.memory_space<hbm>> -> memref<80xi32, #tpu.memory_space<hbm>>
    tpu.enqueue_dma source(%dma_start3A_122 : memref<80xi32, #tpu.memory_space<hbm>>) target(%dma_start3A_121 : memref<80xi32, #tpu.memory_space<vmem>>) target_semaphore(%arg11 : memref<!tpu.dma_semaphore, #tpu.memory_space<semaphore_mem>>)
    %dma_start3A_123 = arith.constant 2 : i32
    %dma_start3A_124 = arith.constant 0 : i32
    %dma_start3A_125 = tpu.memref_slice %arg8[%dma_start3A_123, %dma_start3A_124] : memref<4x80xi32, #tpu.memory_space<vmem>> -> memref<1x80xi32, #tpu.memory_space<vmem>>
    %dma_start3A_126 = tpu.memref_squeeze %dma_start3A_125 : memref<1x80xi32, #tpu.memory_space<vmem>> -> memref<80xi32, #tpu.memory_space<vmem>>
    %dma_start3A_127 = tpu.memref_slice %arg4[%add3A_113] : memref<320000xi32, #tpu.memory_space<hbm>> -> memref<80xi32, #tpu.memory_space<hbm>>
    %dma_start3A_128 = arith.constant 0 : i32
    %dma_start3A_129 = tpu.memref_slice %arg8[%dma_start3A_123, %dma_start3A_128] : memref<4x80xi32, #tpu.memory_space<vmem>> -> memref<1x80xi32, #tpu.memory_space<vmem>>
    %dma_start3A_130 = tpu.memref_squeeze %dma_start3A_129 : memref<1x80xi32, #tpu.memory_space<vmem>> -> memref<80xi32, #tpu.memory_space<vmem>>
    %dma_start3A_131 = tpu.memref_slice %arg4[%add3A_113] : memref<320000xi32, #tpu.memory_space<hbm>> -> memref<80xi32, #tpu.memory_space<hbm>>
    tpu.enqueue_dma source(%dma_start3A_131 : memref<80xi32, #tpu.memory_space<hbm>>) target(%dma_start3A_130 : memref<80xi32, #tpu.memory_space<vmem>>) target_semaphore(%arg11 : memref<!tpu.dma_semaphore, #tpu.memory_space<semaphore_mem>>)
    %add3A_132 = arith.constant 0 : i32
    %add3A_133 = arith.addi %add3A_72, %add3A_132 : i32
    %dma_wait3A = arith.constant 0 : i32
    %dma_wait3A_134 = arith.constant 0 : i32
    %dma_wait3A_135 = tpu.memref_slice %arg7[%dma_wait3A, %dma_wait3A_134] : memref<4x80xi32, #tpu.memory_space<vmem>> -> memref<1x80xi32, #tpu.memory_space<vmem>>
    %dma_wait3A_136 = tpu.memref_squeeze %dma_wait3A_135 : memref<1x80xi32, #tpu.memory_space<vmem>> -> memref<80xi32, #tpu.memory_space<vmem>>
    %dma_wait3A_137 = tpu.memref_slice %arg3[%add3A_133] : memref<320000xi32, #tpu.memory_space<hbm>> -> memref<80xi32, #tpu.memory_space<hbm>>
    %dma_wait3A_138 = arith.constant 0 : i32
    %dma_wait3A_139 = tpu.memref_slice %arg7[%dma_wait3A, %dma_wait3A_138] : memref<4x80xi32, #tpu.memory_space<vmem>> -> memref<1x80xi32, #tpu.memory_space<vmem>>
    %dma_wait3A_140 = tpu.memref_squeeze %dma_wait3A_139 : memref<1x80xi32, #tpu.memory_space<vmem>> -> memref<80xi32, #tpu.memory_space<vmem>>
    %dma_wait3A_141 = tpu.memref_slice %arg3[%add3A_133] : memref<320000xi32, #tpu.memory_space<hbm>> -> memref<80xi32, #tpu.memory_space<hbm>>
    tpu.wait_dma2 semaphore(%arg11 : memref<!tpu.dma_semaphore, #tpu.memory_space<semaphore_mem>>) src(%dma_wait3A_141 : memref<80xi32, #tpu.memory_space<hbm>>) dst(%dma_wait3A_140 : memref<80xi32, #tpu.memory_space<vmem>>)
    %dma_wait3A_142 = arith.constant 0 : i32
    %dma_wait3A_143 = arith.constant 0 : i32
    %dma_wait3A_144 = tpu.memref_slice %arg8[%dma_wait3A_142, %dma_wait3A_143] : memref<4x80xi32, #tpu.memory_space<vmem>> -> memref<1x80xi32, #tpu.memory_space<vmem>>
    %dma_wait3A_145 = tpu.memref_squeeze %dma_wait3A_144 : memref<1x80xi32, #tpu.memory_space<vmem>> -> memref<80xi32, #tpu.memory_space<vmem>>
    %dma_wait3A_146 = tpu.memref_slice %arg4[%add3A_133] : memref<320000xi32, #tpu.memory_space<hbm>> -> memref<80xi32, #tpu.memory_space<hbm>>
    %dma_wait3A_147 = arith.constant 0 : i32
    %dma_wait3A_148 = tpu.memref_slice %arg8[%dma_wait3A_142, %dma_wait3A_147] : memref<4x80xi32, #tpu.memory_space<vmem>> -> memref<1x80xi32, #tpu.memory_space<vmem>>
    %dma_wait3A_149 = tpu.memref_squeeze %dma_wait3A_148 : memref<1x80xi32, #tpu.memory_space<vmem>> -> memref<80xi32, #tpu.memory_space<vmem>>
    %dma_wait3A_150 = tpu.memref_slice %arg4[%add3A_133] : memref<320000xi32, #tpu.memory_space<hbm>> -> memref<80xi32, #tpu.memory_space<hbm>>
    tpu.wait_dma2 semaphore(%arg11 : memref<!tpu.dma_semaphore, #tpu.memory_space<semaphore_mem>>) src(%dma_wait3A_150 : memref<80xi32, #tpu.memory_space<hbm>>) dst(%dma_wait3A_149 : memref<80xi32, #tpu.memory_space<vmem>>)
    %dma_start3A_151 = arith.constant 0 : i32
    %dma_start3A_152 = arith.constant 0 : i32
    %dma_start3A_153 = arith.constant 0 : i32
    %dma_start3A_154 = arith.constant 0 : i32
    %dma_start3A_155 = tpu.memref_slice %arg9[%dma_start3A_152, %dma_start3A_153, %dma_start3A_154] : memref<3x80x128xf32, #tpu.memory_space<vmem>> -> memref<1x80x128xf32, #tpu.memory_space<vmem>>
    %dma_start3A_156 = tpu.memref_squeeze %dma_start3A_155 : memref<1x80x128xf32, #tpu.memory_space<vmem>> -> memref<80x128xf32, #tpu.memory_space<vmem>>
    %dma_start3A_157 = arith.constant 0 : i32
    %dma_start3A_158 = tpu.memref_slice %arg7[%dma_start3A_151, %dma_start3A_157] : memref<4x80xi32, #tpu.memory_space<vmem>> -> memref<1x80xi32, #tpu.memory_space<vmem>>
    %dma_start3A_159 = tpu.memref_squeeze %dma_start3A_158 : memref<1x80xi32, #tpu.memory_space<vmem>> -> memref<80xi32, #tpu.memory_space<vmem>>
    %dma_start3A_160 = arith.constant 0 : i32
    %dma_start3A_161 = arith.constant 0 : i32
    %dma_start3A_162 = tpu.memref_slice %arg2[%dma_start3A_160, %dma_start3A_161] : memref<10000x128xf32, #tpu.memory_space<hbm>> -> memref<10000x128xf32, #tpu.memory_space<hbm>>
    tpu.enqueue_indirect_dma source(%dma_start3A_162 : memref<10000x128xf32, #tpu.memory_space<hbm>>) target(%dma_start3A_156 : memref<80x128xf32, #tpu.memory_space<vmem>>) offsets(%dma_start3A_159 : memref<80xi32, #tpu.memory_space<vmem>>) semaphore(%arg12 : memref<!tpu.dma_semaphore, #tpu.memory_space<semaphore_mem>>)
    %add3A_163 = arith.constant 80 : i32
    %add3A_164 = arith.addi %add3A_72, %add3A_163 : i32
    %dma_wait3A_165 = arith.constant 1 : i32
    %dma_wait3A_166 = arith.constant 0 : i32
    %dma_wait3A_167 = tpu.memref_slice %arg7[%dma_wait3A_165, %dma_wait3A_166] : memref<4x80xi32, #tpu.memory_space<vmem>> -> memref<1x80xi32, #tpu.memory_space<vmem>>
    %dma_wait3A_168 = tpu.memref_squeeze %dma_wait3A_167 : memref<1x80xi32, #tpu.memory_space<vmem>> -> memref<80xi32, #tpu.memory_space<vmem>>
    %dma_wait3A_169 = tpu.memref_slice %arg3[%add3A_164] : memref<320000xi32, #tpu.memory_space<hbm>> -> memref<80xi32, #tpu.memory_space<hbm>>
    %dma_wait3A_170 = arith.constant 0 : i32
    %dma_wait3A_171 = tpu.memref_slice %arg7[%dma_wait3A_165, %dma_wait3A_170] : memref<4x80xi32, #tpu.memory_space<vmem>> -> memref<1x80xi32, #tpu.memory_space<vmem>>
    %dma_wait3A_172 = tpu.memref_squeeze %dma_wait3A_171 : memref<1x80xi32, #tpu.memory_space<vmem>> -> memref<80xi32, #tpu.memory_space<vmem>>
    %dma_wait3A_173 = tpu.memref_slice %arg3[%add3A_164] : memref<320000xi32, #tpu.memory_space<hbm>> -> memref<80xi32, #tpu.memory_space<hbm>>
    tpu.wait_dma2 semaphore(%arg11 : memref<!tpu.dma_semaphore, #tpu.memory_space<semaphore_mem>>) src(%dma_wait3A_173 : memref<80xi32, #tpu.memory_space<hbm>>) dst(%dma_wait3A_172 : memref<80xi32, #tpu.memory_space<vmem>>)
    %dma_wait3A_174 = arith.constant 1 : i32
    %dma_wait3A_175 = arith.constant 0 : i32
    %dma_wait3A_176 = tpu.memref_slice %arg8[%dma_wait3A_174, %dma_wait3A_175] : memref<4x80xi32, #tpu.memory_space<vmem>> -> memref<1x80xi32, #tpu.memory_space<vmem>>
    %dma_wait3A_177 = tpu.memref_squeeze %dma_wait3A_176 : memref<1x80xi32, #tpu.memory_space<vmem>> -> memref<80xi32, #tpu.memory_space<vmem>>
    %dma_wait3A_178 = tpu.memref_slice %arg4[%add3A_164] : memref<320000xi32, #tpu.memory_space<hbm>> -> memref<80xi32, #tpu.memory_space<hbm>>
    %dma_wait3A_179 = arith.constant 0 : i32
    %dma_wait3A_180 = tpu.memref_slice %arg8[%dma_wait3A_174, %dma_wait3A_179] : memref<4x80xi32, #tpu.memory_space<vmem>> -> memref<1x80xi32, #tpu.memory_space<vmem>>
    %dma_wait3A_181 = tpu.memref_squeeze %dma_wait3A_180 : memref<1x80xi32, #tpu.memory_space<vmem>> -> memref<80xi32, #tpu.memory_space<vmem>>
    %dma_wait3A_182 = tpu.memref_slice %arg4[%add3A_164] : memref<320000xi32, #tpu.memory_space<hbm>> -> memref<80xi32, #tpu.memory_space<hbm>>
    tpu.wait_dma2 semaphore(%arg11 : memref<!tpu.dma_semaphore, #tpu.memory_space<semaphore_mem>>) src(%dma_wait3A_182 : memref<80xi32, #tpu.memory_space<hbm>>) dst(%dma_wait3A_181 : memref<80xi32, #tpu.memory_space<vmem>>)
    %dma_start3A_183 = arith.constant 1 : i32
    %dma_start3A_184 = arith.constant 1 : i32
    %dma_start3A_185 = arith.constant 0 : i32
    %dma_start3A_186 = arith.constant 0 : i32
    %dma_start3A_187 = tpu.memref_slice %arg9[%dma_start3A_184, %dma_start3A_185, %dma_start3A_186] : memref<3x80x128xf32, #tpu.memory_space<vmem>> -> memref<1x80x128xf32, #tpu.memory_space<vmem>>
    %dma_start3A_188 = tpu.memref_squeeze %dma_start3A_187 : memref<1x80x128xf32, #tpu.memory_space<vmem>> -> memref<80x128xf32, #tpu.memory_space<vmem>>
    %dma_start3A_189 = arith.constant 0 : i32
    %dma_start3A_190 = tpu.memref_slice %arg7[%dma_start3A_183, %dma_start3A_189] : memref<4x80xi32, #tpu.memory_space<vmem>> -> memref<1x80xi32, #tpu.memory_space<vmem>>
    %dma_start3A_191 = tpu.memref_squeeze %dma_start3A_190 : memref<1x80xi32, #tpu.memory_space<vmem>> -> memref<80xi32, #tpu.memory_space<vmem>>
    %dma_start3A_192 = arith.constant 0 : i32
    %dma_start3A_193 = arith.constant 0 : i32
    %dma_start3A_194 = tpu.memref_slice %arg2[%dma_start3A_192, %dma_start3A_193] : memref<10000x128xf32, #tpu.memory_space<hbm>> -> memref<10000x128xf32, #tpu.memory_space<hbm>>
    tpu.enqueue_indirect_dma source(%dma_start3A_194 : memref<10000x128xf32, #tpu.memory_space<hbm>>) target(%dma_start3A_188 : memref<80x128xf32, #tpu.memory_space<vmem>>) offsets(%dma_start3A_191 : memref<80xi32, #tpu.memory_space<vmem>>) semaphore(%arg12 : memref<!tpu.dma_semaphore, #tpu.memory_space<semaphore_mem>>)
    %scan3A_195 = arith.constant 0 : i32
    %scan3A_196 = arith.constant 0 : i32
    %scan3A_197 = arith.constant 125 : i32
    %scan3A_198 = arith.addi %scan3A_196, %scan3A_197 : i32
    %scan3A_199 = arith.constant 1 : i32
    %scan3A_200 = scf.for %scan3A_267 = %scan3A_196 to %scan3A_198 step %scan3A_199 iter_args(%scan3A_268 = %scan3A_195) -> (i32)  : i32 {
      %add3A_269 = arith.constant 2 : i32
      %add3A_270 = arith.addi %scan3A_267, %add3A_269 : i32
      %lt3A = arith.constant 125 : i32
      %lt3A_271 = arith.cmpi slt, %add3A_270, %lt3A : i32
      %convert_element_type3A = arith.extui %lt3A_271 : i1 to i32
      %cond3A = arith.constant 0 : i32
      %cond3A_272 = arith.cmpi ne, %convert_element_type3A, %cond3A : i32
      scf.if %cond3A_272 {
        %add3A_294 = arith.constant 2 : i32
        %add3A_295 = arith.addi %scan3A_267, %add3A_294 : i32
        %add3A_296 = arith.constant 2 : i32
        %add3A_297 = arith.addi %scan3A_267, %add3A_296 : i32
        %rem3A_298 = arith.constant 4 : i32
        %rem3A_299 = arith.remsi %add3A_297, %rem3A_298 : i32
        %mul3A_300 = arith.constant 80 : i32
        %mul3A_301 = arith.muli %add3A_295, %mul3A_300 : i32
        %add3A_302 = arith.addi %add3A_72, %mul3A_301 : i32
        %dma_wait3A_303 = arith.constant 0 : i32
        %dma_wait3A_304 = tpu.memref_slice %arg7[%rem3A_299, %dma_wait3A_303] : memref<4x80xi32, #tpu.memory_space<vmem>> -> memref<1x80xi32, #tpu.memory_space<vmem>>
        %dma_wait3A_305 = tpu.memref_squeeze %dma_wait3A_304 : memref<1x80xi32, #tpu.memory_space<vmem>> -> memref<80xi32, #tpu.memory_space<vmem>>
        %dma_wait3A_306 = tpu.memref_slice %arg3[%add3A_302] : memref<320000xi32, #tpu.memory_space<hbm>> -> memref<80xi32, #tpu.memory_space<hbm>>
        %dma_wait3A_307 = arith.constant 0 : i32
        %dma_wait3A_308 = tpu.memref_slice %arg7[%rem3A_299, %dma_wait3A_307] : memref<4x80xi32, #tpu.memory_space<vmem>> -> memref<1x80xi32, #tpu.memory_space<vmem>>
        %dma_wait3A_309 = tpu.memref_squeeze %dma_wait3A_308 : memref<1x80xi32, #tpu.memory_space<vmem>> -> memref<80xi32, #tpu.memory_space<vmem>>
        %dma_wait3A_310 = tpu.memref_slice %arg3[%add3A_302] : memref<320000xi32, #tpu.memory_space<hbm>> -> memref<80xi32, #tpu.memory_space<hbm>>
        tpu.wait_dma2 semaphore(%arg11 : memref<!tpu.dma_semaphore, #tpu.memory_space<semaphore_mem>>) src(%dma_wait3A_310 : memref<80xi32, #tpu.memory_space<hbm>>) dst(%dma_wait3A_309 : memref<80xi32, #tpu.memory_space<vmem>>)
        %dma_wait3A_311 = arith.constant 0 : i32
        %dma_wait3A_312 = tpu.memref_slice %arg8[%rem3A_299, %dma_wait3A_311] : memref<4x80xi32, #tpu.memory_space<vmem>> -> memref<1x80xi32, #tpu.memory_space<vmem>>
        %dma_wait3A_313 = tpu.memref_squeeze %dma_wait3A_312 : memref<1x80xi32, #tpu.memory_space<vmem>> -> memref<80xi32, #tpu.memory_space<vmem>>
        %dma_wait3A_314 = tpu.memref_slice %arg4[%add3A_302] : memref<320000xi32, #tpu.memory_space<hbm>> -> memref<80xi32, #tpu.memory_space<hbm>>
        %dma_wait3A_315 = arith.constant 0 : i32
        %dma_wait3A_316 = tpu.memref_slice %arg8[%rem3A_299, %dma_wait3A_315] : memref<4x80xi32, #tpu.memory_space<vmem>> -> memref<1x80xi32, #tpu.memory_space<vmem>>
        %dma_wait3A_317 = tpu.memref_squeeze %dma_wait3A_316 : memref<1x80xi32, #tpu.memory_space<vmem>> -> memref<80xi32, #tpu.memory_space<vmem>>
        %dma_wait3A_318 = tpu.memref_slice %arg4[%add3A_302] : memref<320000xi32, #tpu.memory_space<hbm>> -> memref<80xi32, #tpu.memory_space<hbm>>
        tpu.wait_dma2 semaphore(%arg11 : memref<!tpu.dma_semaphore, #tpu.memory_space<semaphore_mem>>) src(%dma_wait3A_318 : memref<80xi32, #tpu.memory_space<hbm>>) dst(%dma_wait3A_317 : memref<80xi32, #tpu.memory_space<vmem>>)
        %add3A_319 = arith.constant 2 : i32
        %add3A_320 = arith.addi %scan3A_267, %add3A_319 : i32
        %rem3A_321 = arith.constant 4 : i32
        %rem3A_322 = arith.remsi %add3A_320, %rem3A_321 : i32
        %add3A_323 = arith.constant 2 : i32
        %add3A_324 = arith.addi %scan3A_267, %add3A_323 : i32
        %rem3A_325 = arith.constant 3 : i32
        %rem3A_326 = arith.remsi %add3A_324, %rem3A_325 : i32
        %dma_start3A_327 = arith.constant 0 : i32
        %dma_start3A_328 = arith.constant 0 : i32
        %dma_start3A_329 = tpu.memref_slice %arg9[%rem3A_326, %dma_start3A_327, %dma_start3A_328] : memref<3x80x128xf32, #tpu.memory_space<vmem>> -> memref<1x80x128xf32, #tpu.memory_space<vmem>>
        %dma_start3A_330 = tpu.memref_squeeze %dma_start3A_329 : memref<1x80x128xf32, #tpu.memory_space<vmem>> -> memref<80x128xf32, #tpu.memory_space<vmem>>
        %dma_start3A_331 = arith.constant 0 : i32
        %dma_start3A_332 = tpu.memref_slice %arg7[%rem3A_322, %dma_start3A_331] : memref<4x80xi32, #tpu.memory_space<vmem>> -> memref<1x80xi32, #tpu.memory_space<vmem>>
        %dma_start3A_333 = tpu.memref_squeeze %dma_start3A_332 : memref<1x80xi32, #tpu.memory_space<vmem>> -> memref<80xi32, #tpu.memory_space<vmem>>
        %dma_start3A_334 = arith.constant 0 : i32
        %dma_start3A_335 = arith.constant 0 : i32
        %dma_start3A_336 = tpu.memref_slice %arg2[%dma_start3A_334, %dma_start3A_335] : memref<10000x128xf32, #tpu.memory_space<hbm>> -> memref<10000x128xf32, #tpu.memory_space<hbm>>
        tpu.enqueue_indirect_dma source(%dma_start3A_336 : memref<10000x128xf32, #tpu.memory_space<hbm>>) target(%dma_start3A_330 : memref<80x128xf32, #tpu.memory_space<vmem>>) offsets(%dma_start3A_333 : memref<80xi32, #tpu.memory_space<vmem>>) semaphore(%arg12 : memref<!tpu.dma_semaphore, #tpu.memory_space<semaphore_mem>>)
      } else {
      }
      %add3A_273 = arith.constant 3 : i32
      %add3A_274 = arith.addi %scan3A_267, %add3A_273 : i32
      %lt3A_275 = arith.constant 125 : i32
      %lt3A_276 = arith.cmpi slt, %add3A_274, %lt3A_275 : i32
      %convert_element_type3A_277 = arith.extui %lt3A_276 : i1 to i32
      %cond3A_278 = arith.constant 0 : i32
      %cond3A_279 = arith.cmpi ne, %convert_element_type3A_277, %cond3A_278 : i32
      scf.if %cond3A_279 {
        %add3A_294 = arith.constant 3 : i32
        %add3A_295 = arith.addi %scan3A_267, %add3A_294 : i32
        %add3A_296 = arith.constant 3 : i32
        %add3A_297 = arith.addi %scan3A_267, %add3A_296 : i32
        %rem3A_298 = arith.constant 4 : i32
        %rem3A_299 = arith.remsi %add3A_297, %rem3A_298 : i32
        %mul3A_300 = arith.constant 80 : i32
        %mul3A_301 = arith.muli %add3A_295, %mul3A_300 : i32
        %add3A_302 = arith.addi %add3A_72, %mul3A_301 : i32
        %dma_start3A_303 = arith.constant 0 : i32
        %dma_start3A_304 = tpu.memref_slice %arg7[%rem3A_299, %dma_start3A_303] : memref<4x80xi32, #tpu.memory_space<vmem>> -> memref<1x80xi32, #tpu.memory_space<vmem>>
        %dma_start3A_305 = tpu.memref_squeeze %dma_start3A_304 : memref<1x80xi32, #tpu.memory_space<vmem>> -> memref<80xi32, #tpu.memory_space<vmem>>
        %dma_start3A_306 = tpu.memref_slice %arg3[%add3A_302] : memref<320000xi32, #tpu.memory_space<hbm>> -> memref<80xi32, #tpu.memory_space<hbm>>
        %dma_start3A_307 = arith.constant 0 : i32
        %dma_start3A_308 = tpu.memref_slice %arg7[%rem3A_299, %dma_start3A_307] : memref<4x80xi32, #tpu.memory_space<vmem>> -> memref<1x80xi32, #tpu.memory_space<vmem>>
        %dma_start3A_309 = tpu.memref_squeeze %dma_start3A_308 : memref<1x80xi32, #tpu.memory_space<vmem>> -> memref<80xi32, #tpu.memory_space<vmem>>
        %dma_start3A_310 = tpu.memref_slice %arg3[%add3A_302] : memref<320000xi32, #tpu.memory_space<hbm>> -> memref<80xi32, #tpu.memory_space<hbm>>
        tpu.enqueue_dma source(%dma_start3A_310 : memref<80xi32, #tpu.memory_space<hbm>>) target(%dma_start3A_309 : memref<80xi32, #tpu.memory_space<vmem>>) target_semaphore(%arg11 : memref<!tpu.dma_semaphore, #tpu.memory_space<semaphore_mem>>)
        %dma_start3A_311 = arith.constant 0 : i32
        %dma_start3A_312 = tpu.memref_slice %arg8[%rem3A_299, %dma_start3A_311] : memref<4x80xi32, #tpu.memory_space<vmem>> -> memref<1x80xi32, #tpu.memory_space<vmem>>
        %dma_start3A_313 = tpu.memref_squeeze %dma_start3A_312 : memref<1x80xi32, #tpu.memory_space<vmem>> -> memref<80xi32, #tpu.memory_space<vmem>>
        %dma_start3A_314 = tpu.memref_slice %arg4[%add3A_302] : memref<320000xi32, #tpu.memory_space<hbm>> -> memref<80xi32, #tpu.memory_space<hbm>>
        %dma_start3A_315 = arith.constant 0 : i32
        %dma_start3A_316 = tpu.memref_slice %arg8[%rem3A_299, %dma_start3A_315] : memref<4x80xi32, #tpu.memory_space<vmem>> -> memref<1x80xi32, #tpu.memory_space<vmem>>
        %dma_start3A_317 = tpu.memref_squeeze %dma_start3A_316 : memref<1x80xi32, #tpu.memory_space<vmem>> -> memref<80xi32, #tpu.memory_space<vmem>>
        %dma_start3A_318 = tpu.memref_slice %arg4[%add3A_302] : memref<320000xi32, #tpu.memory_space<hbm>> -> memref<80xi32, #tpu.memory_space<hbm>>
        tpu.enqueue_dma source(%dma_start3A_318 : memref<80xi32, #tpu.memory_space<hbm>>) target(%dma_start3A_317 : memref<80xi32, #tpu.memory_space<vmem>>) target_semaphore(%arg11 : memref<!tpu.dma_semaphore, #tpu.memory_space<semaphore_mem>>)
      } else {
      }
      %rem3A = arith.constant 3 : i32
      %rem3A_280 = arith.remsi %scan3A_267, %rem3A : i32
      %rem3A_281 = arith.constant 4 : i32
      %rem3A_282 = arith.remsi %scan3A_267, %rem3A_281 : i32
      %dma_wait3A_283 = arith.constant 0 : i32
      %dma_wait3A_284 = arith.constant 0 : i32
      %dma_wait3A_285 = tpu.memref_slice %arg9[%rem3A_280, %dma_wait3A_283, %dma_wait3A_284] : memref<3x80x128xf32, #tpu.memory_space<vmem>> -> memref<1x80x128xf32, #tpu.memory_space<vmem>>
      %dma_wait3A_286 = tpu.memref_squeeze %dma_wait3A_285 : memref<1x80x128xf32, #tpu.memory_space<vmem>> -> memref<80x128xf32, #tpu.memory_space<vmem>>
      %dma_wait3A_287 = arith.constant 0 : i32
      %dma_wait3A_288 = tpu.memref_slice %arg7[%rem3A_282, %dma_wait3A_287] : memref<4x80xi32, #tpu.memory_space<vmem>> -> memref<1x80xi32, #tpu.memory_space<vmem>>
      %dma_wait3A_289 = tpu.memref_squeeze %dma_wait3A_288 : memref<1x80xi32, #tpu.memory_space<vmem>> -> memref<80xi32, #tpu.memory_space<vmem>>
      %dma_wait3A_290 = arith.constant 0 : i32
      %dma_wait3A_291 = arith.constant 0 : i32
      %dma_wait3A_292 = tpu.memref_slice %arg2[%dma_wait3A_290, %dma_wait3A_291] : memref<10000x128xf32, #tpu.memory_space<hbm>> -> memref<10000x128xf32, #tpu.memory_space<hbm>>
      tpu.wait_indirect_dma semaphore(%arg12 : memref<!tpu.dma_semaphore, #tpu.memory_space<semaphore_mem>>) src(%dma_wait3A_292 : memref<10000x128xf32, #tpu.memory_space<hbm>>) dst(%dma_wait3A_286 : memref<80x128xf32, #tpu.memory_space<vmem>>)
      "tpu.region"() ({
        %run_scoped3A = tpu.sem_alloc : memref<!tpu.dma_semaphore, #tpu.memory_space<semaphore_mem>>
        %dma_start3A_294 = arith.constant 0 : i32
        %dma_start3A_295 = arith.constant 0 : i32
        %dma_start3A_296 = tpu.memref_slice %arg9[%rem3A_280, %dma_start3A_294, %dma_start3A_295] : memref<3x80x128xf32, #tpu.memory_space<vmem>> -> memref<1x80x128xf32, #tpu.memory_space<vmem>>
        %dma_start3A_297 = tpu.memref_squeeze %dma_start3A_296 : memref<1x80x128xf32, #tpu.memory_space<vmem>> -> memref<80x128xf32, #tpu.memory_space<vmem>>
        %dma_start3A_298 = arith.constant 0 : i32
        %dma_start3A_299 = tpu.memref_slice %arg8[%rem3A_282, %dma_start3A_298] : memref<4x80xi32, #tpu.memory_space<vmem>> -> memref<1x80xi32, #tpu.memory_space<vmem>>
        %dma_start3A_300 = tpu.memref_squeeze %dma_start3A_299 : memref<1x80xi32, #tpu.memory_space<vmem>> -> memref<80xi32, #tpu.memory_space<vmem>>
        %dma_start3A_301 = arith.constant 0 : i32
        %dma_start3A_302 = arith.constant 0 : i32
        %dma_start3A_303 = tpu.memref_slice %arg6[%dma_start3A_301, %dma_start3A_302] : memref<10240x128xf32, #tpu.memory_space<vmem_shared>> -> memref<10240x128xf32, #tpu.memory_space<vmem_shared>>
        tpu.enqueue_indirect_dma source(%dma_start3A_297 : memref<80x128xf32, #tpu.memory_space<vmem>>) target(%dma_start3A_303 : memref<10240x128xf32, #tpu.memory_space<vmem_shared>>) offsets(%dma_start3A_300 : memref<80xi32, #tpu.memory_space<vmem>>) semaphore(%run_scoped3A : memref<!tpu.dma_semaphore, #tpu.memory_space<semaphore_mem>>) {add = true}
        %dma_wait3A_304 = arith.constant 0 : i32
        %dma_wait3A_305 = arith.constant 0 : i32
        %dma_wait3A_306 = tpu.memref_slice %arg9[%rem3A_280, %dma_wait3A_304, %dma_wait3A_305] : memref<3x80x128xf32, #tpu.memory_space<vmem>> -> memref<1x80x128xf32, #tpu.memory_space<vmem>>
        %dma_wait3A_307 = tpu.memref_squeeze %dma_wait3A_306 : memref<1x80x128xf32, #tpu.memory_space<vmem>> -> memref<80x128xf32, #tpu.memory_space<vmem>>
        %dma_wait3A_308 = arith.constant 0 : i32
        %dma_wait3A_309 = tpu.memref_slice %arg8[%rem3A_282, %dma_wait3A_308] : memref<4x80xi32, #tpu.memory_space<vmem>> -> memref<1x80xi32, #tpu.memory_space<vmem>>
        %dma_wait3A_310 = tpu.memref_squeeze %dma_wait3A_309 : memref<1x80xi32, #tpu.memory_space<vmem>> -> memref<80xi32, #tpu.memory_space<vmem>>
        %dma_wait3A_311 = arith.constant 0 : i32
        %dma_wait3A_312 = arith.constant 0 : i32
        %dma_wait3A_313 = tpu.memref_slice %arg6[%dma_wait3A_311, %dma_wait3A_312] : memref<10240x128xf32, #tpu.memory_space<vmem_shared>> -> memref<10240x128xf32, #tpu.memory_space<vmem_shared>>
        tpu.wait_indirect_dma semaphore(%run_scoped3A : memref<!tpu.dma_semaphore, #tpu.memory_space<semaphore_mem>>) src(%dma_wait3A_307 : memref<80x128xf32, #tpu.memory_space<vmem>>) dst(%dma_wait3A_313 : memref<10240x128xf32, #tpu.memory_space<vmem_shared>>)
        tpu.yield
      }) : () -> ()
      %scan3A_293 = arith.constant 0 : i32
      scf.yield %scan3A_293 : i32
    }
    %scan3A_201 = arith.constant 125 : i32
    %barrier3A_202 = arith.constant 0 : index
    tpu.barrier barrier_id(%barrier3A_202)
    %mul3A_203 = arith.constant 640 : i32
    %mul3A_204 = arith.muli %arg1, %mul3A_203 : i32
    %add3A_205 = arith.constant 0 : i32
    %add3A_206 = arith.addi %mul3A_204, %add3A_205 : i32
    "tpu.region"() ({
      %run_scoped3A = tpu.sem_alloc : memref<!tpu.dma_semaphore, #tpu.memory_space<semaphore_mem>>
      %dma_start3A_267 = arith.constant 0 : i32
      %dma_start3A_268 = tpu.memref_slice %arg6[%add3A_206, %dma_start3A_267] : memref<10240x128xf32, #tpu.memory_space<vmem_shared>> -> memref<40x128xf32, #tpu.memory_space<vmem_shared>>
      %dma_start3A_269 = arith.constant 0 : i32
      %dma_start3A_270 = tpu.memref_slice %arg6[%add3A_206, %dma_start3A_269] : memref<10240x128xf32, #tpu.memory_space<vmem_shared>> -> memref<40x128xf32, #tpu.memory_space<vmem_shared>>
      tpu.enqueue_dma source(%dma_start3A_270 : memref<40x128xf32, #tpu.memory_space<vmem_shared>>) target(%arg10 : memref<40x128xf32, #tpu.memory_space<vmem>>) target_semaphore(%run_scoped3A : memref<!tpu.dma_semaphore, #tpu.memory_space<semaphore_mem>>)
      %dma_wait3A_271 = arith.constant 0 : i32
      %dma_wait3A_272 = tpu.memref_slice %arg6[%add3A_206, %dma_wait3A_271] : memref<10240x128xf32, #tpu.memory_space<vmem_shared>> -> memref<40x128xf32, #tpu.memory_space<vmem_shared>>
      %dma_wait3A_273 = arith.constant 0 : i32
      %dma_wait3A_274 = tpu.memref_slice %arg6[%add3A_206, %dma_wait3A_273] : memref<10240x128xf32, #tpu.memory_space<vmem_shared>> -> memref<40x128xf32, #tpu.memory_space<vmem_shared>>
      tpu.wait_dma2 semaphore(%run_scoped3A : memref<!tpu.dma_semaphore, #tpu.memory_space<semaphore_mem>>) src(%dma_wait3A_274 : memref<40x128xf32, #tpu.memory_space<vmem_shared>>) dst(%arg10 : memref<40x128xf32, #tpu.memory_space<vmem>>)
      tpu.yield
    }) : () -> ()
    "tpu.region"() ({
      %run_scoped3A = tpu.sem_alloc : memref<!tpu.dma_semaphore, #tpu.memory_space<semaphore_mem>>
      %dma_start3A_267 = arith.constant 0 : i32
      %dma_start3A_268 = tpu.memref_slice %arg5[%arg0, %add3A_206, %dma_start3A_267] : memref<2x10240x128xf32, #tpu.memory_space<hbm>> -> memref<1x40x128xf32, #tpu.memory_space<hbm>>
      %dma_start3A_269 = tpu.memref_squeeze %dma_start3A_268 : memref<1x40x128xf32, #tpu.memory_space<hbm>> -> memref<40x128xf32, #tpu.memory_space<hbm>>
      %dma_start3A_270 = arith.constant 0 : i32
      %dma_start3A_271 = tpu.memref_slice %arg5[%arg0, %add3A_206, %dma_start3A_270] : memref<2x10240x128xf32, #tpu.memory_space<hbm>> -> memref<1x40x128xf32, #tpu.memory_space<hbm>>
      %dma_start3A_272 = tpu.memref_squeeze %dma_start3A_271 : memref<1x40x128xf32, #tpu.memory_space<hbm>> -> memref<40x128xf32, #tpu.memory_space<hbm>>
      tpu.enqueue_dma source(%arg10 : memref<40x128xf32, #tpu.memory_space<vmem>>) target(%dma_start3A_272 : memref<40x128xf32, #tpu.memory_space<hbm>>) target_semaphore(%run_scoped3A : memref<!tpu.dma_semaphore, #tpu.memory_space<semaphore_mem>>)
      %dma_wait3A_273 = arith.constant 0 : i32
      %dma_wait3A_274 = tpu.memref_slice %arg5[%arg0, %add3A_206, %dma_wait3A_273] : memref<2x10240x128xf32, #tpu.memory_space<hbm>> -> memref<1x40x128xf32, #tpu.memory_space<hbm>>
      %dma_wait3A_275 = tpu.memref_squeeze %dma_wait3A_274 : memref<1x40x128xf32, #tpu.memory_space<hbm>> -> memref<40x128xf32, #tpu.memory_space<hbm>>
      %dma_wait3A_276 = arith.constant 0 : i32
      %dma_wait3A_277 = tpu.memref_slice %arg5[%arg0, %add3A_206, %dma_wait3A_276] : memref<2x10240x128xf32, #tpu.memory_space<hbm>> -> memref<1x40x128xf32, #tpu.memory_space<hbm>>
      %dma_wait3A_278 = tpu.memref_squeeze %dma_wait3A_277 : memref<1x40x128xf32, #tpu.memory_space<hbm>> -> memref<40x128xf32, #tpu.memory_space<hbm>>
      tpu.wait_dma2 semaphore(%run_scoped3A : memref<!tpu.dma_semaphore, #tpu.memory_space<semaphore_mem>>) src(%arg10 : memref<40x128xf32, #tpu.memory_space<vmem>>) dst(%dma_wait3A_278 : memref<40x128xf32, #tpu.memory_space<hbm>>)
      tpu.yield
    }) : () -> ()
    %mul3A_207 = arith.constant 640 : i32
    %mul3A_208 = arith.muli %arg1, %mul3A_207 : i32
    %add3A_209 = arith.constant 40 : i32
    %add3A_210 = arith.addi %mul3A_208, %add3A_209 : i32
    "tpu.region"() ({
      %run_scoped3A = tpu.sem_alloc : memref<!tpu.dma_semaphore, #tpu.memory_space<semaphore_mem>>
      %dma_start3A_267 = arith.constant 0 : i32
      %dma_start3A_268 = tpu.memref_slice %arg6[%add3A_210, %dma_start3A_267] : memref<10240x128xf32, #tpu.memory_space<vmem_shared>> -> memref<40x128xf32, #tpu.memory_space<vmem_shared>>
      %dma_start3A_269 = arith.constant 0 : i32
      %dma_start3A_270 = tpu.memref_slice %arg6[%add3A_210, %dma_start3A_269] : memref<10240x128xf32, #tpu.memory_space<vmem_shared>> -> memref<40x128xf32, #tpu.memory_space<vmem_shared>>
      tpu.enqueue_dma source(%dma_start3A_270 : memref<40x128xf32, #tpu.memory_space<vmem_shared>>) target(%arg10 : memref<40x128xf32, #tpu.memory_space<vmem>>) target_semaphore(%run_scoped3A : memref<!tpu.dma_semaphore, #tpu.memory_space<semaphore_mem>>)
      %dma_wait3A_271 = arith.constant 0 : i32
      %dma_wait3A_272 = tpu.memref_slice %arg6[%add3A_210, %dma_wait3A_271] : memref<10240x128xf32, #tpu.memory_space<vmem_shared>> -> memref<40x128xf32, #tpu.memory_space<vmem_shared>>
      %dma_wait3A_273 = arith.constant 0 : i32
      %dma_wait3A_274 = tpu.memref_slice %arg6[%add3A_210, %dma_wait3A_273] : memref<10240x128xf32, #tpu.memory_space<vmem_shared>> -> memref<40x128xf32, #tpu.memory_space<vmem_shared>>
      tpu.wait_dma2 semaphore(%run_scoped3A : memref<!tpu.dma_semaphore, #tpu.memory_space<semaphore_mem>>) src(%dma_wait3A_274 : memref<40x128xf32, #tpu.memory_space<vmem_shared>>) dst(%arg10 : memref<40x128xf32, #tpu.memory_space<vmem>>)
      tpu.yield
    }) : () -> ()
    "tpu.region"() ({
      %run_scoped3A = tpu.sem_alloc : memref<!tpu.dma_semaphore, #tpu.memory_space<semaphore_mem>>
      %dma_start3A_267 = arith.constant 0 : i32
      %dma_start3A_268 = tpu.memref_slice %arg5[%arg0, %add3A_210, %dma_start3A_267] : memref<2x10240x128xf32, #tpu.memory_space<hbm>> -> memref<1x40x128xf32, #tpu.memory_space<hbm>>
      %dma_start3A_269 = tpu.memref_squeeze %dma_start3A_268 : memref<1x40x128xf32, #tpu.memory_space<hbm>> -> memref<40x128xf32, #tpu.memory_space<hbm>>
      %dma_start3A_270 = arith.constant 0 : i32
      %dma_start3A_271 = tpu.memref_slice %arg5[%arg0, %add3A_210, %dma_start3A_270] : memref<2x10240x128xf32, #tpu.memory_space<hbm>> -> memref<1x40x128xf32, #tpu.memory_space<hbm>>
      %dma_start3A_272 = tpu.memref_squeeze %dma_start3A_271 : memref<1x40x128xf32, #tpu.memory_space<hbm>> -> memref<40x128xf32, #tpu.memory_space<hbm>>
      tpu.enqueue_dma source(%arg10 : memref<40x128xf32, #tpu.memory_space<vmem>>) target(%dma_start3A_272 : memref<40x128xf32, #tpu.memory_space<hbm>>) target_semaphore(%run_scoped3A : memref<!tpu.dma_semaphore, #tpu.memory_space<semaphore_mem>>)
      %dma_wait3A_273 = arith.constant 0 : i32
      %dma_wait3A_274 = tpu.memref_slice %arg5[%arg0, %add3A_210, %dma_wait3A_273] : memref<2x10240x128xf32, #tpu.memory_space<hbm>> -> memref<1x40x128xf32, #tpu.memory_space<hbm>>
      %dma_wait3A_275 = tpu.memref_squeeze %dma_wait3A_274 : memref<1x40x128xf32, #tpu.memory_space<hbm>> -> memref<40x128xf32, #tpu.memory_space<hbm>>
      %dma_wait3A_276 = arith.constant 0 : i32
      %dma_wait3A_277 = tpu.memref_slice %arg5[%arg0, %add3A_210, %dma_wait3A_276] : memref<2x10240x128xf32, #tpu.memory_space<hbm>> -> memref<1x40x128xf32, #tpu.memory_space<hbm>>
      %dma_wait3A_278 = tpu.memref_squeeze %dma_wait3A_277 : memref<1x40x128xf32, #tpu.memory_space<hbm>> -> memref<40x128xf32, #tpu.memory_space<hbm>>
      tpu.wait_dma2 semaphore(%run_scoped3A : memref<!tpu.dma_semaphore, #tpu.memory_space<semaphore_mem>>) src(%arg10 : memref<40x128xf32, #tpu.memory_space<vmem>>) dst(%dma_wait3A_278 : memref<40x128xf32, #tpu.memory_space<hbm>>)
      tpu.yield
    }) : () -> ()
    %mul3A_211 = arith.constant 640 : i32
    %mul3A_212 = arith.muli %arg1, %mul3A_211 : i32
    %add3A_213 = arith.constant 80 : i32
    %add3A_214 = arith.addi %mul3A_212, %add3A_213 : i32
    "tpu.region"() ({
      %run_scoped3A = tpu.sem_alloc : memref<!tpu.dma_semaphore, #tpu.memory_space<semaphore_mem>>
      %dma_start3A_267 = arith.constant 0 : i32
      %dma_start3A_268 = tpu.memref_slice %arg6[%add3A_214, %dma_start3A_267] : memref<10240x128xf32, #tpu.memory_space<vmem_shared>> -> memref<40x128xf32, #tpu.memory_space<vmem_shared>>
      %dma_start3A_269 = arith.constant 0 : i32
      %dma_start3A_270 = tpu.memref_slice %arg6[%add3A_214, %dma_start3A_269] : memref<10240x128xf32, #tpu.memory_space<vmem_shared>> -> memref<40x128xf32, #tpu.memory_space<vmem_shared>>
      tpu.enqueue_dma source(%dma_start3A_270 : memref<40x128xf32, #tpu.memory_space<vmem_shared>>) target(%arg10 : memref<40x128xf32, #tpu.memory_space<vmem>>) target_semaphore(%run_scoped3A : memref<!tpu.dma_semaphore, #tpu.memory_space<semaphore_mem>>)
      %dma_wait3A_271 = arith.constant 0 : i32
      %dma_wait3A_272 = tpu.memref_slice %arg6[%add3A_214, %dma_wait3A_271] : memref<10240x128xf32, #tpu.memory_space<vmem_shared>> -> memref<40x128xf32, #tpu.memory_space<vmem_shared>>
      %dma_wait3A_273 = arith.constant 0 : i32
      %dma_wait3A_274 = tpu.memref_slice %arg6[%add3A_214, %dma_wait3A_273] : memref<10240x128xf32, #tpu.memory_space<vmem_shared>> -> memref<40x128xf32, #tpu.memory_space<vmem_shared>>
      tpu.wait_dma2 semaphore(%run_scoped3A : memref<!tpu.dma_semaphore, #tpu.memory_space<semaphore_mem>>) src(%dma_wait3A_274 : memref<40x128xf32, #tpu.memory_space<vmem_shared>>) dst(%arg10 : memref<40x128xf32, #tpu.memory_space<vmem>>)
      tpu.yield
    }) : () -> ()
    "tpu.region"() ({
      %run_scoped3A = tpu.sem_alloc : memref<!tpu.dma_semaphore, #tpu.memory_space<semaphore_mem>>
      %dma_start3A_267 = arith.constant 0 : i32
      %dma_start3A_268 = tpu.memref_slice %arg5[%arg0, %add3A_214, %dma_start3A_267] : memref<2x10240x128xf32, #tpu.memory_space<hbm>> -> memref<1x40x128xf32, #tpu.memory_space<hbm>>
      %dma_start3A_269 = tpu.memref_squeeze %dma_start3A_268 : memref<1x40x128xf32, #tpu.memory_space<hbm>> -> memref<40x128xf32, #tpu.memory_space<hbm>>
      %dma_start3A_270 = arith.constant 0 : i32
      %dma_start3A_271 = tpu.memref_slice %arg5[%arg0, %add3A_214, %dma_start3A_270] : memref<2x10240x128xf32, #tpu.memory_space<hbm>> -> memref<1x40x128xf32, #tpu.memory_space<hbm>>
      %dma_start3A_272 = tpu.memref_squeeze %dma_start3A_271 : memref<1x40x128xf32, #tpu.memory_space<hbm>> -> memref<40x128xf32, #tpu.memory_space<hbm>>
      tpu.enqueue_dma source(%arg10 : memref<40x128xf32, #tpu.memory_space<vmem>>) target(%dma_start3A_272 : memref<40x128xf32, #tpu.memory_space<hbm>>) target_semaphore(%run_scoped3A : memref<!tpu.dma_semaphore, #tpu.memory_space<semaphore_mem>>)
      %dma_wait3A_273 = arith.constant 0 : i32
      %dma_wait3A_274 = tpu.memref_slice %arg5[%arg0, %add3A_214, %dma_wait3A_273] : memref<2x10240x128xf32, #tpu.memory_space<hbm>> -> memref<1x40x128xf32, #tpu.memory_space<hbm>>
      %dma_wait3A_275 = tpu.memref_squeeze %dma_wait3A_274 : memref<1x40x128xf32, #tpu.memory_space<hbm>> -> memref<40x128xf32, #tpu.memory_space<hbm>>
      %dma_wait3A_276 = arith.constant 0 : i32
      %dma_wait3A_277 = tpu.memref_slice %arg5[%arg0, %add3A_214, %dma_wait3A_276] : memref<2x10240x128xf32, #tpu.memory_space<hbm>> -> memref<1x40x128xf32, #tpu.memory_space<hbm>>
      %dma_wait3A_278 = tpu.memref_squeeze %dma_wait3A_277 : memref<1x40x128xf32, #tpu.memory_space<hbm>> -> memref<40x128xf32, #tpu.memory_space<hbm>>
      tpu.wait_dma2 semaphore(%run_scoped3A : memref<!tpu.dma_semaphore, #tpu.memory_space<semaphore_mem>>) src(%arg10 : memref<40x128xf32, #tpu.memory_space<vmem>>) dst(%dma_wait3A_278 : memref<40x128xf32, #tpu.memory_space<hbm>>)
      tpu.yield
    }) : () -> ()
    %mul3A_215 = arith.constant 640 : i32
    %mul3A_216 = arith.muli %arg1, %mul3A_215 : i32
    %add3A_217 = arith.constant 120 : i32
    %add3A_218 = arith.addi %mul3A_216, %add3A_217 : i32
    "tpu.region"() ({
      %run_scoped3A = tpu.sem_alloc : memref<!tpu.dma_semaphore, #tpu.memory_space<semaphore_mem>>
      %dma_start3A_267 = arith.constant 0 : i32
      %dma_start3A_268 = tpu.memref_slice %arg6[%add3A_218, %dma_start3A_267] : memref<10240x128xf32, #tpu.memory_space<vmem_shared>> -> memref<40x128xf32, #tpu.memory_space<vmem_shared>>
      %dma_start3A_269 = arith.constant 0 : i32
      %dma_start3A_270 = tpu.memref_slice %arg6[%add3A_218, %dma_start3A_269] : memref<10240x128xf32, #tpu.memory_space<vmem_shared>> -> memref<40x128xf32, #tpu.memory_space<vmem_shared>>
      tpu.enqueue_dma source(%dma_start3A_270 : memref<40x128xf32, #tpu.memory_space<vmem_shared>>) target(%arg10 : memref<40x128xf32, #tpu.memory_space<vmem>>) target_semaphore(%run_scoped3A : memref<!tpu.dma_semaphore, #tpu.memory_space<semaphore_mem>>)
      %dma_wait3A_271 = arith.constant 0 : i32
      %dma_wait3A_272 = tpu.memref_slice %arg6[%add3A_218, %dma_wait3A_271] : memref<10240x128xf32, #tpu.memory_space<vmem_shared>> -> memref<40x128xf32, #tpu.memory_space<vmem_shared>>
      %dma_wait3A_273 = arith.constant 0 : i32
      %dma_wait3A_274 = tpu.memref_slice %arg6[%add3A_218, %dma_wait3A_273] : memref<10240x128xf32, #tpu.memory_space<vmem_shared>> -> memref<40x128xf32, #tpu.memory_space<vmem_shared>>
      tpu.wait_dma2 semaphore(%run_scoped3A : memref<!tpu.dma_semaphore, #tpu.memory_space<semaphore_mem>>) src(%dma_wait3A_274 : memref<40x128xf32, #tpu.memory_space<vmem_shared>>) dst(%arg10 : memref<40x128xf32, #tpu.memory_space<vmem>>)
      tpu.yield
    }) : () -> ()
    "tpu.region"() ({
      %run_scoped3A = tpu.sem_alloc : memref<!tpu.dma_semaphore, #tpu.memory_space<semaphore_mem>>
      %dma_start3A_267 = arith.constant 0 : i32
      %dma_start3A_268 = tpu.memref_slice %arg5[%arg0, %add3A_218, %dma_start3A_267] : memref<2x10240x128xf32, #tpu.memory_space<hbm>> -> memref<1x40x128xf32, #tpu.memory_space<hbm>>
      %dma_start3A_269 = tpu.memref_squeeze %dma_start3A_268 : memref<1x40x128xf32, #tpu.memory_space<hbm>> -> memref<40x128xf32, #tpu.memory_space<hbm>>
      %dma_start3A_270 = arith.constant 0 : i32
      %dma_start3A_271 = tpu.memref_slice %arg5[%arg0, %add3A_218, %dma_start3A_270] : memref<2x10240x128xf32, #tpu.memory_space<hbm>> -> memref<1x40x128xf32, #tpu.memory_space<hbm>>
      %dma_start3A_272 = tpu.memref_squeeze %dma_start3A_271 : memref<1x40x128xf32, #tpu.memory_space<hbm>> -> memref<40x128xf32, #tpu.memory_space<hbm>>
      tpu.enqueue_dma source(%arg10 : memref<40x128xf32, #tpu.memory_space<vmem>>) target(%dma_start3A_272 : memref<40x128xf32, #tpu.memory_space<hbm>>) target_semaphore(%run_scoped3A : memref<!tpu.dma_semaphore, #tpu.memory_space<semaphore_mem>>)
      %dma_wait3A_273 = arith.constant 0 : i32
      %dma_wait3A_274 = tpu.memref_slice %arg5[%arg0, %add3A_218, %dma_wait3A_273] : memref<2x10240x128xf32, #tpu.memory_space<hbm>> -> memref<1x40x128xf32, #tpu.memory_space<hbm>>
      %dma_wait3A_275 = tpu.memref_squeeze %dma_wait3A_274 : memref<1x40x128xf32, #tpu.memory_space<hbm>> -> memref<40x128xf32, #tpu.memory_space<hbm>>
      %dma_wait3A_276 = arith.constant 0 : i32
      %dma_wait3A_277 = tpu.memref_slice %arg5[%arg0, %add3A_218, %dma_wait3A_276] : memref<2x10240x128xf32, #tpu.memory_space<hbm>> -> memref<1x40x128xf32, #tpu.memory_space<hbm>>
      %dma_wait3A_278 = tpu.memref_squeeze %dma_wait3A_277 : memref<1x40x128xf32, #tpu.memory_space<hbm>> -> memref<40x128xf32, #tpu.memory_space<hbm>>
      tpu.wait_dma2 semaphore(%run_scoped3A : memref<!tpu.dma_semaphore, #tpu.memory_space<semaphore_mem>>) src(%arg10 : memref<40x128xf32, #tpu.memory_space<vmem>>) dst(%dma_wait3A_278 : memref<40x128xf32, #tpu.memory_space<hbm>>)
      tpu.yield
    }) : () -> ()
    %mul3A_219 = arith.constant 640 : i32
    %mul3A_220 = arith.muli %arg1, %mul3A_219 : i32
    %add3A_221 = arith.constant 160 : i32
    %add3A_222 = arith.addi %mul3A_220, %add3A_221 : i32
    "tpu.region"() ({
      %run_scoped3A = tpu.sem_alloc : memref<!tpu.dma_semaphore, #tpu.memory_space<semaphore_mem>>
      %dma_start3A_267 = arith.constant 0 : i32
      %dma_start3A_268 = tpu.memref_slice %arg6[%add3A_222, %dma_start3A_267] : memref<10240x128xf32, #tpu.memory_space<vmem_shared>> -> memref<40x128xf32, #tpu.memory_space<vmem_shared>>
      %dma_start3A_269 = arith.constant 0 : i32
      %dma_start3A_270 = tpu.memref_slice %arg6[%add3A_222, %dma_start3A_269] : memref<10240x128xf32, #tpu.memory_space<vmem_shared>> -> memref<40x128xf32, #tpu.memory_space<vmem_shared>>
      tpu.enqueue_dma source(%dma_start3A_270 : memref<40x128xf32, #tpu.memory_space<vmem_shared>>) target(%arg10 : memref<40x128xf32, #tpu.memory_space<vmem>>) target_semaphore(%run_scoped3A : memref<!tpu.dma_semaphore, #tpu.memory_space<semaphore_mem>>)
      %dma_wait3A_271 = arith.constant 0 : i32
      %dma_wait3A_272 = tpu.memref_slice %arg6[%add3A_222, %dma_wait3A_271] : memref<10240x128xf32, #tpu.memory_space<vmem_shared>> -> memref<40x128xf32, #tpu.memory_space<vmem_shared>>
      %dma_wait3A_273 = arith.constant 0 : i32
      %dma_wait3A_274 = tpu.memref_slice %arg6[%add3A_222, %dma_wait3A_273] : memref<10240x128xf32, #tpu.memory_space<vmem_shared>> -> memref<40x128xf32, #tpu.memory_space<vmem_shared>>
      tpu.wait_dma2 semaphore(%run_scoped3A : memref<!tpu.dma_semaphore, #tpu.memory_space<semaphore_mem>>) src(%dma_wait3A_274 : memref<40x128xf32, #tpu.memory_space<vmem_shared>>) dst(%arg10 : memref<40x128xf32, #tpu.memory_space<vmem>>)
      tpu.yield
    }) : () -> ()
    "tpu.region"() ({
      %run_scoped3A = tpu.sem_alloc : memref<!tpu.dma_semaphore, #tpu.memory_space<semaphore_mem>>
      %dma_start3A_267 = arith.constant 0 : i32
      %dma_start3A_268 = tpu.memref_slice %arg5[%arg0, %add3A_222, %dma_start3A_267] : memref<2x10240x128xf32, #tpu.memory_space<hbm>> -> memref<1x40x128xf32, #tpu.memory_space<hbm>>
      %dma_start3A_269 = tpu.memref_squeeze %dma_start3A_268 : memref<1x40x128xf32, #tpu.memory_space<hbm>> -> memref<40x128xf32, #tpu.memory_space<hbm>>
      %dma_start3A_270 = arith.constant 0 : i32
      %dma_start3A_271 = tpu.memref_slice %arg5[%arg0, %add3A_222, %dma_start3A_270] : memref<2x10240x128xf32, #tpu.memory_space<hbm>> -> memref<1x40x128xf32, #tpu.memory_space<hbm>>
      %dma_start3A_272 = tpu.memref_squeeze %dma_start3A_271 : memref<1x40x128xf32, #tpu.memory_space<hbm>> -> memref<40x128xf32, #tpu.memory_space<hbm>>
      tpu.enqueue_dma source(%arg10 : memref<40x128xf32, #tpu.memory_space<vmem>>) target(%dma_start3A_272 : memref<40x128xf32, #tpu.memory_space<hbm>>) target_semaphore(%run_scoped3A : memref<!tpu.dma_semaphore, #tpu.memory_space<semaphore_mem>>)
      %dma_wait3A_273 = arith.constant 0 : i32
      %dma_wait3A_274 = tpu.memref_slice %arg5[%arg0, %add3A_222, %dma_wait3A_273] : memref<2x10240x128xf32, #tpu.memory_space<hbm>> -> memref<1x40x128xf32, #tpu.memory_space<hbm>>
      %dma_wait3A_275 = tpu.memref_squeeze %dma_wait3A_274 : memref<1x40x128xf32, #tpu.memory_space<hbm>> -> memref<40x128xf32, #tpu.memory_space<hbm>>
      %dma_wait3A_276 = arith.constant 0 : i32
      %dma_wait3A_277 = tpu.memref_slice %arg5[%arg0, %add3A_222, %dma_wait3A_276] : memref<2x10240x128xf32, #tpu.memory_space<hbm>> -> memref<1x40x128xf32, #tpu.memory_space<hbm>>
      %dma_wait3A_278 = tpu.memref_squeeze %dma_wait3A_277 : memref<1x40x128xf32, #tpu.memory_space<hbm>> -> memref<40x128xf32, #tpu.memory_space<hbm>>
      tpu.wait_dma2 semaphore(%run_scoped3A : memref<!tpu.dma_semaphore, #tpu.memory_space<semaphore_mem>>) src(%arg10 : memref<40x128xf32, #tpu.memory_space<vmem>>) dst(%dma_wait3A_278 : memref<40x128xf32, #tpu.memory_space<hbm>>)
      tpu.yield
    }) : () -> ()
    %mul3A_223 = arith.constant 640 : i32
    %mul3A_224 = arith.muli %arg1, %mul3A_223 : i32
    %add3A_225 = arith.constant 200 : i32
    %add3A_226 = arith.addi %mul3A_224, %add3A_225 : i32
    "tpu.region"() ({
      %run_scoped3A = tpu.sem_alloc : memref<!tpu.dma_semaphore, #tpu.memory_space<semaphore_mem>>
      %dma_start3A_267 = arith.constant 0 : i32
      %dma_start3A_268 = tpu.memref_slice %arg6[%add3A_226, %dma_start3A_267] : memref<10240x128xf32, #tpu.memory_space<vmem_shared>> -> memref<40x128xf32, #tpu.memory_space<vmem_shared>>
      %dma_start3A_269 = arith.constant 0 : i32
      %dma_start3A_270 = tpu.memref_slice %arg6[%add3A_226, %dma_start3A_269] : memref<10240x128xf32, #tpu.memory_space<vmem_shared>> -> memref<40x128xf32, #tpu.memory_space<vmem_shared>>
      tpu.enqueue_dma source(%dma_start3A_270 : memref<40x128xf32, #tpu.memory_space<vmem_shared>>) target(%arg10 : memref<40x128xf32, #tpu.memory_space<vmem>>) target_semaphore(%run_scoped3A : memref<!tpu.dma_semaphore, #tpu.memory_space<semaphore_mem>>)
      %dma_wait3A_271 = arith.constant 0 : i32
      %dma_wait3A_272 = tpu.memref_slice %arg6[%add3A_226, %dma_wait3A_271] : memref<10240x128xf32, #tpu.memory_space<vmem_shared>> -> memref<40x128xf32, #tpu.memory_space<vmem_shared>>
      %dma_wait3A_273 = arith.constant 0 : i32
      %dma_wait3A_274 = tpu.memref_slice %arg6[%add3A_226, %dma_wait3A_273] : memref<10240x128xf32, #tpu.memory_space<vmem_shared>> -> memref<40x128xf32, #tpu.memory_space<vmem_shared>>
      tpu.wait_dma2 semaphore(%run_scoped3A : memref<!tpu.dma_semaphore, #tpu.memory_space<semaphore_mem>>) src(%dma_wait3A_274 : memref<40x128xf32, #tpu.memory_space<vmem_shared>>) dst(%arg10 : memref<40x128xf32, #tpu.memory_space<vmem>>)
      tpu.yield
    }) : () -> ()
    "tpu.region"() ({
      %run_scoped3A = tpu.sem_alloc : memref<!tpu.dma_semaphore, #tpu.memory_space<semaphore_mem>>
      %dma_start3A_267 = arith.constant 0 : i32
      %dma_start3A_268 = tpu.memref_slice %arg5[%arg0, %add3A_226, %dma_start3A_267] : memref<2x10240x128xf32, #tpu.memory_space<hbm>> -> memref<1x40x128xf32, #tpu.memory_space<hbm>>
      %dma_start3A_269 = tpu.memref_squeeze %dma_start3A_268 : memref<1x40x128xf32, #tpu.memory_space<hbm>> -> memref<40x128xf32, #tpu.memory_space<hbm>>
      %dma_start3A_270 = arith.constant 0 : i32
      %dma_start3A_271 = tpu.memref_slice %arg5[%arg0, %add3A_226, %dma_start3A_270] : memref<2x10240x128xf32, #tpu.memory_space<hbm>> -> memref<1x40x128xf32, #tpu.memory_space<hbm>>
      %dma_start3A_272 = tpu.memref_squeeze %dma_start3A_271 : memref<1x40x128xf32, #tpu.memory_space<hbm>> -> memref<40x128xf32, #tpu.memory_space<hbm>>
      tpu.enqueue_dma source(%arg10 : memref<40x128xf32, #tpu.memory_space<vmem>>) target(%dma_start3A_272 : memref<40x128xf32, #tpu.memory_space<hbm>>) target_semaphore(%run_scoped3A : memref<!tpu.dma_semaphore, #tpu.memory_space<semaphore_mem>>)
      %dma_wait3A_273 = arith.constant 0 : i32
      %dma_wait3A_274 = tpu.memref_slice %arg5[%arg0, %add3A_226, %dma_wait3A_273] : memref<2x10240x128xf32, #tpu.memory_space<hbm>> -> memref<1x40x128xf32, #tpu.memory_space<hbm>>
      %dma_wait3A_275 = tpu.memref_squeeze %dma_wait3A_274 : memref<1x40x128xf32, #tpu.memory_space<hbm>> -> memref<40x128xf32, #tpu.memory_space<hbm>>
      %dma_wait3A_276 = arith.constant 0 : i32
      %dma_wait3A_277 = tpu.memref_slice %arg5[%arg0, %add3A_226, %dma_wait3A_276] : memref<2x10240x128xf32, #tpu.memory_space<hbm>> -> memref<1x40x128xf32, #tpu.memory_space<hbm>>
      %dma_wait3A_278 = tpu.memref_squeeze %dma_wait3A_277 : memref<1x40x128xf32, #tpu.memory_space<hbm>> -> memref<40x128xf32, #tpu.memory_space<hbm>>
      tpu.wait_dma2 semaphore(%run_scoped3A : memref<!tpu.dma_semaphore, #tpu.memory_space<semaphore_mem>>) src(%arg10 : memref<40x128xf32, #tpu.memory_space<vmem>>) dst(%dma_wait3A_278 : memref<40x128xf32, #tpu.memory_space<hbm>>)
      tpu.yield
    }) : () -> ()
    %mul3A_227 = arith.constant 640 : i32
    %mul3A_228 = arith.muli %arg1, %mul3A_227 : i32
    %add3A_229 = arith.constant 240 : i32
    %add3A_230 = arith.addi %mul3A_228, %add3A_229 : i32
    "tpu.region"() ({
      %run_scoped3A = tpu.sem_alloc : memref<!tpu.dma_semaphore, #tpu.memory_space<semaphore_mem>>
      %dma_start3A_267 = arith.constant 0 : i32
      %dma_start3A_268 = tpu.memref_slice %arg6[%add3A_230, %dma_start3A_267] : memref<10240x128xf32, #tpu.memory_space<vmem_shared>> -> memref<40x128xf32, #tpu.memory_space<vmem_shared>>
      %dma_start3A_269 = arith.constant 0 : i32
      %dma_start3A_270 = tpu.memref_slice %arg6[%add3A_230, %dma_start3A_269] : memref<10240x128xf32, #tpu.memory_space<vmem_shared>> -> memref<40x128xf32, #tpu.memory_space<vmem_shared>>
      tpu.enqueue_dma source(%dma_start3A_270 : memref<40x128xf32, #tpu.memory_space<vmem_shared>>) target(%arg10 : memref<40x128xf32, #tpu.memory_space<vmem>>) target_semaphore(%run_scoped3A : memref<!tpu.dma_semaphore, #tpu.memory_space<semaphore_mem>>)
      %dma_wait3A_271 = arith.constant 0 : i32
      %dma_wait3A_272 = tpu.memref_slice %arg6[%add3A_230, %dma_wait3A_271] : memref<10240x128xf32, #tpu.memory_space<vmem_shared>> -> memref<40x128xf32, #tpu.memory_space<vmem_shared>>
      %dma_wait3A_273 = arith.constant 0 : i32
      %dma_wait3A_274 = tpu.memref_slice %arg6[%add3A_230, %dma_wait3A_273] : memref<10240x128xf32, #tpu.memory_space<vmem_shared>> -> memref<40x128xf32, #tpu.memory_space<vmem_shared>>
      tpu.wait_dma2 semaphore(%run_scoped3A : memref<!tpu.dma_semaphore, #tpu.memory_space<semaphore_mem>>) src(%dma_wait3A_274 : memref<40x128xf32, #tpu.memory_space<vmem_shared>>) dst(%arg10 : memref<40x128xf32, #tpu.memory_space<vmem>>)
      tpu.yield
    }) : () -> ()
    "tpu.region"() ({
      %run_scoped3A = tpu.sem_alloc : memref<!tpu.dma_semaphore, #tpu.memory_space<semaphore_mem>>
      %dma_start3A_267 = arith.constant 0 : i32
      %dma_start3A_268 = tpu.memref_slice %arg5[%arg0, %add3A_230, %dma_start3A_267] : memref<2x10240x128xf32, #tpu.memory_space<hbm>> -> memref<1x40x128xf32, #tpu.memory_space<hbm>>
      %dma_start3A_269 = tpu.memref_squeeze %dma_start3A_268 : memref<1x40x128xf32, #tpu.memory_space<hbm>> -> memref<40x128xf32, #tpu.memory_space<hbm>>
      %dma_start3A_270 = arith.constant 0 : i32
      %dma_start3A_271 = tpu.memref_slice %arg5[%arg0, %add3A_230, %dma_start3A_270] : memref<2x10240x128xf32, #tpu.memory_space<hbm>> -> memref<1x40x128xf32, #tpu.memory_space<hbm>>
      %dma_start3A_272 = tpu.memref_squeeze %dma_start3A_271 : memref<1x40x128xf32, #tpu.memory_space<hbm>> -> memref<40x128xf32, #tpu.memory_space<hbm>>
      tpu.enqueue_dma source(%arg10 : memref<40x128xf32, #tpu.memory_space<vmem>>) target(%dma_start3A_272 : memref<40x128xf32, #tpu.memory_space<hbm>>) target_semaphore(%run_scoped3A : memref<!tpu.dma_semaphore, #tpu.memory_space<semaphore_mem>>)
      %dma_wait3A_273 = arith.constant 0 : i32
      %dma_wait3A_274 = tpu.memref_slice %arg5[%arg0, %add3A_230, %dma_wait3A_273] : memref<2x10240x128xf32, #tpu.memory_space<hbm>> -> memref<1x40x128xf32, #tpu.memory_space<hbm>>
      %dma_wait3A_275 = tpu.memref_squeeze %dma_wait3A_274 : memref<1x40x128xf32, #tpu.memory_space<hbm>> -> memref<40x128xf32, #tpu.memory_space<hbm>>
      %dma_wait3A_276 = arith.constant 0 : i32
      %dma_wait3A_277 = tpu.memref_slice %arg5[%arg0, %add3A_230, %dma_wait3A_276] : memref<2x10240x128xf32, #tpu.memory_space<hbm>> -> memref<1x40x128xf32, #tpu.memory_space<hbm>>
      %dma_wait3A_278 = tpu.memref_squeeze %dma_wait3A_277 : memref<1x40x128xf32, #tpu.memory_space<hbm>> -> memref<40x128xf32, #tpu.memory_space<hbm>>
      tpu.wait_dma2 semaphore(%run_scoped3A : memref<!tpu.dma_semaphore, #tpu.memory_space<semaphore_mem>>) src(%arg10 : memref<40x128xf32, #tpu.memory_space<vmem>>) dst(%dma_wait3A_278 : memref<40x128xf32, #tpu.memory_space<hbm>>)
      tpu.yield
    }) : () -> ()
    %mul3A_231 = arith.constant 640 : i32
    %mul3A_232 = arith.muli %arg1, %mul3A_231 : i32
    %add3A_233 = arith.constant 280 : i32
    %add3A_234 = arith.addi %mul3A_232, %add3A_233 : i32
    "tpu.region"() ({
      %run_scoped3A = tpu.sem_alloc : memref<!tpu.dma_semaphore, #tpu.memory_space<semaphore_mem>>
      %dma_start3A_267 = arith.constant 0 : i32
      %dma_start3A_268 = tpu.memref_slice %arg6[%add3A_234, %dma_start3A_267] : memref<10240x128xf32, #tpu.memory_space<vmem_shared>> -> memref<40x128xf32, #tpu.memory_space<vmem_shared>>
      %dma_start3A_269 = arith.constant 0 : i32
      %dma_start3A_270 = tpu.memref_slice %arg6[%add3A_234, %dma_start3A_269] : memref<10240x128xf32, #tpu.memory_space<vmem_shared>> -> memref<40x128xf32, #tpu.memory_space<vmem_shared>>
      tpu.enqueue_dma source(%dma_start3A_270 : memref<40x128xf32, #tpu.memory_space<vmem_shared>>) target(%arg10 : memref<40x128xf32, #tpu.memory_space<vmem>>) target_semaphore(%run_scoped3A : memref<!tpu.dma_semaphore, #tpu.memory_space<semaphore_mem>>)
      %dma_wait3A_271 = arith.constant 0 : i32
      %dma_wait3A_272 = tpu.memref_slice %arg6[%add3A_234, %dma_wait3A_271] : memref<10240x128xf32, #tpu.memory_space<vmem_shared>> -> memref<40x128xf32, #tpu.memory_space<vmem_shared>>
      %dma_wait3A_273 = arith.constant 0 : i32
      %dma_wait3A_274 = tpu.memref_slice %arg6[%add3A_234, %dma_wait3A_273] : memref<10240x128xf32, #tpu.memory_space<vmem_shared>> -> memref<40x128xf32, #tpu.memory_space<vmem_shared>>
      tpu.wait_dma2 semaphore(%run_scoped3A : memref<!tpu.dma_semaphore, #tpu.memory_space<semaphore_mem>>) src(%dma_wait3A_274 : memref<40x128xf32, #tpu.memory_space<vmem_shared>>) dst(%arg10 : memref<40x128xf32, #tpu.memory_space<vmem>>)
      tpu.yield
    }) : () -> ()
    "tpu.region"() ({
      %run_scoped3A = tpu.sem_alloc : memref<!tpu.dma_semaphore, #tpu.memory_space<semaphore_mem>>
      %dma_start3A_267 = arith.constant 0 : i32
      %dma_start3A_268 = tpu.memref_slice %arg5[%arg0, %add3A_234, %dma_start3A_267] : memref<2x10240x128xf32, #tpu.memory_space<hbm>> -> memref<1x40x128xf32, #tpu.memory_space<hbm>>
      %dma_start3A_269 = tpu.memref_squeeze %dma_start3A_268 : memref<1x40x128xf32, #tpu.memory_space<hbm>> -> memref<40x128xf32, #tpu.memory_space<hbm>>
      %dma_start3A_270 = arith.constant 0 : i32
      %dma_start3A_271 = tpu.memref_slice %arg5[%arg0, %add3A_234, %dma_start3A_270] : memref<2x10240x128xf32, #tpu.memory_space<hbm>> -> memref<1x40x128xf32, #tpu.memory_space<hbm>>
      %dma_start3A_272 = tpu.memref_squeeze %dma_start3A_271 : memref<1x40x128xf32, #tpu.memory_space<hbm>> -> memref<40x128xf32, #tpu.memory_space<hbm>>
      tpu.enqueue_dma source(%arg10 : memref<40x128xf32, #tpu.memory_space<vmem>>) target(%dma_start3A_272 : memref<40x128xf32, #tpu.memory_space<hbm>>) target_semaphore(%run_scoped3A : memref<!tpu.dma_semaphore, #tpu.memory_space<semaphore_mem>>)
      %dma_wait3A_273 = arith.constant 0 : i32
      %dma_wait3A_274 = tpu.memref_slice %arg5[%arg0, %add3A_234, %dma_wait3A_273] : memref<2x10240x128xf32, #tpu.memory_space<hbm>> -> memref<1x40x128xf32, #tpu.memory_space<hbm>>
      %dma_wait3A_275 = tpu.memref_squeeze %dma_wait3A_274 : memref<1x40x128xf32, #tpu.memory_space<hbm>> -> memref<40x128xf32, #tpu.memory_space<hbm>>
      %dma_wait3A_276 = arith.constant 0 : i32
      %dma_wait3A_277 = tpu.memref_slice %arg5[%arg0, %add3A_234, %dma_wait3A_276] : memref<2x10240x128xf32, #tpu.memory_space<hbm>> -> memref<1x40x128xf32, #tpu.memory_space<hbm>>
      %dma_wait3A_278 = tpu.memref_squeeze %dma_wait3A_277 : memref<1x40x128xf32, #tpu.memory_space<hbm>> -> memref<40x128xf32, #tpu.memory_space<hbm>>
      tpu.wait_dma2 semaphore(%run_scoped3A : memref<!tpu.dma_semaphore, #tpu.memory_space<semaphore_mem>>) src(%arg10 : memref<40x128xf32, #tpu.memory_space<vmem>>) dst(%dma_wait3A_278 : memref<40x128xf32, #tpu.memory_space<hbm>>)
      tpu.yield
    }) : () -> ()
    %mul3A_235 = arith.constant 640 : i32
    %mul3A_236 = arith.muli %arg1, %mul3A_235 : i32
    %add3A_237 = arith.constant 320 : i32
    %add3A_238 = arith.addi %mul3A_236, %add3A_237 : i32
    "tpu.region"() ({
      %run_scoped3A = tpu.sem_alloc : memref<!tpu.dma_semaphore, #tpu.memory_space<semaphore_mem>>
      %dma_start3A_267 = arith.constant 0 : i32
      %dma_start3A_268 = tpu.memref_slice %arg6[%add3A_238, %dma_start3A_267] : memref<10240x128xf32, #tpu.memory_space<vmem_shared>> -> memref<40x128xf32, #tpu.memory_space<vmem_shared>>
      %dma_start3A_269 = arith.constant 0 : i32
      %dma_start3A_270 = tpu.memref_slice %arg6[%add3A_238, %dma_start3A_269] : memref<10240x128xf32, #tpu.memory_space<vmem_shared>> -> memref<40x128xf32, #tpu.memory_space<vmem_shared>>
      tpu.enqueue_dma source(%dma_start3A_270 : memref<40x128xf32, #tpu.memory_space<vmem_shared>>) target(%arg10 : memref<40x128xf32, #tpu.memory_space<vmem>>) target_semaphore(%run_scoped3A : memref<!tpu.dma_semaphore, #tpu.memory_space<semaphore_mem>>)
      %dma_wait3A_271 = arith.constant 0 : i32
      %dma_wait3A_272 = tpu.memref_slice %arg6[%add3A_238, %dma_wait3A_271] : memref<10240x128xf32, #tpu.memory_space<vmem_shared>> -> memref<40x128xf32, #tpu.memory_space<vmem_shared>>
      %dma_wait3A_273 = arith.constant 0 : i32
      %dma_wait3A_274 = tpu.memref_slice %arg6[%add3A_238, %dma_wait3A_273] : memref<10240x128xf32, #tpu.memory_space<vmem_shared>> -> memref<40x128xf32, #tpu.memory_space<vmem_shared>>
      tpu.wait_dma2 semaphore(%run_scoped3A : memref<!tpu.dma_semaphore, #tpu.memory_space<semaphore_mem>>) src(%dma_wait3A_274 : memref<40x128xf32, #tpu.memory_space<vmem_shared>>) dst(%arg10 : memref<40x128xf32, #tpu.memory_space<vmem>>)
      tpu.yield
    }) : () -> ()
    "tpu.region"() ({
      %run_scoped3A = tpu.sem_alloc : memref<!tpu.dma_semaphore, #tpu.memory_space<semaphore_mem>>
      %dma_start3A_267 = arith.constant 0 : i32
      %dma_start3A_268 = tpu.memref_slice %arg5[%arg0, %add3A_238, %dma_start3A_267] : memref<2x10240x128xf32, #tpu.memory_space<hbm>> -> memref<1x40x128xf32, #tpu.memory_space<hbm>>
      %dma_start3A_269 = tpu.memref_squeeze %dma_start3A_268 : memref<1x40x128xf32, #tpu.memory_space<hbm>> -> memref<40x128xf32, #tpu.memory_space<hbm>>
      %dma_start3A_270 = arith.constant 0 : i32
      %dma_start3A_271 = tpu.memref_slice %arg5[%arg0, %add3A_238, %dma_start3A_270] : memref<2x10240x128xf32, #tpu.memory_space<hbm>> -> memref<1x40x128xf32, #tpu.memory_space<hbm>>
      %dma_start3A_272 = tpu.memref_squeeze %dma_start3A_271 : memref<1x40x128xf32, #tpu.memory_space<hbm>> -> memref<40x128xf32, #tpu.memory_space<hbm>>
      tpu.enqueue_dma source(%arg10 : memref<40x128xf32, #tpu.memory_space<vmem>>) target(%dma_start3A_272 : memref<40x128xf32, #tpu.memory_space<hbm>>) target_semaphore(%run_scoped3A : memref<!tpu.dma_semaphore, #tpu.memory_space<semaphore_mem>>)
      %dma_wait3A_273 = arith.constant 0 : i32
      %dma_wait3A_274 = tpu.memref_slice %arg5[%arg0, %add3A_238, %dma_wait3A_273] : memref<2x10240x128xf32, #tpu.memory_space<hbm>> -> memref<1x40x128xf32, #tpu.memory_space<hbm>>
      %dma_wait3A_275 = tpu.memref_squeeze %dma_wait3A_274 : memref<1x40x128xf32, #tpu.memory_space<hbm>> -> memref<40x128xf32, #tpu.memory_space<hbm>>
      %dma_wait3A_276 = arith.constant 0 : i32
      %dma_wait3A_277 = tpu.memref_slice %arg5[%arg0, %add3A_238, %dma_wait3A_276] : memref<2x10240x128xf32, #tpu.memory_space<hbm>> -> memref<1x40x128xf32, #tpu.memory_space<hbm>>
      %dma_wait3A_278 = tpu.memref_squeeze %dma_wait3A_277 : memref<1x40x128xf32, #tpu.memory_space<hbm>> -> memref<40x128xf32, #tpu.memory_space<hbm>>
      tpu.wait_dma2 semaphore(%run_scoped3A : memref<!tpu.dma_semaphore, #tpu.memory_space<semaphore_mem>>) src(%arg10 : memref<40x128xf32, #tpu.memory_space<vmem>>) dst(%dma_wait3A_278 : memref<40x128xf32, #tpu.memory_space<hbm>>)
      tpu.yield
    }) : () -> ()
    %mul3A_239 = arith.constant 640 : i32
    %mul3A_240 = arith.muli %arg1, %mul3A_239 : i32
    %add3A_241 = arith.constant 360 : i32
    %add3A_242 = arith.addi %mul3A_240, %add3A_241 : i32
    "tpu.region"() ({
      %run_scoped3A = tpu.sem_alloc : memref<!tpu.dma_semaphore, #tpu.memory_space<semaphore_mem>>
      %dma_start3A_267 = arith.constant 0 : i32
      %dma_start3A_268 = tpu.memref_slice %arg6[%add3A_242, %dma_start3A_267] : memref<10240x128xf32, #tpu.memory_space<vmem_shared>> -> memref<40x128xf32, #tpu.memory_space<vmem_shared>>
      %dma_start3A_269 = arith.constant 0 : i32
      %dma_start3A_270 = tpu.memref_slice %arg6[%add3A_242, %dma_start3A_269] : memref<10240x128xf32, #tpu.memory_space<vmem_shared>> -> memref<40x128xf32, #tpu.memory_space<vmem_shared>>
      tpu.enqueue_dma source(%dma_start3A_270 : memref<40x128xf32, #tpu.memory_space<vmem_shared>>) target(%arg10 : memref<40x128xf32, #tpu.memory_space<vmem>>) target_semaphore(%run_scoped3A : memref<!tpu.dma_semaphore, #tpu.memory_space<semaphore_mem>>)
      %dma_wait3A_271 = arith.constant 0 : i32
      %dma_wait3A_272 = tpu.memref_slice %arg6[%add3A_242, %dma_wait3A_271] : memref<10240x128xf32, #tpu.memory_space<vmem_shared>> -> memref<40x128xf32, #tpu.memory_space<vmem_shared>>
      %dma_wait3A_273 = arith.constant 0 : i32
      %dma_wait3A_274 = tpu.memref_slice %arg6[%add3A_242, %dma_wait3A_273] : memref<10240x128xf32, #tpu.memory_space<vmem_shared>> -> memref<40x128xf32, #tpu.memory_space<vmem_shared>>
      tpu.wait_dma2 semaphore(%run_scoped3A : memref<!tpu.dma_semaphore, #tpu.memory_space<semaphore_mem>>) src(%dma_wait3A_274 : memref<40x128xf32, #tpu.memory_space<vmem_shared>>) dst(%arg10 : memref<40x128xf32, #tpu.memory_space<vmem>>)
      tpu.yield
    }) : () -> ()
    "tpu.region"() ({
      %run_scoped3A = tpu.sem_alloc : memref<!tpu.dma_semaphore, #tpu.memory_space<semaphore_mem>>
      %dma_start3A_267 = arith.constant 0 : i32
      %dma_start3A_268 = tpu.memref_slice %arg5[%arg0, %add3A_242, %dma_start3A_267] : memref<2x10240x128xf32, #tpu.memory_space<hbm>> -> memref<1x40x128xf32, #tpu.memory_space<hbm>>
      %dma_start3A_269 = tpu.memref_squeeze %dma_start3A_268 : memref<1x40x128xf32, #tpu.memory_space<hbm>> -> memref<40x128xf32, #tpu.memory_space<hbm>>
      %dma_start3A_270 = arith.constant 0 : i32
      %dma_start3A_271 = tpu.memref_slice %arg5[%arg0, %add3A_242, %dma_start3A_270] : memref<2x10240x128xf32, #tpu.memory_space<hbm>> -> memref<1x40x128xf32, #tpu.memory_space<hbm>>
      %dma_start3A_272 = tpu.memref_squeeze %dma_start3A_271 : memref<1x40x128xf32, #tpu.memory_space<hbm>> -> memref<40x128xf32, #tpu.memory_space<hbm>>
      tpu.enqueue_dma source(%arg10 : memref<40x128xf32, #tpu.memory_space<vmem>>) target(%dma_start3A_272 : memref<40x128xf32, #tpu.memory_space<hbm>>) target_semaphore(%run_scoped3A : memref<!tpu.dma_semaphore, #tpu.memory_space<semaphore_mem>>)
      %dma_wait3A_273 = arith.constant 0 : i32
      %dma_wait3A_274 = tpu.memref_slice %arg5[%arg0, %add3A_242, %dma_wait3A_273] : memref<2x10240x128xf32, #tpu.memory_space<hbm>> -> memref<1x40x128xf32, #tpu.memory_space<hbm>>
      %dma_wait3A_275 = tpu.memref_squeeze %dma_wait3A_274 : memref<1x40x128xf32, #tpu.memory_space<hbm>> -> memref<40x128xf32, #tpu.memory_space<hbm>>
      %dma_wait3A_276 = arith.constant 0 : i32
      %dma_wait3A_277 = tpu.memref_slice %arg5[%arg0, %add3A_242, %dma_wait3A_276] : memref<2x10240x128xf32, #tpu.memory_space<hbm>> -> memref<1x40x128xf32, #tpu.memory_space<hbm>>
      %dma_wait3A_278 = tpu.memref_squeeze %dma_wait3A_277 : memref<1x40x128xf32, #tpu.memory_space<hbm>> -> memref<40x128xf32, #tpu.memory_space<hbm>>
      tpu.wait_dma2 semaphore(%run_scoped3A : memref<!tpu.dma_semaphore, #tpu.memory_space<semaphore_mem>>) src(%arg10 : memref<40x128xf32, #tpu.memory_space<vmem>>) dst(%dma_wait3A_278 : memref<40x128xf32, #tpu.memory_space<hbm>>)
      tpu.yield
    }) : () -> ()
    %mul3A_243 = arith.constant 640 : i32
    %mul3A_244 = arith.muli %arg1, %mul3A_243 : i32
    %add3A_245 = arith.constant 400 : i32
    %add3A_246 = arith.addi %mul3A_244, %add3A_245 : i32
    "tpu.region"() ({
      %run_scoped3A = tpu.sem_alloc : memref<!tpu.dma_semaphore, #tpu.memory_space<semaphore_mem>>
      %dma_start3A_267 = arith.constant 0 : i32
      %dma_start3A_268 = tpu.memref_slice %arg6[%add3A_246, %dma_start3A_267] : memref<10240x128xf32, #tpu.memory_space<vmem_shared>> -> memref<40x128xf32, #tpu.memory_space<vmem_shared>>
      %dma_start3A_269 = arith.constant 0 : i32
      %dma_start3A_270 = tpu.memref_slice %arg6[%add3A_246, %dma_start3A_269] : memref<10240x128xf32, #tpu.memory_space<vmem_shared>> -> memref<40x128xf32, #tpu.memory_space<vmem_shared>>
      tpu.enqueue_dma source(%dma_start3A_270 : memref<40x128xf32, #tpu.memory_space<vmem_shared>>) target(%arg10 : memref<40x128xf32, #tpu.memory_space<vmem>>) target_semaphore(%run_scoped3A : memref<!tpu.dma_semaphore, #tpu.memory_space<semaphore_mem>>)
      %dma_wait3A_271 = arith.constant 0 : i32
      %dma_wait3A_272 = tpu.memref_slice %arg6[%add3A_246, %dma_wait3A_271] : memref<10240x128xf32, #tpu.memory_space<vmem_shared>> -> memref<40x128xf32, #tpu.memory_space<vmem_shared>>
      %dma_wait3A_273 = arith.constant 0 : i32
      %dma_wait3A_274 = tpu.memref_slice %arg6[%add3A_246, %dma_wait3A_273] : memref<10240x128xf32, #tpu.memory_space<vmem_shared>> -> memref<40x128xf32, #tpu.memory_space<vmem_shared>>
      tpu.wait_dma2 semaphore(%run_scoped3A : memref<!tpu.dma_semaphore, #tpu.memory_space<semaphore_mem>>) src(%dma_wait3A_274 : memref<40x128xf32, #tpu.memory_space<vmem_shared>>) dst(%arg10 : memref<40x128xf32, #tpu.memory_space<vmem>>)
      tpu.yield
    }) : () -> ()
    "tpu.region"() ({
      %run_scoped3A = tpu.sem_alloc : memref<!tpu.dma_semaphore, #tpu.memory_space<semaphore_mem>>
      %dma_start3A_267 = arith.constant 0 : i32
      %dma_start3A_268 = tpu.memref_slice %arg5[%arg0, %add3A_246, %dma_start3A_267] : memref<2x10240x128xf32, #tpu.memory_space<hbm>> -> memref<1x40x128xf32, #tpu.memory_space<hbm>>
      %dma_start3A_269 = tpu.memref_squeeze %dma_start3A_268 : memref<1x40x128xf32, #tpu.memory_space<hbm>> -> memref<40x128xf32, #tpu.memory_space<hbm>>
      %dma_start3A_270 = arith.constant 0 : i32
      %dma_start3A_271 = tpu.memref_slice %arg5[%arg0, %add3A_246, %dma_start3A_270] : memref<2x10240x128xf32, #tpu.memory_space<hbm>> -> memref<1x40x128xf32, #tpu.memory_space<hbm>>
      %dma_start3A_272 = tpu.memref_squeeze %dma_start3A_271 : memref<1x40x128xf32, #tpu.memory_space<hbm>> -> memref<40x128xf32, #tpu.memory_space<hbm>>
      tpu.enqueue_dma source(%arg10 : memref<40x128xf32, #tpu.memory_space<vmem>>) target(%dma_start3A_272 : memref<40x128xf32, #tpu.memory_space<hbm>>) target_semaphore(%run_scoped3A : memref<!tpu.dma_semaphore, #tpu.memory_space<semaphore_mem>>)
      %dma_wait3A_273 = arith.constant 0 : i32
      %dma_wait3A_274 = tpu.memref_slice %arg5[%arg0, %add3A_246, %dma_wait3A_273] : memref<2x10240x128xf32, #tpu.memory_space<hbm>> -> memref<1x40x128xf32, #tpu.memory_space<hbm>>
      %dma_wait3A_275 = tpu.memref_squeeze %dma_wait3A_274 : memref<1x40x128xf32, #tpu.memory_space<hbm>> -> memref<40x128xf32, #tpu.memory_space<hbm>>
      %dma_wait3A_276 = arith.constant 0 : i32
      %dma_wait3A_277 = tpu.memref_slice %arg5[%arg0, %add3A_246, %dma_wait3A_276] : memref<2x10240x128xf32, #tpu.memory_space<hbm>> -> memref<1x40x128xf32, #tpu.memory_space<hbm>>
      %dma_wait3A_278 = tpu.memref_squeeze %dma_wait3A_277 : memref<1x40x128xf32, #tpu.memory_space<hbm>> -> memref<40x128xf32, #tpu.memory_space<hbm>>
      tpu.wait_dma2 semaphore(%run_scoped3A : memref<!tpu.dma_semaphore, #tpu.memory_space<semaphore_mem>>) src(%arg10 : memref<40x128xf32, #tpu.memory_space<vmem>>) dst(%dma_wait3A_278 : memref<40x128xf32, #tpu.memory_space<hbm>>)
      tpu.yield
    }) : () -> ()
    %mul3A_247 = arith.constant 640 : i32
    %mul3A_248 = arith.muli %arg1, %mul3A_247 : i32
    %add3A_249 = arith.constant 440 : i32
    %add3A_250 = arith.addi %mul3A_248, %add3A_249 : i32
    "tpu.region"() ({
      %run_scoped3A = tpu.sem_alloc : memref<!tpu.dma_semaphore, #tpu.memory_space<semaphore_mem>>
      %dma_start3A_267 = arith.constant 0 : i32
      %dma_start3A_268 = tpu.memref_slice %arg6[%add3A_250, %dma_start3A_267] : memref<10240x128xf32, #tpu.memory_space<vmem_shared>> -> memref<40x128xf32, #tpu.memory_space<vmem_shared>>
      %dma_start3A_269 = arith.constant 0 : i32
      %dma_start3A_270 = tpu.memref_slice %arg6[%add3A_250, %dma_start3A_269] : memref<10240x128xf32, #tpu.memory_space<vmem_shared>> -> memref<40x128xf32, #tpu.memory_space<vmem_shared>>
      tpu.enqueue_dma source(%dma_start3A_270 : memref<40x128xf32, #tpu.memory_space<vmem_shared>>) target(%arg10 : memref<40x128xf32, #tpu.memory_space<vmem>>) target_semaphore(%run_scoped3A : memref<!tpu.dma_semaphore, #tpu.memory_space<semaphore_mem>>)
      %dma_wait3A_271 = arith.constant 0 : i32
      %dma_wait3A_272 = tpu.memref_slice %arg6[%add3A_250, %dma_wait3A_271] : memref<10240x128xf32, #tpu.memory_space<vmem_shared>> -> memref<40x128xf32, #tpu.memory_space<vmem_shared>>
      %dma_wait3A_273 = arith.constant 0 : i32
      %dma_wait3A_274 = tpu.memref_slice %arg6[%add3A_250, %dma_wait3A_273] : memref<10240x128xf32, #tpu.memory_space<vmem_shared>> -> memref<40x128xf32, #tpu.memory_space<vmem_shared>>
      tpu.wait_dma2 semaphore(%run_scoped3A : memref<!tpu.dma_semaphore, #tpu.memory_space<semaphore_mem>>) src(%dma_wait3A_274 : memref<40x128xf32, #tpu.memory_space<vmem_shared>>) dst(%arg10 : memref<40x128xf32, #tpu.memory_space<vmem>>)
      tpu.yield
    }) : () -> ()
    "tpu.region"() ({
      %run_scoped3A = tpu.sem_alloc : memref<!tpu.dma_semaphore, #tpu.memory_space<semaphore_mem>>
      %dma_start3A_267 = arith.constant 0 : i32
      %dma_start3A_268 = tpu.memref_slice %arg5[%arg0, %add3A_250, %dma_start3A_267] : memref<2x10240x128xf32, #tpu.memory_space<hbm>> -> memref<1x40x128xf32, #tpu.memory_space<hbm>>
      %dma_start3A_269 = tpu.memref_squeeze %dma_start3A_268 : memref<1x40x128xf32, #tpu.memory_space<hbm>> -> memref<40x128xf32, #tpu.memory_space<hbm>>
      %dma_start3A_270 = arith.constant 0 : i32
      %dma_start3A_271 = tpu.memref_slice %arg5[%arg0, %add3A_250, %dma_start3A_270] : memref<2x10240x128xf32, #tpu.memory_space<hbm>> -> memref<1x40x128xf32, #tpu.memory_space<hbm>>
      %dma_start3A_272 = tpu.memref_squeeze %dma_start3A_271 : memref<1x40x128xf32, #tpu.memory_space<hbm>> -> memref<40x128xf32, #tpu.memory_space<hbm>>
      tpu.enqueue_dma source(%arg10 : memref<40x128xf32, #tpu.memory_space<vmem>>) target(%dma_start3A_272 : memref<40x128xf32, #tpu.memory_space<hbm>>) target_semaphore(%run_scoped3A : memref<!tpu.dma_semaphore, #tpu.memory_space<semaphore_mem>>)
      %dma_wait3A_273 = arith.constant 0 : i32
      %dma_wait3A_274 = tpu.memref_slice %arg5[%arg0, %add3A_250, %dma_wait3A_273] : memref<2x10240x128xf32, #tpu.memory_space<hbm>> -> memref<1x40x128xf32, #tpu.memory_space<hbm>>
      %dma_wait3A_275 = tpu.memref_squeeze %dma_wait3A_274 : memref<1x40x128xf32, #tpu.memory_space<hbm>> -> memref<40x128xf32, #tpu.memory_space<hbm>>
      %dma_wait3A_276 = arith.constant 0 : i32
      %dma_wait3A_277 = tpu.memref_slice %arg5[%arg0, %add3A_250, %dma_wait3A_276] : memref<2x10240x128xf32, #tpu.memory_space<hbm>> -> memref<1x40x128xf32, #tpu.memory_space<hbm>>
      %dma_wait3A_278 = tpu.memref_squeeze %dma_wait3A_277 : memref<1x40x128xf32, #tpu.memory_space<hbm>> -> memref<40x128xf32, #tpu.memory_space<hbm>>
      tpu.wait_dma2 semaphore(%run_scoped3A : memref<!tpu.dma_semaphore, #tpu.memory_space<semaphore_mem>>) src(%arg10 : memref<40x128xf32, #tpu.memory_space<vmem>>) dst(%dma_wait3A_278 : memref<40x128xf32, #tpu.memory_space<hbm>>)
      tpu.yield
    }) : () -> ()
    %mul3A_251 = arith.constant 640 : i32
    %mul3A_252 = arith.muli %arg1, %mul3A_251 : i32
    %add3A_253 = arith.constant 480 : i32
    %add3A_254 = arith.addi %mul3A_252, %add3A_253 : i32
    "tpu.region"() ({
      %run_scoped3A = tpu.sem_alloc : memref<!tpu.dma_semaphore, #tpu.memory_space<semaphore_mem>>
      %dma_start3A_267 = arith.constant 0 : i32
      %dma_start3A_268 = tpu.memref_slice %arg6[%add3A_254, %dma_start3A_267] : memref<10240x128xf32, #tpu.memory_space<vmem_shared>> -> memref<40x128xf32, #tpu.memory_space<vmem_shared>>
      %dma_start3A_269 = arith.constant 0 : i32
      %dma_start3A_270 = tpu.memref_slice %arg6[%add3A_254, %dma_start3A_269] : memref<10240x128xf32, #tpu.memory_space<vmem_shared>> -> memref<40x128xf32, #tpu.memory_space<vmem_shared>>
      tpu.enqueue_dma source(%dma_start3A_270 : memref<40x128xf32, #tpu.memory_space<vmem_shared>>) target(%arg10 : memref<40x128xf32, #tpu.memory_space<vmem>>) target_semaphore(%run_scoped3A : memref<!tpu.dma_semaphore, #tpu.memory_space<semaphore_mem>>)
      %dma_wait3A_271 = arith.constant 0 : i32
      %dma_wait3A_272 = tpu.memref_slice %arg6[%add3A_254, %dma_wait3A_271] : memref<10240x128xf32, #tpu.memory_space<vmem_shared>> -> memref<40x128xf32, #tpu.memory_space<vmem_shared>>
      %dma_wait3A_273 = arith.constant 0 : i32
      %dma_wait3A_274 = tpu.memref_slice %arg6[%add3A_254, %dma_wait3A_273] : memref<10240x128xf32, #tpu.memory_space<vmem_shared>> -> memref<40x128xf32, #tpu.memory_space<vmem_shared>>
      tpu.wait_dma2 semaphore(%run_scoped3A : memref<!tpu.dma_semaphore, #tpu.memory_space<semaphore_mem>>) src(%dma_wait3A_274 : memref<40x128xf32, #tpu.memory_space<vmem_shared>>) dst(%arg10 : memref<40x128xf32, #tpu.memory_space<vmem>>)
      tpu.yield
    }) : () -> ()
    "tpu.region"() ({
      %run_scoped3A = tpu.sem_alloc : memref<!tpu.dma_semaphore, #tpu.memory_space<semaphore_mem>>
      %dma_start3A_267 = arith.constant 0 : i32
      %dma_start3A_268 = tpu.memref_slice %arg5[%arg0, %add3A_254, %dma_start3A_267] : memref<2x10240x128xf32, #tpu.memory_space<hbm>> -> memref<1x40x128xf32, #tpu.memory_space<hbm>>
      %dma_start3A_269 = tpu.memref_squeeze %dma_start3A_268 : memref<1x40x128xf32, #tpu.memory_space<hbm>> -> memref<40x128xf32, #tpu.memory_space<hbm>>
      %dma_start3A_270 = arith.constant 0 : i32
      %dma_start3A_271 = tpu.memref_slice %arg5[%arg0, %add3A_254, %dma_start3A_270] : memref<2x10240x128xf32, #tpu.memory_space<hbm>> -> memref<1x40x128xf32, #tpu.memory_space<hbm>>
      %dma_start3A_272 = tpu.memref_squeeze %dma_start3A_271 : memref<1x40x128xf32, #tpu.memory_space<hbm>> -> memref<40x128xf32, #tpu.memory_space<hbm>>
      tpu.enqueue_dma source(%arg10 : memref<40x128xf32, #tpu.memory_space<vmem>>) target(%dma_start3A_272 : memref<40x128xf32, #tpu.memory_space<hbm>>) target_semaphore(%run_scoped3A : memref<!tpu.dma_semaphore, #tpu.memory_space<semaphore_mem>>)
      %dma_wait3A_273 = arith.constant 0 : i32
      %dma_wait3A_274 = tpu.memref_slice %arg5[%arg0, %add3A_254, %dma_wait3A_273] : memref<2x10240x128xf32, #tpu.memory_space<hbm>> -> memref<1x40x128xf32, #tpu.memory_space<hbm>>
      %dma_wait3A_275 = tpu.memref_squeeze %dma_wait3A_274 : memref<1x40x128xf32, #tpu.memory_space<hbm>> -> memref<40x128xf32, #tpu.memory_space<hbm>>
      %dma_wait3A_276 = arith.constant 0 : i32
      %dma_wait3A_277 = tpu.memref_slice %arg5[%arg0, %add3A_254, %dma_wait3A_276] : memref<2x10240x128xf32, #tpu.memory_space<hbm>> -> memref<1x40x128xf32, #tpu.memory_space<hbm>>
      %dma_wait3A_278 = tpu.memref_squeeze %dma_wait3A_277 : memref<1x40x128xf32, #tpu.memory_space<hbm>> -> memref<40x128xf32, #tpu.memory_space<hbm>>
      tpu.wait_dma2 semaphore(%run_scoped3A : memref<!tpu.dma_semaphore, #tpu.memory_space<semaphore_mem>>) src(%arg10 : memref<40x128xf32, #tpu.memory_space<vmem>>) dst(%dma_wait3A_278 : memref<40x128xf32, #tpu.memory_space<hbm>>)
      tpu.yield
    }) : () -> ()
    %mul3A_255 = arith.constant 640 : i32
    %mul3A_256 = arith.muli %arg1, %mul3A_255 : i32
    %add3A_257 = arith.constant 520 : i32
    %add3A_258 = arith.addi %mul3A_256, %add3A_257 : i32
    "tpu.region"() ({
      %run_scoped3A = tpu.sem_alloc : memref<!tpu.dma_semaphore, #tpu.memory_space<semaphore_mem>>
      %dma_start3A_267 = arith.constant 0 : i32
      %dma_start3A_268 = tpu.memref_slice %arg6[%add3A_258, %dma_start3A_267] : memref<10240x128xf32, #tpu.memory_space<vmem_shared>> -> memref<40x128xf32, #tpu.memory_space<vmem_shared>>
      %dma_start3A_269 = arith.constant 0 : i32
      %dma_start3A_270 = tpu.memref_slice %arg6[%add3A_258, %dma_start3A_269] : memref<10240x128xf32, #tpu.memory_space<vmem_shared>> -> memref<40x128xf32, #tpu.memory_space<vmem_shared>>
      tpu.enqueue_dma source(%dma_start3A_270 : memref<40x128xf32, #tpu.memory_space<vmem_shared>>) target(%arg10 : memref<40x128xf32, #tpu.memory_space<vmem>>) target_semaphore(%run_scoped3A : memref<!tpu.dma_semaphore, #tpu.memory_space<semaphore_mem>>)
      %dma_wait3A_271 = arith.constant 0 : i32
      %dma_wait3A_272 = tpu.memref_slice %arg6[%add3A_258, %dma_wait3A_271] : memref<10240x128xf32, #tpu.memory_space<vmem_shared>> -> memref<40x128xf32, #tpu.memory_space<vmem_shared>>
      %dma_wait3A_273 = arith.constant 0 : i32
      %dma_wait3A_274 = tpu.memref_slice %arg6[%add3A_258, %dma_wait3A_273] : memref<10240x128xf32, #tpu.memory_space<vmem_shared>> -> memref<40x128xf32, #tpu.memory_space<vmem_shared>>
      tpu.wait_dma2 semaphore(%run_scoped3A : memref<!tpu.dma_semaphore, #tpu.memory_space<semaphore_mem>>) src(%dma_wait3A_274 : memref<40x128xf32, #tpu.memory_space<vmem_shared>>) dst(%arg10 : memref<40x128xf32, #tpu.memory_space<vmem>>)
      tpu.yield
    }) : () -> ()
    "tpu.region"() ({
      %run_scoped3A = tpu.sem_alloc : memref<!tpu.dma_semaphore, #tpu.memory_space<semaphore_mem>>
      %dma_start3A_267 = arith.constant 0 : i32
      %dma_start3A_268 = tpu.memref_slice %arg5[%arg0, %add3A_258, %dma_start3A_267] : memref<2x10240x128xf32, #tpu.memory_space<hbm>> -> memref<1x40x128xf32, #tpu.memory_space<hbm>>
      %dma_start3A_269 = tpu.memref_squeeze %dma_start3A_268 : memref<1x40x128xf32, #tpu.memory_space<hbm>> -> memref<40x128xf32, #tpu.memory_space<hbm>>
      %dma_start3A_270 = arith.constant 0 : i32
      %dma_start3A_271 = tpu.memref_slice %arg5[%arg0, %add3A_258, %dma_start3A_270] : memref<2x10240x128xf32, #tpu.memory_space<hbm>> -> memref<1x40x128xf32, #tpu.memory_space<hbm>>
      %dma_start3A_272 = tpu.memref_squeeze %dma_start3A_271 : memref<1x40x128xf32, #tpu.memory_space<hbm>> -> memref<40x128xf32, #tpu.memory_space<hbm>>
      tpu.enqueue_dma source(%arg10 : memref<40x128xf32, #tpu.memory_space<vmem>>) target(%dma_start3A_272 : memref<40x128xf32, #tpu.memory_space<hbm>>) target_semaphore(%run_scoped3A : memref<!tpu.dma_semaphore, #tpu.memory_space<semaphore_mem>>)
      %dma_wait3A_273 = arith.constant 0 : i32
      %dma_wait3A_274 = tpu.memref_slice %arg5[%arg0, %add3A_258, %dma_wait3A_273] : memref<2x10240x128xf32, #tpu.memory_space<hbm>> -> memref<1x40x128xf32, #tpu.memory_space<hbm>>
      %dma_wait3A_275 = tpu.memref_squeeze %dma_wait3A_274 : memref<1x40x128xf32, #tpu.memory_space<hbm>> -> memref<40x128xf32, #tpu.memory_space<hbm>>
      %dma_wait3A_276 = arith.constant 0 : i32
      %dma_wait3A_277 = tpu.memref_slice %arg5[%arg0, %add3A_258, %dma_wait3A_276] : memref<2x10240x128xf32, #tpu.memory_space<hbm>> -> memref<1x40x128xf32, #tpu.memory_space<hbm>>
      %dma_wait3A_278 = tpu.memref_squeeze %dma_wait3A_277 : memref<1x40x128xf32, #tpu.memory_space<hbm>> -> memref<40x128xf32, #tpu.memory_space<hbm>>
      tpu.wait_dma2 semaphore(%run_scoped3A : memref<!tpu.dma_semaphore, #tpu.memory_space<semaphore_mem>>) src(%arg10 : memref<40x128xf32, #tpu.memory_space<vmem>>) dst(%dma_wait3A_278 : memref<40x128xf32, #tpu.memory_space<hbm>>)
      tpu.yield
    }) : () -> ()
    %mul3A_259 = arith.constant 640 : i32
    %mul3A_260 = arith.muli %arg1, %mul3A_259 : i32
    %add3A_261 = arith.constant 560 : i32
    %add3A_262 = arith.addi %mul3A_260, %add3A_261 : i32
    "tpu.region"() ({
      %run_scoped3A = tpu.sem_alloc : memref<!tpu.dma_semaphore, #tpu.memory_space<semaphore_mem>>
      %dma_start3A_267 = arith.constant 0 : i32
      %dma_start3A_268 = tpu.memref_slice %arg6[%add3A_262, %dma_start3A_267] : memref<10240x128xf32, #tpu.memory_space<vmem_shared>> -> memref<40x128xf32, #tpu.memory_space<vmem_shared>>
      %dma_start3A_269 = arith.constant 0 : i32
      %dma_start3A_270 = tpu.memref_slice %arg6[%add3A_262, %dma_start3A_269] : memref<10240x128xf32, #tpu.memory_space<vmem_shared>> -> memref<40x128xf32, #tpu.memory_space<vmem_shared>>
      tpu.enqueue_dma source(%dma_start3A_270 : memref<40x128xf32, #tpu.memory_space<vmem_shared>>) target(%arg10 : memref<40x128xf32, #tpu.memory_space<vmem>>) target_semaphore(%run_scoped3A : memref<!tpu.dma_semaphore, #tpu.memory_space<semaphore_mem>>)
      %dma_wait3A_271 = arith.constant 0 : i32
      %dma_wait3A_272 = tpu.memref_slice %arg6[%add3A_262, %dma_wait3A_271] : memref<10240x128xf32, #tpu.memory_space<vmem_shared>> -> memref<40x128xf32, #tpu.memory_space<vmem_shared>>
      %dma_wait3A_273 = arith.constant 0 : i32
      %dma_wait3A_274 = tpu.memref_slice %arg6[%add3A_262, %dma_wait3A_273] : memref<10240x128xf32, #tpu.memory_space<vmem_shared>> -> memref<40x128xf32, #tpu.memory_space<vmem_shared>>
      tpu.wait_dma2 semaphore(%run_scoped3A : memref<!tpu.dma_semaphore, #tpu.memory_space<semaphore_mem>>) src(%dma_wait3A_274 : memref<40x128xf32, #tpu.memory_space<vmem_shared>>) dst(%arg10 : memref<40x128xf32, #tpu.memory_space<vmem>>)
      tpu.yield
    }) : () -> ()
    "tpu.region"() ({
      %run_scoped3A = tpu.sem_alloc : memref<!tpu.dma_semaphore, #tpu.memory_space<semaphore_mem>>
      %dma_start3A_267 = arith.constant 0 : i32
      %dma_start3A_268 = tpu.memref_slice %arg5[%arg0, %add3A_262, %dma_start3A_267] : memref<2x10240x128xf32, #tpu.memory_space<hbm>> -> memref<1x40x128xf32, #tpu.memory_space<hbm>>
      %dma_start3A_269 = tpu.memref_squeeze %dma_start3A_268 : memref<1x40x128xf32, #tpu.memory_space<hbm>> -> memref<40x128xf32, #tpu.memory_space<hbm>>
      %dma_start3A_270 = arith.constant 0 : i32
      %dma_start3A_271 = tpu.memref_slice %arg5[%arg0, %add3A_262, %dma_start3A_270] : memref<2x10240x128xf32, #tpu.memory_space<hbm>> -> memref<1x40x128xf32, #tpu.memory_space<hbm>>
      %dma_start3A_272 = tpu.memref_squeeze %dma_start3A_271 : memref<1x40x128xf32, #tpu.memory_space<hbm>> -> memref<40x128xf32, #tpu.memory_space<hbm>>
      tpu.enqueue_dma source(%arg10 : memref<40x128xf32, #tpu.memory_space<vmem>>) target(%dma_start3A_272 : memref<40x128xf32, #tpu.memory_space<hbm>>) target_semaphore(%run_scoped3A : memref<!tpu.dma_semaphore, #tpu.memory_space<semaphore_mem>>)
      %dma_wait3A_273 = arith.constant 0 : i32
      %dma_wait3A_274 = tpu.memref_slice %arg5[%arg0, %add3A_262, %dma_wait3A_273] : memref<2x10240x128xf32, #tpu.memory_space<hbm>> -> memref<1x40x128xf32, #tpu.memory_space<hbm>>
      %dma_wait3A_275 = tpu.memref_squeeze %dma_wait3A_274 : memref<1x40x128xf32, #tpu.memory_space<hbm>> -> memref<40x128xf32, #tpu.memory_space<hbm>>
      %dma_wait3A_276 = arith.constant 0 : i32
      %dma_wait3A_277 = tpu.memref_slice %arg5[%arg0, %add3A_262, %dma_wait3A_276] : memref<2x10240x128xf32, #tpu.memory_space<hbm>> -> memref<1x40x128xf32, #tpu.memory_space<hbm>>
      %dma_wait3A_278 = tpu.memref_squeeze %dma_wait3A_277 : memref<1x40x128xf32, #tpu.memory_space<hbm>> -> memref<40x128xf32, #tpu.memory_space<hbm>>
      tpu.wait_dma2 semaphore(%run_scoped3A : memref<!tpu.dma_semaphore, #tpu.memory_space<semaphore_mem>>) src(%arg10 : memref<40x128xf32, #tpu.memory_space<vmem>>) dst(%dma_wait3A_278 : memref<40x128xf32, #tpu.memory_space<hbm>>)
      tpu.yield
    }) : () -> ()
    %mul3A_263 = arith.constant 640 : i32
    %mul3A_264 = arith.muli %arg1, %mul3A_263 : i32
    %add3A_265 = arith.constant 600 : i32
    %add3A_266 = arith.addi %mul3A_264, %add3A_265 : i32
    "tpu.region"() ({
      %run_scoped3A = tpu.sem_alloc : memref<!tpu.dma_semaphore, #tpu.memory_space<semaphore_mem>>
      %dma_start3A_267 = arith.constant 0 : i32
      %dma_start3A_268 = tpu.memref_slice %arg6[%add3A_266, %dma_start3A_267] : memref<10240x128xf32, #tpu.memory_space<vmem_shared>> -> memref<40x128xf32, #tpu.memory_space<vmem_shared>>
      %dma_start3A_269 = arith.constant 0 : i32
      %dma_start3A_270 = tpu.memref_slice %arg6[%add3A_266, %dma_start3A_269] : memref<10240x128xf32, #tpu.memory_space<vmem_shared>> -> memref<40x128xf32, #tpu.memory_space<vmem_shared>>
      tpu.enqueue_dma source(%dma_start3A_270 : memref<40x128xf32, #tpu.memory_space<vmem_shared>>) target(%arg10 : memref<40x128xf32, #tpu.memory_space<vmem>>) target_semaphore(%run_scoped3A : memref<!tpu.dma_semaphore, #tpu.memory_space<semaphore_mem>>)
      %dma_wait3A_271 = arith.constant 0 : i32
      %dma_wait3A_272 = tpu.memref_slice %arg6[%add3A_266, %dma_wait3A_271] : memref<10240x128xf32, #tpu.memory_space<vmem_shared>> -> memref<40x128xf32, #tpu.memory_space<vmem_shared>>
      %dma_wait3A_273 = arith.constant 0 : i32
      %dma_wait3A_274 = tpu.memref_slice %arg6[%add3A_266, %dma_wait3A_273] : memref<10240x128xf32, #tpu.memory_space<vmem_shared>> -> memref<40x128xf32, #tpu.memory_space<vmem_shared>>
      tpu.wait_dma2 semaphore(%run_scoped3A : memref<!tpu.dma_semaphore, #tpu.memory_space<semaphore_mem>>) src(%dma_wait3A_274 : memref<40x128xf32, #tpu.memory_space<vmem_shared>>) dst(%arg10 : memref<40x128xf32, #tpu.memory_space<vmem>>)
      tpu.yield
    }) : () -> ()
    "tpu.region"() ({
      %run_scoped3A = tpu.sem_alloc : memref<!tpu.dma_semaphore, #tpu.memory_space<semaphore_mem>>
      %dma_start3A_267 = arith.constant 0 : i32
      %dma_start3A_268 = tpu.memref_slice %arg5[%arg0, %add3A_266, %dma_start3A_267] : memref<2x10240x128xf32, #tpu.memory_space<hbm>> -> memref<1x40x128xf32, #tpu.memory_space<hbm>>
      %dma_start3A_269 = tpu.memref_squeeze %dma_start3A_268 : memref<1x40x128xf32, #tpu.memory_space<hbm>> -> memref<40x128xf32, #tpu.memory_space<hbm>>
      %dma_start3A_270 = arith.constant 0 : i32
      %dma_start3A_271 = tpu.memref_slice %arg5[%arg0, %add3A_266, %dma_start3A_270] : memref<2x10240x128xf32, #tpu.memory_space<hbm>> -> memref<1x40x128xf32, #tpu.memory_space<hbm>>
      %dma_start3A_272 = tpu.memref_squeeze %dma_start3A_271 : memref<1x40x128xf32, #tpu.memory_space<hbm>> -> memref<40x128xf32, #tpu.memory_space<hbm>>
      tpu.enqueue_dma source(%arg10 : memref<40x128xf32, #tpu.memory_space<vmem>>) target(%dma_start3A_272 : memref<40x128xf32, #tpu.memory_space<hbm>>) target_semaphore(%run_scoped3A : memref<!tpu.dma_semaphore, #tpu.memory_space<semaphore_mem>>)
      %dma_wait3A_273 = arith.constant 0 : i32
      %dma_wait3A_274 = tpu.memref_slice %arg5[%arg0, %add3A_266, %dma_wait3A_273] : memref<2x10240x128xf32, #tpu.memory_space<hbm>> -> memref<1x40x128xf32, #tpu.memory_space<hbm>>
      %dma_wait3A_275 = tpu.memref_squeeze %dma_wait3A_274 : memref<1x40x128xf32, #tpu.memory_space<hbm>> -> memref<40x128xf32, #tpu.memory_space<hbm>>
      %dma_wait3A_276 = arith.constant 0 : i32
      %dma_wait3A_277 = tpu.memref_slice %arg5[%arg0, %add3A_266, %dma_wait3A_276] : memref<2x10240x128xf32, #tpu.memory_space<hbm>> -> memref<1x40x128xf32, #tpu.memory_space<hbm>>
      %dma_wait3A_278 = tpu.memref_squeeze %dma_wait3A_277 : memref<1x40x128xf32, #tpu.memory_space<hbm>> -> memref<40x128xf32, #tpu.memory_space<hbm>>
      tpu.wait_dma2 semaphore(%run_scoped3A : memref<!tpu.dma_semaphore, #tpu.memory_space<semaphore_mem>>) src(%arg10 : memref<40x128xf32, #tpu.memory_space<vmem>>) dst(%dma_wait3A_278 : memref<40x128xf32, #tpu.memory_space<hbm>>)
      tpu.yield
    }) : () -> ()
    return
  }
}

module attributes {stable_mosaic.version = 14 : i64} {
  func.func @_k2_body(%arg0: memref<10000x128xf32, #tpu.memory_space<vmem>>, %arg1: memref<128x128xf32, #tpu.memory_space<vmem>>, %arg2: memref<2x10000xf32, #tpu.memory_space<vmem>>, %arg3: memref<10000x128xf32, #tpu.memory_space<vmem>>) attributes {dimension_semantics = [], scalar_prefetch = 0 : i64, scratch_operands = 0 : i64, tpu.core_type = #tpu.core_type<tc>} {
    %get3A = arith.constant 0 : index
    %get3A_0 = arith.constant 0 : index
    %get3A_1 = vector.load %arg2[%get3A, %get3A_0] : memref<2x10000xf32, #tpu.memory_space<vmem>>, vector<1x10000xf32>
    %get3A_2 = vector.shape_cast %get3A_1 : vector<1x10000xf32> to vector<10000xf32>
    %get3A_3 = arith.constant 1 : index
    %get3A_4 = arith.constant 0 : index
    %get3A_5 = vector.load %arg2[%get3A_3, %get3A_4] : memref<2x10000xf32, #tpu.memory_space<vmem>>, vector<1x10000xf32>
    %get3A_6 = vector.shape_cast %get3A_5 : vector<1x10000xf32> to vector<10000xf32>
    %add3A = arith.addf %get3A_2, %get3A_6 : vector<10000xf32>
    %gt3A = arith.constant 0.000000e+00 : f32
    %gt3A_7 = vector.broadcast %gt3A : f32 to vector<10000xf32>
    %gt3A_8 = arith.cmpf ogt, %add3A, %gt3A_7 : vector<10000xf32>
    %rsqrt3A = math.rsqrt %add3A : vector<10000xf32>
    %jit3A = arith.constant 0.000000e+00 : f32
    %broadcast_in_dim3A = vector.broadcast %jit3A : f32 to vector<10000xf32>
    %select_n3A = arith.select %gt3A_8, %rsqrt3A, %broadcast_in_dim3A : vector<10000xi1>, vector<10000xf32>
    %get3A_9 = arith.constant 0 : index
    %get3A_10 = arith.constant 0 : index
    %get3A_11 = vector.load %arg0[%get3A_9, %get3A_10] : memref<10000x128xf32, #tpu.memory_space<vmem>>, vector<10000x128xf32>
    %get3A_12 = arith.constant 0 : index
    %get3A_13 = arith.constant 0 : index
    %get3A_14 = vector.load %arg1[%get3A_12, %get3A_13] : memref<128x128xf32, #tpu.memory_space<vmem>>, vector<128x128xf32>
    %dot_general3A = arith.constant dense<0.000000e+00> : vector<10000x128xf32>
    %dot_general3A_15 = tpu.matmul %get3A_11, %get3A_14, %dot_general3A {dimension_numbers = #tpu.dot_dimension_numbers<[1], [0], [0], [1], [0, 0, 1, 1], [], []>, transpose_lhs_hint = false} : vector<10000x128xf32>, vector<128x128xf32>, vector<10000x128xf32> -> vector<10000x128xf32>
    %broadcast_in_dim3A_16 = vector.shape_cast %select_n3A : vector<10000xf32> to vector<10000x1xf32>
    %mul3A = vector.broadcast %broadcast_in_dim3A_16 : vector<10000x1xf32> to vector<10000x128xf32>
    %mul3A_17 = arith.mulf %dot_general3A_15, %mul3A : vector<10000x128xf32>
    %swap3A = arith.constant 0 : index
    %swap3A_18 = arith.constant 0 : index
    %swap3A_19 = vector.load %arg3[%swap3A, %swap3A_18] : memref<10000x128xf32, #tpu.memory_space<vmem>>, vector<10000x128xf32>
    tpu.vector_store %arg3[%swap3A, %swap3A_18], %mul3A_17 {strides = array<i32>} : memref<10000x128xf32, #tpu.memory_space<vmem>>, vector<10000x128xf32>,
    return
  }
}

module attributes {stable_mosaic.version = 14 : i64} {
  func.func @_k4_body(%arg0: memref<2x10240x128xf32, #tpu.memory_space<vmem>>, %arg1: memref<2x10000xf32, #tpu.memory_space<vmem>>, %arg2: memref<1x128xf32, #tpu.memory_space<vmem>>, %arg3: memref<10000x128xf32, #tpu.memory_space<vmem>>) attributes {dimension_semantics = [], scalar_prefetch = 0 : i64, scratch_operands = 0 : i64, tpu.core_type = #tpu.core_type<tc>} {
    %get3A = arith.constant 0 : index
    %get3A_0 = arith.constant 0 : index
    %get3A_1 = vector.load %arg1[%get3A, %get3A_0] : memref<2x10000xf32, #tpu.memory_space<vmem>>, vector<1x10000xf32>
    %get3A_2 = vector.shape_cast %get3A_1 : vector<1x10000xf32> to vector<10000xf32>
    %get3A_3 = arith.constant 1 : index
    %get3A_4 = arith.constant 0 : index
    %get3A_5 = vector.load %arg1[%get3A_3, %get3A_4] : memref<2x10000xf32, #tpu.memory_space<vmem>>, vector<1x10000xf32>
    %get3A_6 = vector.shape_cast %get3A_5 : vector<1x10000xf32> to vector<10000xf32>
    %add3A = arith.addf %get3A_2, %get3A_6 : vector<10000xf32>
    %gt3A = arith.constant 0.000000e+00 : f32
    %gt3A_7 = vector.broadcast %gt3A : f32 to vector<10000xf32>
    %gt3A_8 = arith.cmpf ogt, %add3A, %gt3A_7 : vector<10000xf32>
    %rsqrt3A = math.rsqrt %add3A : vector<10000xf32>
    %jit3A = arith.constant 0.000000e+00 : f32
    %broadcast_in_dim3A = vector.broadcast %jit3A : f32 to vector<10000xf32>
    %select_n3A = arith.select %gt3A_8, %rsqrt3A, %broadcast_in_dim3A : vector<10000xi1>, vector<10000xf32>
    %get3A_9 = arith.constant 0 : index
    %get3A_10 = arith.constant 0 : index
    %get3A_11 = arith.constant 0 : index
    %get3A_12 = vector.load %arg0[%get3A_9, %get3A_10, %get3A_11] : memref<2x10240x128xf32, #tpu.memory_space<vmem>>, vector<1x10000x128xf32>
    %get3A_13 = vector.shape_cast %get3A_12 : vector<1x10000x128xf32> to vector<10000x128xf32>
    %get3A_14 = arith.constant 1 : index
    %get3A_15 = arith.constant 0 : index
    %get3A_16 = arith.constant 0 : index
    %get3A_17 = vector.load %arg0[%get3A_14, %get3A_15, %get3A_16] : memref<2x10240x128xf32, #tpu.memory_space<vmem>>, vector<1x10000x128xf32>
    %get3A_18 = vector.shape_cast %get3A_17 : vector<1x10000x128xf32> to vector<10000x128xf32>
    %add3A_19 = arith.addf %get3A_13, %get3A_18 : vector<10000x128xf32>
    %broadcast_in_dim3A_20 = vector.shape_cast %select_n3A : vector<10000xf32> to vector<10000x1xf32>
    %mul3A = vector.broadcast %broadcast_in_dim3A_20 : vector<10000x1xf32> to vector<10000x128xf32>
    %mul3A_21 = arith.mulf %add3A_19, %mul3A : vector<10000x128xf32>
    %get3A_22 = arith.constant 0 : index
    %get3A_23 = arith.constant 0 : index
    %get3A_24 = vector.load %arg2[%get3A_22, %get3A_23] : memref<1x128xf32, #tpu.memory_space<vmem>>, vector<1x128xf32>
    %add3A_25 = vector.broadcast %get3A_24 : vector<1x128xf32> to vector<10000x128xf32>
    %add3A_26 = arith.addf %mul3A_21, %add3A_25 : vector<10000x128xf32>
    %max3A = arith.constant 0.000000e+00 : f32
    %max3A_27 = vector.broadcast %max3A : f32 to vector<10000x128xf32>
    %max3A_28 = arith.maximumf %add3A_26, %max3A_27 : vector<10000x128xf32>
    %swap3A = arith.constant 0 : index
    %swap3A_29 = arith.constant 0 : index
    %swap3A_30 = vector.load %arg3[%swap3A, %swap3A_29] : memref<10000x128xf32, #tpu.memory_space<vmem>>, vector<10000x128xf32>
    tpu.vector_store %arg3[%swap3A, %swap3A_29], %max3A_28 {strides = array<i32>} : memref<10000x128xf32, #tpu.memory_space<vmem>>, vector<10000x128xf32>,
    return
  }
}

</mosaic_0001>

<sc_bundles>
// kernel: kernel.6.cloned.1.call-start
scs
__scs_entry_jumppad:
0x0: {  	(pc) =	sbr.rel $0x88, $3  }
0x1: {  	(tag) =	ssettag $0x0;
	lr =	simm.s32 $0x1  }
0x2: {  	[smem:$0x3F9D] =	sst lr;
	_ =	strace $0xD0000000  }
0x3: {  	_ = 	snop  }
0x4: {  	_ = 	snop  }
0x5: {  	_ = 	snop  }
0x6: {  	_ = 	snop  }
0x7: {  	_ = 	snop  }
__scs_overlays_trampoline_lowered:
0x8: {  	[smem:$0x3FAC] =	sst s0  }
0x9: {  	[smem:$0x3FAD] =	sst s1  }
0xa: {  	[smem:$0x3FAE] =	sst s2  }
0xb: {  	[smem:$0x3FAF] =	sst s3  }
0xc: {  	[smem:$0x3FB0] =	sst s4  }
0xd: {  	[smem:$0x3FB1] =	sst s5  }
0xe: {  	[smem:$0x3FB2] =	sst s6  }
0xf: {  	[smem:$0x3FB3] =	sst s7  }
0x10: {  	[smem:$0x3FB4] =	sst s8  }
0x11: {  	[smem:$0x3FB5] =	sst s9;
	s0 =	simm.s32 @!p0 $0x0  }
0x12: {  	s1 =	sld [smem:$0x3F9B];
	s0 =	simm.s32 @p0 $0x1  }
0x13: {  	[smem:$0x3FB6] =	sst s0;
	s0 =	simm.s32 @!p1 $0x0  }
0x14: {  	s2 =	sld [smem:$0x3F9A];
	s0 =	simm.s32 @p1 $0x1  }
0x15: {  	[smem:$0x3FB7] =	sst s0;
	s0 =	simm.s32 @!p2 $0x0  }
0x16: {  	s3 =	sld [smem:$0x3FDB];
	s0 =	simm.s32 @p2 $0x1  }
0x17: {  	s4 =	simm.s32 $0x1BF5;
	[smem:$0x3FB9] =	sst s0  }
0x18: {  	s0 =	sld [smem:$0x3F9C];
	_ =	swait.ge [sflag:s4], $0x0  }
0x19: {  	s7 =	sld [smem:$0x3F9D]  }
0x1a: {  	s8 =	sadd.s32 $0xFFFFE003, lr  }
0x1b: {  	s9 =	sadd.s32 $0xFFFFFEF7, lr;
	s5 =	simm.s32 $0xFFFFFFFF;
	p2 =	slt.u32 s8, $0xFFFFF086  }
0x1c: {  	p1 =	slt.u32 s9, $0xF7A;
	s5 =	simm.s32 @!p2 $0x0  }
0x1d: {  	s5 =	simm.s32 @p1 $0x1;
	p0 =	seq.s32 s7, s2  }
0x1e: {  	s7 =	smul.u32 @!p0 $0xF7A, s2;
	p2 =	seq.s32 @!p0 s5, $0x0  }
0x1f: {  	s9 =	smul.u32 $0xF7A, s1;
	s8 =	simm.s32 @!p0 $0x1BF5;
	p2 =	por !p2, p0  }
0x20: {  	[sflag:s8] =	ssyncset.s32 @!p0 $0xFFFFF086;
	s6 =	sadd.s32 @!p0 s3, s7;
	s7 =	simm.s32 @!p0 $0x108  }
0x21: {  	s3 =	sadd.s32 s3, s9;
	s6 =	sadd.s32 @!p0 $0x88, s6;
	s7 =	simm.s32 @p2 $0x1082  }
0x22: {  	[simem:s7], [sflag:s8] =	dma.local @!p0 [hbm:s6], $0xF7A  }
0x23: {  	s9 =	sor.u32 $0xD0000000, s2;
	s6 =	simm.s32 $0x108;
	_ =	swait.ge @!p0 [sflag:s8], $0x0  }
0x24: {  	s3 =	sadd.s32 $0x88, s3;
	s6 =	simm.s32 @!p1 $0x1082;
	[sflag:s4] =	ssyncset.s32 $0xFFFFF086  }
0x25: {  	[simem:s6], [sflag:s4] =	dma.local [hbm:s3], $0xF7A  }
0x26: {  	[smem:$0x3F9D] =	sst s1;
	(tag) =	ssettag s2;
	_ =	strace s9  }
0x27: {  	s1 =	sld [smem:$0x3FAD]  }
0x28: {  	s2 =	sld [smem:$0x3FAE]  }
0x29: {  	s4 =	sld [smem:$0x3FB0]  }
0x2a: {  	p0 =	seq.s32 s5, $0x0;
	s5 =	sld [smem:$0x3FB1]  }
0x2b: {  	s6 =	sld [smem:$0x3FB2]  }
0x2c: {  	s7 =	sld [smem:$0x3FB3]  }
0x2d: {  	s3 =	simm.s32 $0x108;
	s8 =	sld [smem:$0x3FB4]  }
0x2e: {  	s3 =	simm.s32 @!p0 $0x1082;
	s9 =	sld [smem:$0x3FB5]  }
0x2f: {  	lr =	sadd.s32 s0, s3;
	s0 =	sld [smem:$0x3FAC]  }
0x30: {  	s3 =	sld [smem:$0x3FAF]  }
0x31: {  	[smem:$0x3FB8] =	sst s10  }
0x32: {  	s10 =	sld [smem:$0x3FB6];
	_ =	sdelay $0x3  }
0x33: {  	p0 =	seq.s32 s10, $0x1;
	s10 =	sld [smem:$0x3FB8];
	_ =	sdelay $0x3  }
0x34: {  	[smem:$0x3FB8] =	sst s10  }
0x35: {  	s10 =	sld [smem:$0x3FB7];
	_ =	sdelay $0x3  }
0x36: {  	p1 =	seq.s32 s10, $0x1;
	s10 =	sld [smem:$0x3FB8];
	_ =	sdelay $0x3  }
0x37: {  	[smem:$0x3FB8] =	sst s10  }
0x38: {  	s10 =	sld [smem:$0x3FB9]  }
0x39: {  	_ = 	snop;
	(pc) =	sbr.ind lr, $3  }
0x3a: {  	_ = 	snop  }
0x3b: {  	_ = 	snop  }
0x3c: {  	p2 =	seq.s32 s10, $0x1;
	s10 =	sld [smem:$0x3FB8]  }
0x3d: {  	_ =	shalt  }
0x3e: {  	_ =	shalt  }
0x3f: {  	_ =	shalt  }
0x40: {  	_ =	shalt  }
0x41: {  	_ =	shalt  }
0x42: {  	_ =	shalt  }
0x43: {  	_ =	shalt  }
0x44: {  	_ =	shalt  }
0x45: {  	_ =	shalt  }
0x46: {  	_ =	shalt  }
0x47: {  	_ =	shalt  }
0x48: {  	_ =	shalt  }
0x49: {  	_ =	shalt  }
0x4a: {  	_ =	shalt  }
0x4b: {  	_ =	shalt  }
0x4c: {  	_ =	shalt  }
0x4d: {  	_ =	shalt  }
0x4e: {  	_ =	shalt  }
0x4f: {  	_ =	shalt  }
0x50: {  	_ =	shalt  }
0x51: {  	_ =	shalt  }
0x52: {  	_ =	shalt  }
0x53: {  	_ =	shalt  }
0x54: {  	_ =	shalt  }
0x55: {  	_ =	shalt  }
0x56: {  	_ =	shalt  }
0x57: {  	_ =	shalt  }
0x58: {  	_ =	shalt  }
0x59: {  	_ =	shalt  }
0x5a: {  	_ =	shalt  }
0x5b: {  	_ =	shalt  }
0x5c: {  	_ =	shalt  }
0x5d: {  	_ =	shalt  }
0x5e: {  	_ =	shalt  }
0x5f: {  	_ =	shalt  }
0x60: {  	_ =	shalt  }
0x61: {  	_ =	shalt  }
0x62: {  	_ =	shalt  }
0x63: {  	_ =	shalt  }
0x64: {  	_ =	shalt  }
0x65: {  	_ =	shalt  }
0x66: {  	_ =	shalt  }
0x67: {  	_ =	shalt  }
0x68: {  	_ =	shalt  }
0x69: {  	_ =	shalt  }
0x6a: {  	_ =	shalt  }
0x6b: {  	_ =	shalt  }
0x6c: {  	_ =	shalt  }
0x6d: {  	_ =	shalt  }
0x6e: {  	_ =	shalt  }
0x6f: {  	_ =	shalt  }
0x70: {  	_ =	shalt  }
0x71: {  	_ =	shalt  }
0x72: {  	_ =	shalt  }
0x73: {  	_ =	shalt  }
0x74: {  	_ =	shalt  }
0x75: {  	_ =	shalt  }
0x76: {  	_ =	shalt  }
0x77: {  	_ =	shalt  }
0x78: {  	_ =	shalt  }
0x79: {  	_ =	shalt  }
0x7a: {  	_ =	shalt  }
0x7b: {  	_ =	shalt  }
0x7c: {  	_ =	shalt  }
0x7d: {  	_ =	shalt  }
0x7e: {  	_ =	shalt  }
0x7f: {  	_ =	shalt  }
0x80: {  	_ =	shalt  }
0x81: {  	_ =	shalt  }
0x82: {  	_ =	shalt  }
0x83: {  	_ =	shalt  }
0x84: {  	_ =	shalt  }
0x85: {  	_ =	shalt  }
0x86: {  	_ =	shalt  }
0x87: {  	_ =	shalt  }
.Lfunc_end0:
.L_simem_size_0:
called_computation_lowered:
.L_overlay_start_0:
0x88: {  	s2 =	sld [smem:$0x3FD9]  }
0x89: {  	s3 =	sld [smem:$0x3FFE];
	_ =	sdelay $0x1  }
0x8a: {  	s1 =	srdreg.scid  }
0x8b: {  	s0 =	sand.u32 $0x1, s1  }
0x8c: {  	s17 =	sshll.u32 s0, $0xA;
	s2 =	sadd.s32 s3, s2  }
0x8d: {  	s2 =	sadd.s32 s2, s17  }
0x8e: {  	[smem:$0x3FC4] =	sst s2  }
0x8f: {  	_ = 	snop  }
0x90: {  	s2 =	sld [smem:$0x3FD0];
	(tm) =	ssettm $0x1  }
0x91: {  	s18 =	sld [smem:$0x3FFB];
	_ =	sdelay $0x3  }
0x92: {  	_ =	strace s18  }
0x93: {  	s3 =	sld [smem:$0x3FFC];
	_ =	sdelay $0x3  }
0x94: {  	_ =	strace s3  }
0x95: {  	s3 =	sld [smem:$0x3FFD];
	_ =	sdelay $0x3  }
0x96: {  	_ =	strace s3  }
0x97: {  	_ =	strace $0x8FFFFFFF  }
0x98: {  	s19 =	sld [smem:$0x3FDB];
	_ =	sdelay $0x1  }
0x99: {  	s4 =	simm.s32 $_scs_section_size  }
0x9a: {  	s5 =	simm.s32 $_size__tile_overlayer_lowered;
	s6 =	simm.s32 $_tile_overlayer_lowered  }
0x9b: {  	s22 =	simm.s32 $0x1BFF;
	s21 =	sshll.u32 s6, $0x1;
	s3 =	sadd.s32 s4, s19  }
0x9c: {  	s7 =	simm.s32 $0x0;
	s20 =	sshll.u32 s5, $0x1;
	s5 =	sadd.s32 s21, s3  }
0x9d: {  	[timem:s7], [sflag:s22] =	dma.local [hbm:s5], s20  }
0x9e: {  	_ =	swait.ge [sflag:s22], s20  }
0x9f: {  	s4 =	ssub.s32 $0x0, s20;
	[sflag:s22] =	ssyncset.done $0x0  }
0xa0: {  	[sflag:s22] =	ssyncadd.s32 s4;
	_ =	sdelay $0x1  }
0xa1: {  	s23 =	simm.s32 $0x1B8B  }
0xa2: {  	_ =	swait.ge [sflag:s23], $0x1  }
0xa3: {  	[sflag:s23] =	ssyncset.done $0x0  }
0xa4: {  	s25 =	simm.s32 $0x1B8E;
	s24 =	sld [smem:$0x3FFE];
	[sflag:s23] =	ssyncadd.s32 $0xFFFFFFFF  }
0xa5: {  	s26 =	simm.s32 $execute0_lowered;
	[smem:$0x3FD2] =	sst s25  }
0xa6: {  	s5 =	sshll.u32 s26, $0x1;
	_ =	strace $0x80000046;
	[dreg:$0x1] =	wrdreg $0xFFFFFFFF  }
0xa7: {  	s28 =	simm.s32 $_size_execute0_lowered;
	s3 =	sadd.s32 s3, s5;
	[dreg:$0x0] =	wrdreg $0x0  }
0xa8: {  	s5 =	sshll.u32 s28, $0x1;
	[dreg:$0x2] =	wrdreg s3  }
0xa9: {  	[dreg:$0x3] =	wrdreg s5  }
0xaa: {  	[dreg:$0x4] =	wrdreg $0xC0  }
0xab: {  	_ =	task [dreg:s7], $0x5FFFF  }
0xac: {  	[dreg:$0x1] =	wrdreg $0xFFFFFFFF  }
0xad: {  	[dreg:$0x0] =	wrdreg $0x60  }
0xae: {  	[dreg:$0x2] =	wrdreg s24  }
0xaf: {  	[dreg:$0x3] =	wrdreg s2  }
0xb0: {  	[dreg:$0x4] =	wrdreg $0x0  }
0xb1: {  	[dreg:$0x5] =	wrdreg $0x2780  }
0xb2: {  	[dreg:$0x6] =	wrdreg $0x9  }
0xb3: {  	_ =	task.clear_ibuf [dreg:s7], $0x7FFFF;
	_ =	strace $0x90000046  }
0xb4: {  	s29 =	simm.s32 $0x9;
	_ =	strace $0x80000048  }
0xb5: {  	_ =	swait.ge [sflag:s29], $0x1  }
0xb6: {  	[sflag:s29] =	ssyncadd.s32 $0xFFFFFFFF  }
0xb7: {  	_ =	strace $0x90000048  }
0xb8: {  	_ =	sfence  }
0xb9: {  	s30 =	sld [smem:$0x0];
	_ =	sdelay $0x2  }
0xba: {  	s31 =	sshll.u32 s1, $0xD;
	s1 =	sshrl.u32 s1, $0x2  }
0xbb: {  	s3 =	sand.u32 $0x4000, s31;
	s1 =	sadd.s32 s1, s30  }
0xbc: {  	s0 =	sor.u32 s3, s0;
	s1 =	sshll.u32 s1, $0x11  }
0xbd: {  	s0 =	sor.u32 s1, s0  }
0xbe: {  	s0 =	sadd.s32 $0x8F2B, s0  }
0xbf: {  	[sflag:s0] =	ssyncadd.remote.s32 $0x1  }
0xc0: {  	_ =	sfence.sel $0xFFFF  }
0xc1: {  	[dreg:$0x0] =	wrdreg $0xFFFFFFFF;
	(pc) =	sbr.abs _section_cstart, $3  }
0xc2: {  	[dreg:$0x1] =	wrdreg $0xFFFFFFFF  }
0xc3: {  	_ =	task.clear_ibuf [dreg:s7], $0x2FFFF;
	_ =	strace $0x9FFFFFFF  }
0xc4: {  	(tm) =	ssettm $0x7FFFFFFF  }
0xc5: {  	_ =	shalt  }
tec
execute0_lowered:
.L_overlay_start_1:
0x0: {  	(tag) =	ssettag $0x1  }
0x1: {  	s0 =	rddreg [dreg:$0x0]  }
0x2: {  	s2 =	rddreg [dreg:$0x1]  }
0x3: {  	s1 =	rddreg [dreg:$0x2]  }
0x4: {  	s3 =	rddreg [dreg:$0x3];
	s4 =	simm.s32 $0x0  }
0x5: {  	s5 =	srdreg.scid;
	s19 =	stileid.u32;
	p2 =	por $0x0, $0x0  }
0x6: {  	s28 =	simm.s32 $0x770;
	s29 =	simm.s32 $0x3;
	s30 =	simm.s32 $0x10  }
0x7: {  	s31 =	simm.s32 $0x7F0;
	[smem:$0x7FF] =	sst s4;
	s6 =	smul.u32 $0x7D0, s19  }
0x8: {  	s5 =	sand.u32 $0x1, s5;
	s7 =	sadd.s32 $0xB400, s0;
	s9 =	smul.u32 $0x1F40, s19  }
0x9: {  	s17 =	sadd.s32 $0x1600, s0;
	s14 =	smul.u32 $0x2710, s19;
	p0 =	sgt.u32 s19, $0x4  }
0xa: {  	p1 =	sgt.u32 s19, $0x9;
	s19 =	simm.s32 $0x4F0;
	s8 =	smul.u32 $0x2710, s5  }
0xb: {  	_ =	strace $0x80000047;
	s11 =	ssub.s32 $0x2, s5;
	s5 =	smul.u32 $0x27100, s5  }
0xc: {  	p2 =	por @!p1 p0, p0;
	s12 =	sadd.s32 $0xFFFFD8F0, s6;
	s13 =	sshrl.u32 s11, $0x1  }
0xd: {  	s9 =	sshrl.u32 s9, $0x2;
	s10 =	sadd.s32 s8, s12;
	s15 =	ssub.s32 s11, s13  }
0xe: {  	s18 =	sadd.s32 s9, s3;
	s16 =	sadd.s32 s14, s5;
	s5 =	sadd.s32 s9, s1  }
0xf: {  	s8 =	sadd.s32 s6, s8;
	s12 =	sadd.s32 s12, s3;
	s10 =	sshrl.u32 s10, $0x3  }
0x10: {  	s18 =	sadd.s32 $0xFFFFD8F0, s18;
	s14 =	sshrl.u32 s16, $0x3;
	s8 =	sshrl.u32 s8, $0x3  }
0x11: {  	s25 =	sadd.s32 $0x100, s16;
	s0 =	sadd.s32 s10, s0;
	s20 =	sadd.s32 s7, s14  }
0x12: {  	s21 =	sadd.s32 $0x4E0, s14;
	s22 =	sadd.s32 s17, s14;
	s10 =	sadd.s32 s6, s1  }
0x13: {  	s11 =	sadd.s32 s2, s8;
	s24 =	sadd.s32 $0x10, s14;
	s14 =	smax.u32 s15, $0x1  }
0x14: {  	s5 =	smov.u32 @p0 s18;
	s26 =	sshrl.u32 s25, $0x3;
	[dreg:$0x5] =	wrdreg s20  }
0x15: {  	s25 =	simm.s32 $0x2;
	[dreg:$0x6] =	wrdreg s22;
	s23 =	sadd.s32 s7, s21  }
0x16: {  	s9 =	sadd.s32 s17, s21;
	s13 =	sadd.s32 $0x15200, s0;
	s15 =	sadd.s32 s7, s24  }
0x17: {  	s16 =	sadd.s32 s17, s24;
	s17 =	sadd.s32 s26, s17;
	s18 =	sadd.s32 s26, s7  }
0x18: {  	s20 =	simm.s32 $0x5F0;
	s21 =	simm.s32 $0x570;
	s22 =	simm.s32 $0x670  }
0x19: {  	s24 =	simm.s32 $0x6F0;
	s26 =	simm.s32 $0x80;
	[dreg:$0x7] =	wrdreg s23  }
0x1a: {  	v0 =	vimm.f32 $0.0e+00;
	v1 =	vimm.f32 $1.000000000e+00;
	s0 =	simm.s32 $0x0;
	[dreg:$0x8] =	wrdreg s9;
	s23 =	simm.s32 $0x1  }
.LBB2_1:
0x1b: {  	s2 =	simm.s32 $0x40;
	s6 =	simm.s32 $0x0  }
.LBB2_2:
0x1c: {  	p3 =	sne.s32 s2, $0x1F00;
	[tilespmem:s6+$0x870] =	vst v0;
	s6 =	smov.u32 s2;
	s2 =	sadd.s32 $0x40, s2  }
.Ltmp0:
0x1d: {  	(pc) =	sbr.rel @p3 .LBB2_2-.Ltmp0, $2  }
0x1e: {  	_ =	sdelay $0x2  }
0x1f: {  	s6 =	sshra.s32 s6, $0x2  }
0x20: {  	[tilespmem:s6+$0x870] =	vst v0;
	s2 =	simm.s32 @!p1 $0x870  }
0x21: {  	[spmem:s5] =	stream.linear.scatter @!p1 [tilespmem:s2], [sflag:$0x3], $0x7D0, $0x38;
	[tilespmem:$0x1070] =	vst v63  }
0x22: {  	s2 =	simm.s32 @!p1 $0x3  }
0x23: {  	_ =	swait.ge @!p1 [sflag:s2], $0x7D0  }
0x24: {  	[sflag:s2] =	ssyncset.done @!p1 $0x0  }
0x25: {  	[sflag:s2] =	ssyncadd.s32 @!p1 $0xFFFFF830  }
0x26: {  	[tilespmem:$0x6F0] =	vst v1  }
0x27: {  	[tilespmem:$0x700] =	vst v1  }
0x28: {  	[tilespmem:$0x710] =	vst v1  }
0x29: {  	[tilespmem:$0x720] =	vst v1  }
0x2a: {  	[tilespmem:$0x730] =	vst v1  }
0x2b: {  	[tilespmem:$0x740] =	vst v1  }
0x2c: {  	[tilespmem:$0x750] =	vst v1  }
0x2d: {  	[tilespmem:$0x760] =	vst v1  }
0x2e: {  	[tilespmem:$0x7F0] =	vst v1  }
0x2f: {  	[bflag:$0x0] =	sbarrier.arrive $0xFFFF  }
0x30: {  	s8 =	rddreg [dreg:$0x5]  }
0x31: {  	[tilespmem:s19], [sflag:$0x1] =	stream.linear.gather [hbm4b:s8+s4], $0x80, $0x38;
	[tilespmem:$0x1070] =	vst v63  }
0x32: {  	s9 =	rddreg [dreg:$0x6]  }
0x33: {  	[tilespmem:s20], [sflag:$0x1] =	stream.linear.gather [hbm4b:s9+s4], $0x80, $0x38;
	[tilespmem:$0x1070] =	vst v63  }
0x34: {  	_ = 	snop  }
0x35: {  	[tilespmem:s21], [sflag:$0x1] =	stream.linear.gather [hbm4b:s15+s4], $0x80, $0x38;
	[tilespmem:$0x1070] =	vst v63  }
0x36: {  	_ = 	snop  }
0x37: {  	[tilespmem:s22], [sflag:$0x1] =	stream.linear.gather [hbm4b:s16+s4], $0x80, $0x38;
	[tilespmem:$0x1070] =	vst v63  }
0x38: {  	_ =	swait.ge [sflag:s23], $0x80  }
0x39: {  	[sflag:s23] =	ssyncset.done $0x0  }
0x3a: {  	[sflag:s23] =	ssyncadd.s32 $0xFFFFFF80  }
0x3b: {  	_ =	swait.ge [sflag:s23], $0x80  }
0x3c: {  	[sflag:s23] =	ssyncset.done $0x0  }
0x3d: {  	s6 =	simm.s32 $0x80;
	[sflag:s23] =	ssyncadd.s32 $0xFFFFFF80  }
0x3e: {  	[spmem:s1] =	stream.indirect.scatter.add.f32 [tilespmem:s24], [sflag:$0x2], $0x1, s19, s6, $0xb8;
	[tilespmem:$0x1070] =	vst v63  }
0x3f: {  	_ = 	snop  }
0x40: {  	[spmem:s3] =	stream.indirect.scatter.add.f32 [tilespmem:s24], [sflag:$0x2], $0x1, s20, s6, $0xb8;
	[tilespmem:$0x1070] =	vst v63  }
0x41: {  	_ =	swait.ge [sflag:s25], $0x80  }
0x42: {  	[sflag:s25] =	ssyncset.done $0x0  }
0x43: {  	[sflag:s25] =	ssyncadd.s32 $0xFFFFFF80  }
0x44: {  	_ =	swait.ge [sflag:s25], $0x80  }
0x45: {  	s7 =	sand.u32 $0x80, s6;
	[sflag:s25] =	ssyncset.done $0x0  }
0x46: {  	s2 =	ssub.s32 $0x570, s7;
	[sflag:s25] =	ssyncadd.s32 $0xFFFFFF80  }
0x47: {  	[tilespmem:s2], [sflag:$0x1] =	stream.linear.gather [hbm4b:s18+s4], $0x80, $0x38;
	[tilespmem:$0x1070] =	vst v63  }
0x48: {  	s8 =	ssub.s32 $0x670, s7  }
0x49: {  	[tilespmem:s8], [sflag:$0x1] =	stream.linear.gather [hbm4b:s17+s4], $0x80, $0x38;
	[tilespmem:$0x1070] =	vst v63  }
0x4a: {  	_ =	swait.ge [sflag:s23], $0x80  }
0x4b: {  	[sflag:s23] =	ssyncset.done $0x0  }
0x4c: {  	[sflag:s23] =	ssyncadd.s32 $0xFFFFFF80  }
0x4d: {  	s9 =	sadd.s32 $0x4F0, s7;
	_ =	swait.ge [sflag:s23], $0x80  }
0x4e: {  	s6 =	sadd.s32 $0x10, s17;
	s2 =	simm.s32 $0x100;
	[sflag:s23] =	ssyncset.done $0x0  }
0x4f: {  	s8 =	sadd.s32 $0x5F0, s7;
	s7 =	sadd.s32 $0x10, s18;
	[sflag:s23] =	ssyncadd.s32 $0xFFFFFF80  }
0x50: {  	[spmem:s1] =	stream.indirect.scatter.add.f32 [tilespmem:s24], [sflag:$0x2], $0x1, s9, s26, $0xb8;
	[tilespmem:$0x1070] =	vst v63  }
.LBB2_4:
0x51: {  	[spmem:s3] =	stream.indirect.scatter.add.f32 [tilespmem:s24], [sflag:$0x2], $0x1, s8, s26, $0xb8;
	[tilespmem:$0x1070] =	vst v63  }
0x52: {  	s8 =	smov.u32 s2  }
0x53: {  	p3 =	sne.s32 s2, $0x2600;
	s2 =	sadd.s32 $0x80, s2;
	_ =	swait.ge [sflag:s25], $0x80  }
0x54: {  	[sflag:s25] =	ssyncset.done $0x0  }
0x55: {  	[sflag:s25] =	ssyncadd.s32 $0xFFFFFF80  }
0x56: {  	_ =	swait.ge [sflag:s25], $0x80  }
0x57: {  	s8 =	sand.u32 $0x80, s8;
	[sflag:s25] =	ssyncset.done $0x0  }
0x58: {  	s9 =	ssub.s32 $0x570, s8;
	[sflag:s25] =	ssyncadd.s32 $0xFFFFFF80  }
0x59: {  	[tilespmem:s9], [sflag:$0x1] =	stream.linear.gather [hbm4b:s7+s4], $0x80, $0x38;
	[tilespmem:$0x1070] =	vst v63  }
0x5a: {  	s9 =	ssub.s32 $0x670, s8  }
0x5b: {  	[tilespmem:s9], [sflag:$0x1] =	stream.linear.gather [hbm4b:s6+s4], $0x80, $0x38;
	[tilespmem:$0x1070] =	vst v63  }
0x5c: {  	_ =	swait.ge [sflag:s23], $0x80  }
0x5d: {  	[sflag:s23] =	ssyncset.done $0x0  }
0x5e: {  	[sflag:s23] =	ssyncadd.s32 $0xFFFFFF80  }
.Ltmp1:
0x5f: {  	_ =	swait.ge [sflag:s23], $0x80;
	(pc) =	sbr.rel @p3 .LBB2_4-.Ltmp1, $4  }
0x60: {  	[sflag:s23] =	ssyncset.done $0x0  }
0x61: {  	s9 =	sadd.s32 $0x4F0, s8;
	[sflag:s23] =	ssyncadd.s32 $0xFFFFFF80  }
0x62: {  	[spmem:s1] =	stream.indirect.scatter.add.f32 [tilespmem:s24], [sflag:$0x2], $0x1, s9, s26, $0xb8;
	[tilespmem:$0x1070] =	vst v63  }
0x63: {  	s7 =	sadd.s32 $0x10, s7;
	s8 =	sadd.s32 $0x5F0, s8;
	s6 =	sadd.s32 $0x10, s6  }
0x64: {  	[spmem:s3] =	stream.indirect.scatter.add.f32 [tilespmem:s24], [sflag:$0x2], $0x1, s8, s26, $0xb8;
	[tilespmem:$0x1070] =	vst v63  }
0x65: {  	_ =	swait.ge [sflag:s25], $0x80  }
0x66: {  	[sflag:s25] =	ssyncset.done $0x0  }
0x67: {  	[sflag:s25] =	ssyncadd.s32 $0xFFFFFF80  }
0x68: {  	_ =	swait.ge [sflag:s25], $0x80  }
0x69: {  	[sflag:s25] =	ssyncset.done $0x0  }
0x6a: {  	[sflag:s25] =	ssyncadd.s32 $0xFFFFFF80  }
0x6b: {  	_ =	swait.ge [sflag:s23], $0x80  }
0x6c: {  	[sflag:s23] =	ssyncset.done $0x0  }
0x6d: {  	[sflag:s23] =	ssyncadd.s32 $0xFFFFFF80  }
0x6e: {  	_ =	swait.ge [sflag:s23], $0x80  }
0x6f: {  	[sflag:s23] =	ssyncset.done $0x0  }
0x70: {  	[sflag:s23] =	ssyncadd.s32 $0xFFFFFF80  }
0x71: {  	[spmem:s1] =	stream.indirect.scatter.add.f32 [tilespmem:s24], [sflag:$0x2], $0x1, s21, s26, $0xb8;
	[tilespmem:$0x1070] =	vst v63  }
0x72: {  	_ = 	snop  }
0x73: {  	[spmem:s3] =	stream.indirect.scatter.add.f32 [tilespmem:s24], [sflag:$0x2], $0x1, s22, s26, $0xb8;
	[tilespmem:$0x1070] =	vst v63  }
0x74: {  	_ =	swait.ge [sflag:s25], $0x80  }
0x75: {  	[sflag:s25] =	ssyncset.done $0x0  }
0x76: {  	[sflag:s25] =	ssyncadd.s32 $0xFFFFFF80  }
0x77: {  	_ =	swait.ge [sflag:s25], $0x80  }
0x78: {  	[sflag:s25] =	ssyncset.done $0x0  }
0x79: {  	s2 =	rddreg [dreg:$0x7];
	[sflag:s25] =	ssyncadd.s32 $0xFFFFFF80  }
0x7a: {  	[tilespmem:s28], [sflag:$0x3] =	stream.linear.gather [hbm4b:s2+s4], $0x10, $0x38;
	[tilespmem:$0x1070] =	vst v63  }
0x7b: {  	_ =	swait.ge [sflag:s29], $0x10  }
0x7c: {  	[sflag:s29] =	ssyncset.done $0x0  }
0x7d: {  	[sflag:s29] =	ssyncadd.s32 $0xFFFFFFF0  }
0x7e: {  	[spmem:s1] =	stream.indirect.scatter.add.f32 [tilespmem:s31], [sflag:$0x3], $0x1, s28, s30, $0xb8;
	[tilespmem:$0x1070] =	vst v63  }
0x7f: {  	_ =	swait.ge [sflag:s29], $0x10  }
0x80: {  	[sflag:s29] =	ssyncset.done $0x0  }
0x81: {  	s9 =	rddreg [dreg:$0x8];
	[sflag:s29] =	ssyncadd.s32 $0xFFFFFFF0  }
0x82: {  	[tilespmem:s28], [sflag:$0x3] =	stream.linear.gather [hbm4b:s9+s4], $0x10, $0x38;
	[tilespmem:$0x1070] =	vst v63  }
0x83: {  	_ =	swait.ge [sflag:s29], $0x10  }
0x84: {  	[sflag:s29] =	ssyncset.done $0x0  }
0x85: {  	[sflag:s29] =	ssyncadd.s32 $0xFFFFFFF0  }
0x86: {  	[spmem:s3] =	stream.indirect.scatter.add.f32 [tilespmem:s31], [sflag:$0x3], $0x1, s28, s30, $0xb8;
	[tilespmem:$0x1070] =	vst v63  }
0x87: {  	_ =	swait.ge [sflag:s29], $0x10  }
0x88: {  	[sflag:s29] =	ssyncset.done $0x0  }
0x89: {  	[sflag:s29] =	ssyncadd.s32 $0xFFFFFFF0  }
0x8a: {  	s6 =	simm.s32 @!p0 $0x3;
	s2 =	simm.s32 @!p0 $0x870;
	[bflag:$0x0] =	sbarrier.arrive $0xFFFF  }
0x8b: {  	[tilespmem:s2], [sflag:$0x3] =	stream.linear.gather @!p0 [spmem:s10], $0x7D0, $0x38;
	[tilespmem:$0x1070] =	vst v63  }
0x8c: {  	_ =	swait.ge @!p0 [sflag:s6], $0x7D0  }
0x8d: {  	[sflag:s6] =	ssyncset.done @!p0 $0x0  }
0x8e: {  	s7 =	simm.s32 @!p0 $0x0;
	[sflag:s6] =	ssyncadd.s32 @!p0 $0xFFFFF830  }
0x8f: {  	[hbm4b:s11+s7] =	stream.linear.scatter @!p0 [tilespmem:s2], [sflag:$0x3], $0x7D0, $0x38;
	[tilespmem:$0x1070] =	vst v63  }
0x90: {  	_ =	swait.ge @!p0 [sflag:s6], $0x7D0  }
0x91: {  	[sflag:s6] =	ssyncset.done @!p0 $0x0  }
0x92: {  	s2 =	simm.s32 @p2 $0x870;
	[sflag:s6] =	ssyncadd.s32 @!p0 $0xFFFFF830;
	s6 =	simm.s32 @p2 $0x3  }
0x93: {  	[tilespmem:s2], [sflag:$0x3] =	stream.linear.gather @p2 [spmem:s12], $0x7D0, $0x38;
	[tilespmem:$0x1070] =	vst v63  }
0x94: {  	s0 =	sadd.s32 $0x1, s0;
	_ =	swait.ge @p2 [sflag:s6], $0x7D0  }
0x95: {  	p3 =	sne.s32 s0, s14;
	[sflag:s6] =	ssyncset.done @p2 $0x0  }
.Ltmp2:
0x96: {  	s7 =	simm.s32 @p2 $0x0;
	[sflag:s6] =	ssyncadd.s32 @p2 $0xFFFFF830;
	(pc) =	sbr.rel @p3 .LBB2_1-.Ltmp2, $4  }
0x97: {  	[hbm4b:s13+s7] =	stream.linear.scatter @p2 [tilespmem:s2], [sflag:$0x3], $0x7D0, $0x38;
	[tilespmem:$0x1070] =	vst v63  }
0x98: {  	_ =	swait.ge @p2 [sflag:s6], $0x7D0  }
0x99: {  	[sflag:s6] =	ssyncset.done @p2 $0x0  }
0x9a: {  	[sflag:s6] =	ssyncadd.s32 @p2 $0xFFFFF830  }
0x9b: {  	_ =	sfence.sel $0x180000  }
0x9c: {  	[bflag:$0x0] =	sbarrier.arrive $0xFFFF  }
0x9d: {  	_ =	strace $0x90000047  }
0x9e: {  	s0 =	stileid.u32;
	[bflag:$0x2] =	sbarrier.arrive $0xFFFF  }
0x9f: {  	p0 =	sne.s32 s0, $0x0;
	s0 =	rddreg [dreg:$0x4]  }
0xa0: {  	s0 =	sadd.s32 @!p0 $0x100000, s0  }
0xa1: {  	[sflag:s0] =	ssyncadd.tile.s32 @!p0 $0x1;
	_ =	shalt  }
.Lfunc_end2:
_tile_overlayer_lowered:
.L_overlay_start_2:
0xa2: {  	(tag) =	ssettag $0x2  }
0xa3: {  	s0 =	rddreg [dreg:$0x0];
	s2 =	stileid.u32  }
0xa4: {  	s1 =	rddreg [dreg:$0x1];
	p0 =	sne.s32 s2, $0x0  }
0xa5: {  	s3 =	rddreg [dreg:$0x2];
	[bflag:$0x3] =	sbarrier.arrive $0xFFFF;
	s2 =	simm.s32 @!p0 $0x1C03  }
0xa6: {  	[timem:s3], [sflag:s2] =	dma.local @!p0 [hbm:s0], s1  }
0xa7: {  	s0 =	simm.s32 @!p0 $0x3  }
0xa8: {  	_ =	swait.ge @!p0 [sflag:s0], s1  }
0xa9: {  	s1 =	ssub.s32 @!p0 $0x0, s1;
	[sflag:s0] =	ssyncset.done @!p0 $0x0  }
0xaa: {  	[sflag:s0] =	ssyncadd.s32 @!p0 s1  }
0xab: {  	[bflag:$0x3] =	sbarrier.arrive $0xFFFF  }
0xac: {  	_ =	shalt  }

// kernel: kernel.9.cloned.1.call-start
scs
__scs_entry_jumppad:
0x0: {  	(pc) =	sbr.rel $0x88, $3  }
0x1: {  	(tag) =	ssettag $0x0;
	lr =	simm.s32 $0x1  }
0x2: {  	[smem:$0x3F9D] =	sst lr;
	_ =	strace $0xD0000000  }
0x3: {  	_ = 	snop  }
0x4: {  	_ = 	snop  }
0x5: {  	_ = 	snop  }
0x6: {  	_ = 	snop  }
0x7: {  	_ = 	snop  }
__scs_overlays_trampoline_lowered:
0x8: {  	[smem:$0x3FAC] =	sst s0  }
0x9: {  	[smem:$0x3FAD] =	sst s1  }
0xa: {  	[smem:$0x3FAE] =	sst s2  }
0xb: {  	[smem:$0x3FAF] =	sst s3  }
0xc: {  	[smem:$0x3FB0] =	sst s4  }
0xd: {  	[smem:$0x3FB1] =	sst s5  }
0xe: {  	[smem:$0x3FB2] =	sst s6  }
0xf: {  	[smem:$0x3FB3] =	sst s7  }
0x10: {  	[smem:$0x3FB4] =	sst s8  }
0x11: {  	[smem:$0x3FB5] =	sst s9;
	s0 =	simm.s32 @!p0 $0x0  }
0x12: {  	s1 =	sld [smem:$0x3F9B];
	s0 =	simm.s32 @p0 $0x1  }
0x13: {  	[smem:$0x3FB6] =	sst s0;
	s0 =	simm.s32 @!p1 $0x0  }
0x14: {  	s2 =	sld [smem:$0x3F9A];
	s0 =	simm.s32 @p1 $0x1  }
0x15: {  	[smem:$0x3FB7] =	sst s0;
	s0 =	simm.s32 @!p2 $0x0  }
0x16: {  	s3 =	sld [smem:$0x3FDB];
	s0 =	simm.s32 @p2 $0x1  }
0x17: {  	s4 =	simm.s32 $0x1BF5;
	[smem:$0x3FB9] =	sst s0  }
0x18: {  	s0 =	sld [smem:$0x3F9C];
	_ =	swait.ge [sflag:s4], $0x0  }
0x19: {  	s7 =	sld [smem:$0x3F9D]  }
0x1a: {  	s8 =	sadd.s32 $0xFFFFE003, lr  }
0x1b: {  	s9 =	sadd.s32 $0xFFFFFEF7, lr;
	s5 =	simm.s32 $0xFFFFFFFF;
	p2 =	slt.u32 s8, $0xFFFFF086  }
0x1c: {  	p1 =	slt.u32 s9, $0xF7A;
	s5 =	simm.s32 @!p2 $0x0  }
0x1d: {  	s5 =	simm.s32 @p1 $0x1;
	p0 =	seq.s32 s7, s2  }
0x1e: {  	s7 =	smul.u32 @!p0 $0xF7A, s2;
	p2 =	seq.s32 @!p0 s5, $0x0  }
0x1f: {  	s9 =	smul.u32 $0xF7A, s1;
	s8 =	simm.s32 @!p0 $0x1BF5;
	p2 =	por !p2, p0  }
0x20: {  	[sflag:s8] =	ssyncset.s32 @!p0 $0xFFFFF086;
	s6 =	sadd.s32 @!p0 s3, s7;
	s7 =	simm.s32 @!p0 $0x108  }
0x21: {  	s3 =	sadd.s32 s3, s9;
	s6 =	sadd.s32 @!p0 $0x88, s6;
	s7 =	simm.s32 @p2 $0x1082  }
0x22: {  	[simem:s7], [sflag:s8] =	dma.local @!p0 [hbm:s6], $0xF7A  }
0x23: {  	s9 =	sor.u32 $0xD0000000, s2;
	s6 =	simm.s32 $0x108;
	_ =	swait.ge @!p0 [sflag:s8], $0x0  }
0x24: {  	s3 =	sadd.s32 $0x88, s3;
	s6 =	simm.s32 @!p1 $0x1082;
	[sflag:s4] =	ssyncset.s32 $0xFFFFF086  }
0x25: {  	[simem:s6], [sflag:s4] =	dma.local [hbm:s3], $0xF7A  }
0x26: {  	[smem:$0x3F9D] =	sst s1;
	(tag) =	ssettag s2;
	_ =	strace s9  }
0x27: {  	s1 =	sld [smem:$0x3FAD]  }
0x28: {  	s2 =	sld [smem:$0x3FAE]  }
0x29: {  	s4 =	sld [smem:$0x3FB0]  }
0x2a: {  	p0 =	seq.s32 s5, $0x0;
	s5 =	sld [smem:$0x3FB1]  }
0x2b: {  	s6 =	sld [smem:$0x3FB2]  }
0x2c: {  	s7 =	sld [smem:$0x3FB3]  }
0x2d: {  	s3 =	simm.s32 $0x108;
	s8 =	sld [smem:$0x3FB4]  }
0x2e: {  	s3 =	simm.s32 @!p0 $0x1082;
	s9 =	sld [smem:$0x3FB5]  }
0x2f: {  	lr =	sadd.s32 s0, s3;
	s0 =	sld [smem:$0x3FAC]  }
0x30: {  	s3 =	sld [smem:$0x3FAF]  }
0x31: {  	[smem:$0x3FB8] =	sst s10  }
0x32: {  	s10 =	sld [smem:$0x3FB6];
	_ =	sdelay $0x3  }
0x33: {  	p0 =	seq.s32 s10, $0x1;
	s10 =	sld [smem:$0x3FB8];
	_ =	sdelay $0x3  }
0x34: {  	[smem:$0x3FB8] =	sst s10  }
0x35: {  	s10 =	sld [smem:$0x3FB7];
	_ =	sdelay $0x3  }
0x36: {  	p1 =	seq.s32 s10, $0x1;
	s10 =	sld [smem:$0x3FB8];
	_ =	sdelay $0x3  }
0x37: {  	[smem:$0x3FB8] =	sst s10  }
0x38: {  	s10 =	sld [smem:$0x3FB9]  }
0x39: {  	_ = 	snop;
	(pc) =	sbr.ind lr, $3  }
0x3a: {  	_ = 	snop  }
0x3b: {  	_ = 	snop  }
0x3c: {  	p2 =	seq.s32 s10, $0x1;
	s10 =	sld [smem:$0x3FB8]  }
0x3d: {  	_ =	shalt  }
0x3e: {  	_ =	shalt  }
0x3f: {  	_ =	shalt  }
0x40: {  	_ =	shalt  }
0x41: {  	_ =	shalt  }
0x42: {  	_ =	shalt  }
0x43: {  	_ =	shalt  }
0x44: {  	_ =	shalt  }
0x45: {  	_ =	shalt  }
0x46: {  	_ =	shalt  }
0x47: {  	_ =	shalt  }
0x48: {  	_ =	shalt  }
0x49: {  	_ =	shalt  }
0x4a: {  	_ =	shalt  }
0x4b: {  	_ =	shalt  }
0x4c: {  	_ =	shalt  }
0x4d: {  	_ =	shalt  }
0x4e: {  	_ =	shalt  }
0x4f: {  	_ =	shalt  }
0x50: {  	_ =	shalt  }
0x51: {  	_ =	shalt  }
0x52: {  	_ =	shalt  }
0x53: {  	_ =	shalt  }
0x54: {  	_ =	shalt  }
0x55: {  	_ =	shalt  }
0x56: {  	_ =	shalt  }
0x57: {  	_ =	shalt  }
0x58: {  	_ =	shalt  }
0x59: {  	_ =	shalt  }
0x5a: {  	_ =	shalt  }
0x5b: {  	_ =	shalt  }
0x5c: {  	_ =	shalt  }
0x5d: {  	_ =	shalt  }
0x5e: {  	_ =	shalt  }
0x5f: {  	_ =	shalt  }
0x60: {  	_ =	shalt  }
0x61: {  	_ =	shalt  }
0x62: {  	_ =	shalt  }
0x63: {  	_ =	shalt  }
0x64: {  	_ =	shalt  }
0x65: {  	_ =	shalt  }
0x66: {  	_ =	shalt  }
0x67: {  	_ =	shalt  }
0x68: {  	_ =	shalt  }
0x69: {  	_ =	shalt  }
0x6a: {  	_ =	shalt  }
0x6b: {  	_ =	shalt  }
0x6c: {  	_ =	shalt  }
0x6d: {  	_ =	shalt  }
0x6e: {  	_ =	shalt  }
0x6f: {  	_ =	shalt  }
0x70: {  	_ =	shalt  }
0x71: {  	_ =	shalt  }
0x72: {  	_ =	shalt  }
0x73: {  	_ =	shalt  }
0x74: {  	_ =	shalt  }
0x75: {  	_ =	shalt  }
0x76: {  	_ =	shalt  }
0x77: {  	_ =	shalt  }
0x78: {  	_ =	shalt  }
0x79: {  	_ =	shalt  }
0x7a: {  	_ =	shalt  }
0x7b: {  	_ =	shalt  }
0x7c: {  	_ =	shalt  }
0x7d: {  	_ =	shalt  }
0x7e: {  	_ =	shalt  }
0x7f: {  	_ =	shalt  }
0x80: {  	_ =	shalt  }
0x81: {  	_ =	shalt  }
0x82: {  	_ =	shalt  }
0x83: {  	_ =	shalt  }
0x84: {  	_ =	shalt  }
0x85: {  	_ =	shalt  }
0x86: {  	_ =	shalt  }
0x87: {  	_ =	shalt  }
.Lfunc_end0:
.L_simem_size_0:
called_computation.1_lowered:
.L_overlay_start_0:
0x88: {  	s2 =	sld [smem:$0x3FD9]  }
0x89: {  	s3 =	sld [smem:$0x3FFE];
	_ =	sdelay $0x1  }
0x8a: {  	s1 =	srdreg.scid  }
0x8b: {  	s0 =	sand.u32 $0x1, s1  }
0x8c: {  	s17 =	sshll.u32 s0, $0xA;
	s2 =	sadd.s32 s3, s2  }
0x8d: {  	s2 =	sadd.s32 s2, s17  }
0x8e: {  	[smem:$0x3FC4] =	sst s2  }
0x8f: {  	_ = 	snop  }
0x90: {  	s2 =	sld [smem:$0x3FD0];
	(tm) =	ssettm $0x1  }
0x91: {  	s18 =	sld [smem:$0x3FFB];
	_ =	sdelay $0x3  }
0x92: {  	_ =	strace s18  }
0x93: {  	s3 =	sld [smem:$0x3FFC];
	_ =	sdelay $0x3  }
0x94: {  	_ =	strace s3  }
0x95: {  	s3 =	sld [smem:$0x3FFD];
	_ =	sdelay $0x3  }
0x96: {  	_ =	strace s3  }
0x97: {  	_ =	strace $0x8FFFFFFF  }
0x98: {  	s19 =	sld [smem:$0x3FDB];
	_ =	sdelay $0x1  }
0x99: {  	s4 =	simm.s32 $_scs_section_size  }
0x9a: {  	s5 =	simm.s32 $_size__tile_overlayer_lowered;
	s6 =	simm.s32 $_tile_overlayer_lowered  }
0x9b: {  	s22 =	simm.s32 $0x1BFF;
	s21 =	sshll.u32 s6, $0x1;
	s3 =	sadd.s32 s4, s19  }
0x9c: {  	s7 =	simm.s32 $0x0;
	s20 =	sshll.u32 s5, $0x1;
	s5 =	sadd.s32 s21, s3  }
0x9d: {  	[timem:s7], [sflag:s22] =	dma.local [hbm:s5], s20  }
0x9e: {  	_ =	swait.ge [sflag:s22], s20  }
0x9f: {  	s4 =	ssub.s32 $0x0, s20;
	[sflag:s22] =	ssyncset.done $0x0  }
0xa0: {  	[sflag:s22] =	ssyncadd.s32 s4;
	_ =	sdelay $0x1  }
0xa1: {  	s23 =	simm.s32 $0x1B8B  }
0xa2: {  	_ =	swait.ge [sflag:s23], $0x1  }
0xa3: {  	[sflag:s23] =	ssyncset.done $0x0  }
0xa4: {  	s25 =	simm.s32 $0x1B8E;
	s24 =	sld [smem:$0x3FFE];
	[sflag:s23] =	ssyncadd.s32 $0xFFFFFFFF  }
0xa5: {  	s26 =	simm.s32 $execute0_lowered;
	[smem:$0x3FD2] =	sst s25  }
0xa6: {  	s5 =	sshll.u32 s26, $0x1;
	_ =	strace $0x80000049;
	[dreg:$0x1] =	wrdreg $0xFFFFFFFF  }
0xa7: {  	s28 =	simm.s32 $_size_execute0_lowered;
	s3 =	sadd.s32 s3, s5;
	[dreg:$0x0] =	wrdreg $0x0  }
0xa8: {  	s5 =	sshll.u32 s28, $0x1;
	[dreg:$0x2] =	wrdreg s3  }
0xa9: {  	[dreg:$0x3] =	wrdreg s5  }
0xaa: {  	[dreg:$0x4] =	wrdreg $0xC0  }
0xab: {  	_ =	task [dreg:s7], $0x5FFFF  }
0xac: {  	[dreg:$0x1] =	wrdreg $0xFFFFFFFF  }
0xad: {  	[dreg:$0x0] =	wrdreg $0x60  }
0xae: {  	[dreg:$0x2] =	wrdreg s2  }
0xaf: {  	[dreg:$0x3] =	wrdreg s24  }
0xb0: {  	[dreg:$0x4] =	wrdreg $0x0  }
0xb1: {  	[dreg:$0x5] =	wrdreg $0x9  }
0xb2: {  	_ =	task.clear_ibuf [dreg:s7], $0x6FFFF;
	_ =	strace $0x90000049  }
0xb3: {  	s29 =	simm.s32 $0x9;
	_ =	strace $0x8000004B  }
0xb4: {  	_ =	swait.ge [sflag:s29], $0x1  }
0xb5: {  	[sflag:s29] =	ssyncadd.s32 $0xFFFFFFFF  }
0xb6: {  	_ =	strace $0x9000004B  }
0xb7: {  	_ =	sfence  }
0xb8: {  	s30 =	sld [smem:$0x0];
	_ =	sdelay $0x2  }
0xb9: {  	s31 =	sshll.u32 s1, $0xD;
	s1 =	sshrl.u32 s1, $0x2  }
0xba: {  	s3 =	sand.u32 $0x4000, s31;
	s1 =	sadd.s32 s1, s30  }
0xbb: {  	s0 =	sor.u32 s3, s0;
	s1 =	sshll.u32 s1, $0x11  }
0xbc: {  	s0 =	sor.u32 s1, s0  }
0xbd: {  	s0 =	sadd.s32 $0x8F2B, s0  }
0xbe: {  	[sflag:s0] =	ssyncadd.remote.s32 $0x1  }
0xbf: {  	_ =	sfence.sel $0xFFFF  }
0xc0: {  	[dreg:$0x0] =	wrdreg $0xFFFFFFFF;
	(pc) =	sbr.abs _section_cstart, $3  }
0xc1: {  	[dreg:$0x1] =	wrdreg $0xFFFFFFFF  }
0xc2: {  	_ =	task.clear_ibuf [dreg:s7], $0x2FFFF;
	_ =	strace $0x9FFFFFFF  }
0xc3: {  	(tm) =	ssettm $0x7FFFFFFF  }
tec
execute0_lowered:
.L_overlay_start_1:
0x0: {  	(tag) =	ssettag $0x1  }
0x1: {  	s23 =	stileid.u32  }
0x2: {  	s0 =	srdreg.scid;
	s15 =	smul.u32 $0x14000, s23  }
0x3: {  	s16 =	rddreg [dreg:$0x1];
	s11 =	sand.u32 $0x1, s0;
	s20 =	smul.u32 $0x2710, s23  }
0x4: {  	s17 =	sadd.s32 $0x15C00, s16;
	s0 =	ssub.s32 $0x2, s11;
	s18 =	smul.u32 $0x140000, s11  }
0x5: {  	s19 =	smul.u32 $0x27100, s11;
	s1 =	sshrl.u32 s0, $0x1;
	s2 =	sor.u32 $0x3C00, s15  }
0x6: {  	s3 =	sadd.s32 $0x5000, s15;
	s4 =	sadd.s32 $0x6400, s15;
	s5 =	sadd.s32 $0x7800, s15  }
0x7: {  	s6 =	sadd.s32 $0x8C00, s15;
	s7 =	sadd.s32 $0xA000, s15;
	s8 =	sadd.s32 $0xB400, s15  }
0x8: {  	s9 =	sadd.s32 $0xC800, s15;
	s10 =	sadd.s32 $0xDC00, s15;
	s11 =	sadd.s32 $0xF000, s15  }
0x9: {  	s12 =	sadd.s32 $0x10400, s15;
	s14 =	sadd.s32 $0x11800, s15;
	s13 =	ssub.s32 s0, s1  }
0xa: {  	s0 =	sor.u32 $0x1400, s15;
	s1 =	sor.u32 $0x2800, s15;
	s21 =	sadd.s32 s15, s18  }
0xb: {  	s15 =	sadd.s32 $0x12C00, s15;
	s19 =	sadd.s32 s20, s19;
	s22 =	sadd.s32 s18, s2  }
0xc: {  	s21 =	sshrl.u32 s21, $0x3;
	s25 =	sadd.s32 s18, s0;
	s26 =	sadd.s32 s18, s1  }
0xd: {  	s22 =	sshrl.u32 s22, $0x3;
	s24 =	sadd.s32 s17, s21;
	s20 =	sshrl.u32 s25, $0x3  }
0xe: {  	s21 =	sshrl.u32 s26, $0x3;
	s22 =	sadd.s32 s17, s22;
	s25 =	sadd.s32 s18, s4  }
0xf: {  	s26 =	sadd.s32 s18, s5;
	[dreg:$0x4] =	wrdreg s24;
	s20 =	sadd.s32 s17, s20  }
0x10: {  	s21 =	sadd.s32 s17, s21;
	[dreg:$0x7] =	wrdreg s22;
	s24 =	sadd.s32 s18, s3  }
0x11: {  	s22 =	sshrl.u32 s26, $0x3;
	s26 =	sadd.s32 s18, s8;
	[dreg:$0x5] =	wrdreg s20  }
0x12: {  	[dreg:$0x6] =	wrdreg s21;
	s20 =	sshrl.u32 s24, $0x3;
	s21 =	sshrl.u32 s25, $0x3  }
0x13: {  	s22 =	sadd.s32 s17, s22;
	s24 =	sadd.s32 s18, s6;
	s25 =	sadd.s32 s18, s7  }
0x14: {  	s20 =	sadd.s32 s17, s20;
	s21 =	sadd.s32 s17, s21;
	[dreg:$0xa] =	wrdreg s22  }
0x15: {  	s22 =	sshrl.u32 s26, $0x3;
	s26 =	sadd.s32 s18, s11;
	[dreg:$0x8] =	wrdreg s20  }
0x16: {  	[dreg:$0x9] =	wrdreg s21;
	s20 =	sshrl.u32 s24, $0x3;
	s21 =	sshrl.u32 s25, $0x3  }
0x17: {  	s22 =	sadd.s32 s17, s22;
	s24 =	sadd.s32 s18, s9;
	s25 =	sadd.s32 s18, s10  }
0x18: {  	s20 =	sadd.s32 s17, s20;
	s21 =	sadd.s32 s17, s21;
	[dreg:$0xd] =	wrdreg s22  }
0x19: {  	s22 =	sshrl.u32 s26, $0x3;
	s26 =	sadd.s32 s18, s14;
	[dreg:$0xb] =	wrdreg s20  }
0x1a: {  	[dreg:$0xc] =	wrdreg s21;
	s20 =	sshrl.u32 s24, $0x3;
	s21 =	sshrl.u32 s25, $0x3  }
0x1b: {  	s24 =	sadd.s32 s17, s22;
	s25 =	sadd.s32 s18, s12;
	s18 =	sadd.s32 s18, s15  }
0x1c: {  	s20 =	sadd.s32 s17, s20;
	s21 =	sadd.s32 s17, s21;
	[dreg:$0x10] =	wrdreg s24  }
0x1d: {  	s18 =	sshrl.u32 s18, $0x3;
	[dreg:$0xe] =	wrdreg s20;
	s20 =	sshrl.u32 s25, $0x3  }
0x1e: {  	[dreg:$0xf] =	wrdreg s21;
	s21 =	sshrl.u32 s26, $0x3;
	s20 =	sadd.s32 s17, s20  }
0x1f: {  	s24 =	smul.u32 $0x50000, s23;
	s22 =	sadd.s32 s17, s21;
	[dreg:$0x11] =	wrdreg s20  }
0x20: {  	s17 =	sadd.s32 s17, s18;
	s21 =	sadd.s32 $0xB400, s16;
	[dreg:$0x12] =	wrdreg s22  }
0x21: {  	[dreg:$0x13] =	wrdreg s17;
	s17 =	simm.s32 $0x0;
	s20 =	sshrl.u32 s19, $0x3  }
0x22: {  	s16 =	sadd.s32 $0x1600, s16;
	[smem:$0x7FF] =	sst s17;
	s23 =	sadd.s32 s21, s20  }
0x23: {  	s18 =	sshrl.u32 s24, $0x2;
	s24 =	sadd.s32 s16, s20;
	[dreg:$0x16] =	wrdreg s23  }
0x24: {  	[dreg:$0x17] =	wrdreg s24  }
0x25: {  	s25 =	sadd.s32 $0xA, s20;
	s23 =	rddreg [dreg:$0x0]  }
0x26: {  	s26 =	sadd.s32 s21, s25;
	s24 =	rddreg [dreg:$0x2]  }
0x27: {  	s20 =	sadd.s32 $0x14, s20;
	s22 =	sadd.s32 s16, s25;
	[dreg:$0x14] =	wrdreg s26  }
0x28: {  	s19 =	sadd.s32 $0xF0, s19;
	s25 =	sadd.s32 s21, s20;
	[dreg:$0x15] =	wrdreg s22  }
0x29: {  	s19 =	sshrl.u32 s19, $0x3;
	s20 =	sadd.s32 s16, s20;
	[dreg:$0x18] =	wrdreg s25  }
0x2a: {  	s16 =	sadd.s32 s19, s16;
	[dreg:$0x19] =	wrdreg s20  }
0x2b: {  	[dreg:$0x1a] =	wrdreg s16  }
0x2c: {  	s26 =	sadd.s32 s19, s21;
	s18 =	sadd.s32 s18, s24;
	s22 =	sadd.s32 s0, s24  }
0x2d: {  	s1 =	sadd.s32 s1, s24;
	s16 =	sadd.s32 s11, s24;
	[dreg:$0x1b] =	wrdreg s26  }
0x2e: {  	s19 =	sadd.s32 s12, s24;
	_ =	strace $0x8000004A;
	[smem:$0x7F8] =	sst s16  }
0x2f: {  	s2 =	sadd.s32 s2, s24;
	s20 =	sadd.s32 s14, s24;
	[smem:$0x7F9] =	sst s19  }
0x30: {  	s3 =	sadd.s32 s3, s24;
	s21 =	sadd.s32 s15, s24;
	[smem:$0x7FA] =	sst s20  }
0x31: {  	s4 =	sadd.s32 s4, s24;
	s25 =	smax.u32 s13, $0x1;
	[smem:$0x7FB] =	sst s21  }
0x32: {  	s5 =	sadd.s32 s5, s24;
	s26 =	sadd.s32 s6, s24;
	[smem:$0x7FC] =	sst s25  }
0x33: {  	s28 =	sadd.s32 s7, s24;
	s29 =	sadd.s32 s8, s24;
	[dreg:$0x1c] =	wrdreg s26  }
0x34: {  	s30 =	sadd.s32 s9, s24;
	s31 =	sadd.s32 s10, s24;
	[dreg:$0x1d] =	wrdreg s28  }
0x35: {  	s14 =	simm.s32 $0x1BC00;
	s15 =	simm.s32 $0x3;
	[dreg:$0x1e] =	wrdreg s29  }
0x36: {  	s19 =	simm.s32 $0x1;
	s20 =	simm.s32 $0x50;
	[dreg:$0x1f] =	wrdreg s30  }
0x37: {  	v0 =	vimm.f32 $0.0e+00;
	s21 =	simm.s32 $0x2;
	s25 =	simm.s32 $0x0;
	[smem:$0x7FD] =	sst s31  }
.LBB2_1:
0x38: {  	s13 =	simm.s32 $0x70;
	s16 =	simm.s32 $0x3C0  }
.LBB2_2:
0x39: {  	p0 =	sne.s32 s16, $0x4FC0;
	[tilespmem:s13+$0x1BC00] =	vst v0  }
0x3a: {  	[tilespmem:s13+$0x1BB90] =	vst v0  }
0x3b: {  	[tilespmem:s13+$0x1BBA0] =	vst v0  }
.Ltmp0:
0x3c: {  	[tilespmem:s13+$0x1BBB0] =	vst v0;
	(pc) =	sbr.rel @p0 .LBB2_2-.Ltmp0, $4  }
0x3d: {  	[tilespmem:s13+$0x1BBC0] =	vst v0  }
0x3e: {  	[tilespmem:s13+$0x1BBD0] =	vst v0  }
0x3f: {  	[tilespmem:s13+$0x1BBE0] =	vst v0  }
0x40: {  	[tilespmem:s13+$0x1BBF0] =	vst v0;
	s13 =	sshra.s32 s16, $0x2;
	s16 =	sadd.s32 $0x200, s16  }
0x41: {  	[tilespmem:s13+$0x1BC00] =	vst v0  }
0x42: {  	[tilespmem:s13+$0x1BB90] =	vst v0  }
0x43: {  	[tilespmem:s13+$0x1BBA0] =	vst v0  }
0x44: {  	[tilespmem:s13+$0x1BBB0] =	vst v0  }
0x45: {  	[tilespmem:s13+$0x1BBC0] =	vst v0  }
0x46: {  	[tilespmem:s13+$0x1BBD0] =	vst v0  }
0x47: {  	[tilespmem:s13+$0x1BBE0] =	vst v0  }
0x48: {  	[tilespmem:s13+$0x1BBF0] =	vst v0  }
0x49: {  	[spmem:s18] =	stream.linear.scatter [tilespmem:s14], [sflag:$0x3], $0x1400, $0x38;
	[tilespmem:$0x1D000] =	vst v63  }
0x4a: {  	_ =	swait.ge [sflag:s15], $0x1400  }
0x4b: {  	[sflag:s15] =	ssyncset.done $0x0  }
0x4c: {  	[sflag:s15] =	ssyncadd.s32 $0xFFFFEC00  }
0x4d: {  	[spmem:s22] =	stream.linear.scatter [tilespmem:s14], [sflag:$0x3], $0x1400, $0x38;
	[tilespmem:$0x1D000] =	vst v63  }
0x4e: {  	_ =	swait.ge [sflag:s15], $0x1400  }
0x4f: {  	[sflag:s15] =	ssyncset.done $0x0  }
0x50: {  	[sflag:s15] =	ssyncadd.s32 $0xFFFFEC00  }
0x51: {  	[spmem:s1] =	stream.linear.scatter [tilespmem:s14], [sflag:$0x3], $0x1400, $0x38;
	[tilespmem:$0x1D000] =	vst v63  }
0x52: {  	_ =	swait.ge [sflag:s15], $0x1400  }
0x53: {  	[sflag:s15] =	ssyncset.done $0x0  }
0x54: {  	[sflag:s15] =	ssyncadd.s32 $0xFFFFEC00  }
0x55: {  	[spmem:s2] =	stream.linear.scatter [tilespmem:s14], [sflag:$0x3], $0x1400, $0x38;
	[tilespmem:$0x1D000] =	vst v63  }
0x56: {  	_ =	swait.ge [sflag:s15], $0x1400  }
0x57: {  	[sflag:s15] =	ssyncset.done $0x0  }
0x58: {  	[sflag:s15] =	ssyncadd.s32 $0xFFFFEC00  }
0x59: {  	[spmem:s3] =	stream.linear.scatter [tilespmem:s14], [sflag:$0x3], $0x1400, $0x38;
	[tilespmem:$0x1D000] =	vst v63  }
0x5a: {  	_ =	swait.ge [sflag:s15], $0x1400  }
0x5b: {  	[sflag:s15] =	ssyncset.done $0x0  }
0x5c: {  	[sflag:s15] =	ssyncadd.s32 $0xFFFFEC00  }
0x5d: {  	[spmem:s4] =	stream.linear.scatter [tilespmem:s14], [sflag:$0x3], $0x1400, $0x38;
	[tilespmem:$0x1D000] =	vst v63  }
0x5e: {  	_ =	swait.ge [sflag:s15], $0x1400  }
0x5f: {  	[sflag:s15] =	ssyncset.done $0x0  }
0x60: {  	[sflag:s15] =	ssyncadd.s32 $0xFFFFEC00  }
0x61: {  	[spmem:s5] =	stream.linear.scatter [tilespmem:s14], [sflag:$0x3], $0x1400, $0x38;
	[tilespmem:$0x1D000] =	vst v63  }
0x62: {  	_ =	swait.ge [sflag:s15], $0x1400  }
0x63: {  	[sflag:s15] =	ssyncset.done $0x0  }
0x64: {  	[sflag:s15] =	ssyncadd.s32 $0xFFFFEC00  }
0x65: {  	[spmem:s26] =	stream.linear.scatter [tilespmem:s14], [sflag:$0x3], $0x1400, $0x38;
	[tilespmem:$0x1D000] =	vst v63  }
0x66: {  	_ =	swait.ge [sflag:s15], $0x1400  }
0x67: {  	[sflag:s15] =	ssyncset.done $0x0  }
0x68: {  	[sflag:s15] =	ssyncadd.s32 $0xFFFFEC00  }
0x69: {  	[spmem:s28] =	stream.linear.scatter [tilespmem:s14], [sflag:$0x3], $0x1400, $0x38;
	[tilespmem:$0x1D000] =	vst v63  }
0x6a: {  	_ =	swait.ge [sflag:s15], $0x1400  }
0x6b: {  	[sflag:s15] =	ssyncset.done $0x0  }
0x6c: {  	[sflag:s15] =	ssyncadd.s32 $0xFFFFEC00  }
0x6d: {  	[spmem:s29] =	stream.linear.scatter [tilespmem:s14], [sflag:$0x3], $0x1400, $0x38;
	[tilespmem:$0x1D000] =	vst v63  }
0x6e: {  	_ =	swait.ge [sflag:s15], $0x1400  }
0x6f: {  	[sflag:s15] =	ssyncset.done $0x0  }
0x70: {  	[sflag:s15] =	ssyncadd.s32 $0xFFFFEC00  }
0x71: {  	[spmem:s30] =	stream.linear.scatter [tilespmem:s14], [sflag:$0x3], $0x1400, $0x38;
	[tilespmem:$0x1D000] =	vst v63  }
0x72: {  	_ =	swait.ge [sflag:s15], $0x1400  }
0x73: {  	[sflag:s15] =	ssyncset.done $0x0  }
0x74: {  	[sflag:s15] =	ssyncadd.s32 $0xFFFFEC00  }
0x75: {  	[spmem:s31] =	stream.linear.scatter [tilespmem:s14], [sflag:$0x3], $0x1400, $0x38;
	[tilespmem:$0x1D000] =	vst v63  }
0x76: {  	_ =	swait.ge [sflag:s15], $0x1400  }
0x77: {  	s0 =	sld [smem:$0x7F8]  }
0x78: {  	[sflag:s15] =	ssyncset.done $0x0  }
0x79: {  	[sflag:s15] =	ssyncadd.s32 $0xFFFFEC00  }
0x7a: {  	[spmem:s0] =	stream.linear.scatter [tilespmem:s14], [sflag:$0x3], $0x1400, $0x38;
	[tilespmem:$0x1D000] =	vst v63  }
0x7b: {  	_ =	swait.ge [sflag:s15], $0x1400  }
0x7c: {  	s6 =	smov.u32 s18;
	s18 =	sld [smem:$0x7F9]  }
0x7d: {  	[sflag:s15] =	ssyncset.done $0x0  }
0x7e: {  	[sflag:s15] =	ssyncadd.s32 $0xFFFFEC00  }
0x7f: {  	[spmem:s18] =	stream.linear.scatter [tilespmem:s14], [sflag:$0x3], $0x1400, $0x38;
	[tilespmem:$0x1D000] =	vst v63  }
0x80: {  	_ =	swait.ge [sflag:s15], $0x1400  }
0x81: {  	s7 =	smov.u32 s22;
	s22 =	sld [smem:$0x7FA]  }
0x82: {  	[sflag:s15] =	ssyncset.done $0x0  }
0x83: {  	[sflag:s15] =	ssyncadd.s32 $0xFFFFEC00  }
0x84: {  	[spmem:s22] =	stream.linear.scatter [tilespmem:s14], [sflag:$0x3], $0x1400, $0x38;
	[tilespmem:$0x1D000] =	vst v63  }
0x85: {  	_ =	swait.ge [sflag:s15], $0x1400  }
0x86: {  	s26 =	sld [smem:$0x7FB]  }
0x87: {  	[sflag:s15] =	ssyncset.done $0x0  }
0x88: {  	[sflag:s15] =	ssyncadd.s32 $0xFFFFEC00  }
0x89: {  	[spmem:s26] =	stream.linear.scatter [tilespmem:s14], [sflag:$0x3], $0x1400, $0x38;
	[tilespmem:$0x1D000] =	vst v63  }
0x8a: {  	_ =	swait.ge [sflag:s15], $0x1400  }
0x8b: {  	[sflag:s15] =	ssyncset.done $0x0  }
0x8c: {  	[sflag:s15] =	ssyncadd.s32 $0xFFFFEC00  }
0x8d: {  	s8 =	smov.u32 s1;
	s9 =	smov.u32 s2;
	[bflag:$0x0] =	sbarrier.arrive $0xFFFF  }
0x8e: {  	s10 =	smov.u32 s3;
	s1 =	simm.s32 $0x14000;
	s31 =	rddreg [dreg:$0x16]  }
0x8f: {  	[tilespmem:s1], [sflag:$0x1] =	stream.linear.gather [hbm4b:s31+s17], $0x50, $0x38;
	[tilespmem:$0x1D000] =	vst v63  }
0x90: {  	s11 =	smov.u32 s4;
	s3 =	simm.s32 $0x14200;
	s2 =	rddreg [dreg:$0x17]  }
0x91: {  	[tilespmem:s3], [sflag:$0x1] =	stream.linear.gather [hbm4b:s2+s17], $0x50, $0x38;
	[tilespmem:$0x1D000] =	vst v63  }
0x92: {  	s12 =	smov.u32 s5;
	s5 =	simm.s32 $0x14080;
	s4 =	rddreg [dreg:$0x14]  }
0x93: {  	[tilespmem:s5], [sflag:$0x1] =	stream.linear.gather [hbm4b:s4+s17], $0x50, $0x38;
	[tilespmem:$0x1D000] =	vst v63  }
0x94: {  	s16 =	simm.s32 $0x14280;
	s13 =	rddreg [dreg:$0x15]  }
0x95: {  	[tilespmem:s16], [sflag:$0x1] =	stream.linear.gather [hbm4b:s13+s17], $0x50, $0x38;
	[tilespmem:$0x1D000] =	vst v63  }
0x96: {  	s22 =	simm.s32 $0x14100;
	s18 =	rddreg [dreg:$0x18]  }
0x97: {  	[tilespmem:s22], [sflag:$0x1] =	stream.linear.gather [hbm4b:s18+s17], $0x50, $0x38;
	[tilespmem:$0x1D000] =	vst v63  }
0x98: {  	s26 =	rddreg [dreg:$0x19];
	s31 =	simm.s32 $0x14300  }
0x99: {  	[tilespmem:s31], [sflag:$0x1] =	stream.linear.gather [hbm4b:s26+s17], $0x50, $0x38;
	[tilespmem:$0x1D000] =	vst v63  }
0x9a: {  	_ =	swait.ge [sflag:s19], $0x50  }
0x9b: {  	p0 =	por $0x0, $0x0;
	[sflag:s19] =	ssyncset.done $0x0  }
0x9c: {  	p1 =	por @!p0 $0x0, $0x0;
	[sflag:s19] =	ssyncadd.s32 $0xFFFFFFB0  }
0x9d: {  	p1 =	por p1, p0;
	_ =	swait.ge [sflag:s19], $0x50  }
0x9e: {  	s28 =	simm.s32 @!p0 $0x1;
	s13 =	simm.s32 $0x2;
	[sflag:s19] =	ssyncset.done $0x0  }
0x9f: {  	s3 =	simm.s32 $0x14400;
	s13 =	smul.u32 @!p0 $0xAB, s13;
	[sflag:s19] =	ssyncadd.s32 $0xFFFFFFB0  }
0xa0: {  	[tilespmem:s3], [sflag:$0x2] =	stream.indirect.gather [hbm4b:s23+s20], $0x80, s1, s20, $0xb8;
	[tilespmem:$0x1D000] =	vst v63  }
0xa1: {  	s29 =	simm.s32 @!p0 $0x50;
	s13 =	sshrl.u32 @!p0 s13, $0x9;
	_ =	swait.ge [sflag:s19], $0x50  }
0xa2: {  	s30 =	simm.s32 $0x4;
	s13 =	sand.u32 @!p0 $0x7F, s13;
	[sflag:s19] =	ssyncset.done $0x0  }
0xa3: {  	s4 =	simm.s32 $0x16C00;
	s13 =	smul.u32 @!p0 $0x3, s13;
	[sflag:s19] =	ssyncadd.s32 $0xFFFFFFB0  }
0xa4: {  	s16 =	simm.s32 $0x180;
	s18 =	simm.s32 $0x400;
	_ =	swait.ge [sflag:s19], $0x50  }
0xa5: {  	s18 =	sand.u32 @!p0 $0x600, s18;
	s13 =	ssub.s32 @!p0 $0x2, s13;
	[sflag:s19] =	ssyncset.done $0x0  }
0xa6: {  	s18 =	sshrl.u32 @!p0 s18, $0x2;
	s13 =	sand.u32 @!p0 $0xFF, s13;
	[sflag:s19] =	ssyncadd.s32 $0xFFFFFFB0  }
0xa7: {  	[tilespmem:s4], [sflag:$0x2] =	stream.indirect.gather [hbm4b:s23+s20], $0x80, s5, s20, $0xb8;
	[tilespmem:$0x1D000] =	vst v63  }
0xa8: {  	s13 =	smul.u32 @!p0 $0xA000, s13;
	s5 =	simm.s32 $0x0;
	_ =	swait.ge @!p0 [sflag:s28], $0x50  }
0xa9: {  	s31 =	simm.s32 $0x0;
	s26 =	smul.u32 $0xAB, s5;
	[sflag:s28] =	ssyncset.done @!p0 $0x0  }
0xaa: {  	s18 =	sor.u32 @!p0 $0x14000, s18;
	s13 =	sshrl.u32 @!p0 s13, $0x2;
	[sflag:s28] =	ssyncadd.s32 @!p0 $0xFFFFFFB0  }
0xab: {  	s13 =	sadd.s32 @!p0 $0x14400, s13;
	s26 =	sshrl.u32 s26, $0x9;
	_ =	swait.ge @!p0 [sflag:s28], $0x50  }
0xac: {  	s26 =	sand.u32 $0x7F, s26;
	[sflag:s28] =	ssyncset.done @!p0 $0x0;
	s1 =	rddreg [dreg:$0x1b]  }
0xad: {  	s26 =	smul.u32 $0x3, s26;
	s0 =	rddreg [dreg:$0x1a];
	[sflag:s28] =	ssyncadd.s32 @!p0 $0xFFFFFFB0  }
0xae: {  	[tilespmem:s13], [sflag:$0x2] =	stream.indirect.gather @!p0 [hbm4b:s23+s29], $0x80, s18, s29, $0xb8;
	[tilespmem:$0x1D000] =	vst v63  }
0xaf: {  	s28 =	simm.s32 $0x200;
	s13 =	sand.u32 @!p1 $0x180, s16;
	s22 =	ssub.s32 $0x0, s26  }
0xb0: {  	s26 =	simm.s32 @!p1 $0x0;
	s18 =	sor.u32 @!p1 $0x14000, s13;
	s16 =	sand.u32 $0xFF, s22  }
0xb1: {  	[tilespmem:s18], [sflag:$0x1] =	stream.linear.gather @!p1 [hbm4b:s1+s26], $0x50, $0x38;
	[tilespmem:$0x1D000] =	vst v63  }
0xb2: {  	s13 =	sor.u32 @!p1 $0x14200, s13;
	s16 =	smul.u32 $0xA000, s16;
	s18 =	sand.u32 $0x600, s31  }
0xb3: {  	[tilespmem:s13], [sflag:$0x1] =	stream.linear.gather @!p1 [hbm4b:s0+s26], $0x50, $0x38;
	[tilespmem:$0x1D000] =	vst v63  }
0xb4: {  	s29 =	simm.s32 $0x1;
	s18 =	sshrl.u32 s18, $0x2;
	_ =	swait.ge [sflag:s21], $0x2800  }
0xb5: {  	s13 =	simm.s32 $0x3;
	s16 =	sshrl.u32 s16, $0x2;
	[sflag:s21] =	ssyncset.done $0x0  }
0xb6: {  	s18 =	sor.u32 $0x14200, s18;
	s16 =	sadd.s32 $0x14400, s16;
	[sflag:s21] =	ssyncadd.s32 $0xFFFFD800  }
0xb7: {  	[spmem:s24] =	stream.indirect.scatter.add.f32 [tilespmem:s16], [sflag:$0x3], $0x80, s18, s20, $0xb8;
	[tilespmem:$0x1D000] =	vst v63  }
0xb8: {  	s26 =	simm.s32 $0x600;
	s18 =	sadd.s32 $0xA, s1;
	s16 =	sadd.s32 $0xA, s0  }
.LBB2_4:
0xb9: {  	p1 =	sgt.u32 s29, $0x7A;
	_ =	swait.ge [sflag:s15], $0x2800;
	s22 =	smov.u32 s30  }
0xba: {  	s30 =	sadd.s32 $0x1, s30;
	s31 =	smov.u32 s26;
	s0 =	smov.u32 s18  }
0xbb: {  	s1 =	simm.s32 @!p1 $0x1;
	s2 =	smul.u32 @!p1 $0xAB, s13;
	[sflag:s15] =	ssyncset.done $0x0  }
0xbc: {  	s3 =	sand.u32 @!p1 $0x600, s26;
	p2 =	seq.s32 @!p1 s13, $0x7C;
	[sflag:s15] =	ssyncadd.s32 $0xFFFFD800  }
0xbd: {  	s3 =	sshrl.u32 @!p1 s3, $0x2;
	_ =	swait.ge @!p1 [sflag:s1], $0x50;
	s2 =	sshrl.u32 @!p1 s2, $0x9  }
0xbe: {  	s3 =	sor.u32 @!p1 $0x14000, s3;
	[sflag:s1] =	ssyncset.done @!p1 $0x0;
	s2 =	sand.u32 @!p1 $0x7F, s2  }
0xbf: {  	p0 =	sne.s32 s30, $0x7F;
	[sflag:s1] =	ssyncadd.s32 @!p1 $0xFFFFFFB0;
	s2 =	smul.u32 @!p1 $0x3, s2  }
0xc0: {  	s4 =	smov.u32 s16  }
0xc1: {  	s2 =	ssub.s32 @!p1 s13, s2;
	s13 =	smov.u32 s22  }
0xc2: {  	s22 =	smul.u32 $0xAB, s29;
	s2 =	sand.u32 @!p1 $0xFF, s2  }
0xc3: {  	s5 =	simm.s32 @!p1 $0x50;
	s2 =	smul.u32 @!p1 $0xA000, s2  }
0xc4: {  	p2 =	por p2, p1;
	s22 =	sshrl.u32 s22, $0x9;
	_ =	swait.ge @!p1 [sflag:s1], $0x50  }
0xc5: {  	s22 =	sand.u32 $0x7F, s22;
	[sflag:s1] =	ssyncset.done @!p1 $0x0;
	s2 =	sshrl.u32 @!p1 s2, $0x2  }
0xc6: {  	[sflag:s1] =	ssyncadd.s32 @!p1 $0xFFFFFFB0;
	s1 =	sadd.s32 @!p1 $0x14400, s2;
	s2 =	smul.u32 $0x3, s22  }
0xc7: {  	[tilespmem:s1], [sflag:$0x2] =	stream.indirect.gather @!p1 [hbm4b:s23+s5], $0x80, s3, s5, $0xb8;
	[tilespmem:$0x1D000] =	vst v63  }
0xc8: {  	s26 =	sadd.s32 $0x200, s26;
	s1 =	sand.u32 @!p2 $0x180, s28;
	s2 =	ssub.s32 s29, s2  }
0xc9: {  	s18 =	sadd.s32 $0xA, s18;
	s3 =	sor.u32 @!p2 $0x14000, s1;
	s1 =	sor.u32 @!p2 $0x14200, s1  }
0xca: {  	s16 =	sadd.s32 $0xA, s16;
	s5 =	simm.s32 @!p2 $0x0;
	s2 =	sand.u32 $0xFF, s2  }
0xcb: {  	[tilespmem:s3], [sflag:$0x1] =	stream.linear.gather @!p2 [hbm4b:s0+s5], $0x50, $0x38;
	[tilespmem:$0x1D000] =	vst v63  }
0xcc: {  	s28 =	sadd.s32 $0x80, s28;
	s0 =	smul.u32 $0xA000, s2;
	s2 =	sadd.s32 $0xFFFFFC00, s31  }
0xcd: {  	[tilespmem:s1], [sflag:$0x1] =	stream.linear.gather @!p2 [hbm4b:s4+s5], $0x50, $0x38;
	[tilespmem:$0x1D000] =	vst v63  }
.Ltmp1:
0xce: {  	_ = 	snop;
	(pc) =	sbr.rel @p0 .LBB2_4-.Ltmp1, $4  }
0xcf: {  	s0 =	sshrl.u32 s0, $0x2;
	s1 =	sand.u32 $0x600, s2;
	_ =	swait.ge [sflag:s21], $0x2800  }
0xd0: {  	s0 =	sadd.s32 $0x14400, s0;
	s1 =	sshrl.u32 s1, $0x2;
	[sflag:s21] =	ssyncset.done $0x0  }
0xd1: {  	s29 =	sadd.s32 $0xFFFFFFFE, s13;
	s1 =	sor.u32 $0x14200, s1;
	[sflag:s21] =	ssyncadd.s32 $0xFFFFD800  }
0xd2: {  	[spmem:s24] =	stream.indirect.scatter.add.f32 [tilespmem:s0], [sflag:$0x3], $0x80, s1, s20, $0xb8;
	[tilespmem:$0x1D000] =	vst v63  }
0xd3: {  	p0 =	sgt.u32 s29, $0x7A  }
0xd4: {  	s0 =	smul.u32 @!p0 $0xAB, s13;
	_ =	sdelay $0x1  }
0xd5: {  	s0 =	sshrl.u32 @!p0 s0, $0x9  }
0xd6: {  	_ =	swait.ge [sflag:s15], $0x2800;
	s0 =	sand.u32 @!p0 $0x7F, s0  }
0xd7: {  	[sflag:s15] =	ssyncset.done $0x0;
	s0 =	smul.u32 @!p0 $0x3, s0  }
0xd8: {  	s1 =	simm.s32 @!p0 $0x1;
	[sflag:s15] =	ssyncadd.s32 $0xFFFFD800  }
0xd9: {  	s22 =	smul.u32 $0xAB, s29;
	_ =	swait.ge @!p0 [sflag:s1], $0x50;
	s0 =	ssub.s32 @!p0 s13, s0  }
0xda: {  	s2 =	sand.u32 @!p0 $0x600, s26;
	[sflag:s1] =	ssyncset.done @!p0 $0x0;
	s0 =	sand.u32 @!p0 $0xFF, s0  }
0xdb: {  	p1 =	seq.s32 @!p0 s13, $0x7C;
	[sflag:s1] =	ssyncadd.s32 @!p0 $0xFFFFFFB0;
	s0 =	smul.u32 @!p0 $0xA000, s0  }
0xdc: {  	s2 =	sshrl.u32 @!p0 s2, $0x2;
	p1 =	por p1, p0;
	_ =	swait.ge @!p0 [sflag:s1], $0x50  }
0xdd: {  	s2 =	sor.u32 @!p0 $0x14000, s2;
	[sflag:s1] =	ssyncset.done @!p0 $0x0;
	s0 =	sshrl.u32 @!p0 s0, $0x2  }
0xde: {  	[sflag:s1] =	ssyncadd.s32 @!p0 $0xFFFFFFB0;
	s1 =	simm.s32 @!p0 $0x50;
	s0 =	sadd.s32 @!p0 $0x14400, s0  }
0xdf: {  	[tilespmem:s0], [sflag:$0x2] =	stream.indirect.gather @!p0 [hbm4b:s23+s1], $0x80, s2, s1, $0xb8;
	[tilespmem:$0x1D000] =	vst v63  }
0xe0: {  	s0 =	sand.u32 @!p1 $0x180, s28;
	s1 =	sshrl.u32 s22, $0x9  }
0xe1: {  	s3 =	simm.s32 @!p1 $0x0;
	s2 =	sor.u32 @!p1 $0x14000, s0;
	s1 =	sand.u32 $0x7F, s1  }
0xe2: {  	[tilespmem:s2], [sflag:$0x1] =	stream.linear.gather @!p1 [hbm4b:s18+s3], $0x50, $0x38;
	[tilespmem:$0x1D000] =	vst v63  }
0xe3: {  	s0 =	sor.u32 @!p1 $0x14200, s0;
	s1 =	smul.u32 $0x3, s1  }
0xe4: {  	[tilespmem:s0], [sflag:$0x1] =	stream.linear.gather @!p1 [hbm4b:s16+s3], $0x50, $0x38;
	[tilespmem:$0x1D000] =	vst v63  }
0xe5: {  	s1 =	ssub.s32 s29, s1  }
0xe6: {  	s0 =	sand.u32 $0xFF, s1  }
0xe7: {  	s2 =	sadd.s32 $0xFFFFFC00, s26;
	s0 =	smul.u32 $0xA000, s0  }
0xe8: {  	_ =	swait.ge [sflag:s21], $0x2800;
	s1 =	sand.u32 $0x600, s2  }
0xe9: {  	[sflag:s21] =	ssyncset.done $0x0;
	s1 =	sshrl.u32 s1, $0x2;
	s0 =	sshrl.u32 s0, $0x2  }
0xea: {  	[sflag:s21] =	ssyncadd.s32 $0xFFFFD800;
	s1 =	sor.u32 $0x14200, s1;
	s0 =	sadd.s32 $0x14400, s0  }
0xeb: {  	[spmem:s24] =	stream.indirect.scatter.add.f32 [tilespmem:s0], [sflag:$0x3], $0x80, s1, s20, $0xb8;
	[tilespmem:$0x1D000] =	vst v63  }
0xec: {  	_ =	swait.ge [sflag:s15], $0x2800  }
0xed: {  	[sflag:s15] =	ssyncset.done $0x0  }
0xee: {  	[sflag:s15] =	ssyncadd.s32 $0xFFFFD800  }
0xef: {  	[bflag:$0x0] =	sbarrier.arrive $0xFFFF  }
0xf0: {  	[tilespmem:s14], [sflag:$0x3] =	stream.linear.gather [spmem:s6], $0x1400, $0x38;
	[tilespmem:$0x1D000] =	vst v63  }
0xf1: {  	_ =	swait.ge [sflag:s15], $0x1400  }
0xf2: {  	[sflag:s15] =	ssyncset.done $0x0  }
0xf3: {  	s3 =	rddreg [dreg:$0x4];
	[sflag:s15] =	ssyncadd.s32 $0xFFFFEC00  }
0xf4: {  	[hbm4b:s3+s17] =	stream.linear.scatter [tilespmem:s14], [sflag:$0x3], $0x1400, $0x38;
	[tilespmem:$0x1D000] =	vst v63  }
0xf5: {  	_ =	swait.ge [sflag:s15], $0x1400  }
0xf6: {  	[sflag:s15] =	ssyncset.done $0x0  }
0xf7: {  	[sflag:s15] =	ssyncadd.s32 $0xFFFFEC00  }
0xf8: {  	[tilespmem:s14], [sflag:$0x3] =	stream.linear.gather [spmem:s7], $0x1400, $0x38;
	[tilespmem:$0x1D000] =	vst v63  }
0xf9: {  	_ =	swait.ge [sflag:s15], $0x1400  }
0xfa: {  	[sflag:s15] =	ssyncset.done $0x0  }
0xfb: {  	s4 =	rddreg [dreg:$0x5];
	[sflag:s15] =	ssyncadd.s32 $0xFFFFEC00  }
0xfc: {  	[hbm4b:s4+s17] =	stream.linear.scatter [tilespmem:s14], [sflag:$0x3], $0x1400, $0x38;
	[tilespmem:$0x1D000] =	vst v63  }
0xfd: {  	_ =	swait.ge [sflag:s15], $0x1400  }
0xfe: {  	[sflag:s15] =	ssyncset.done $0x0  }
0xff: {  	[sflag:s15] =	ssyncadd.s32 $0xFFFFEC00  }
0x100: {  	[tilespmem:s14], [sflag:$0x3] =	stream.linear.gather [spmem:s8], $0x1400, $0x38;
	[tilespmem:$0x1D000] =	vst v63  }
0x101: {  	_ =	swait.ge [sflag:s15], $0x1400  }
0x102: {  	[sflag:s15] =	ssyncset.done $0x0  }
0x103: {  	s5 =	rddreg [dreg:$0x6];
	[sflag:s15] =	ssyncadd.s32 $0xFFFFEC00  }
0x104: {  	[hbm4b:s5+s17] =	stream.linear.scatter [tilespmem:s14], [sflag:$0x3], $0x1400, $0x38;
	[tilespmem:$0x1D000] =	vst v63  }
0x105: {  	_ =	swait.ge [sflag:s15], $0x1400  }
0x106: {  	[sflag:s15] =	ssyncset.done $0x0  }
0x107: {  	[sflag:s15] =	ssyncadd.s32 $0xFFFFEC00  }
0x108: {  	[tilespmem:s14], [sflag:$0x3] =	stream.linear.gather [spmem:s9], $0x1400, $0x38;
	[tilespmem:$0x1D000] =	vst v63  }
0x109: {  	_ =	swait.ge [sflag:s15], $0x1400  }
0x10a: {  	[sflag:s15] =	ssyncset.done $0x0  }
0x10b: {  	s18 =	smov.u32 s6;
	s6 =	rddreg [dreg:$0x7];
	[sflag:s15] =	ssyncadd.s32 $0xFFFFEC00  }
0x10c: {  	[hbm4b:s6+s17] =	stream.linear.scatter [tilespmem:s14], [sflag:$0x3], $0x1400, $0x38;
	[tilespmem:$0x1D000] =	vst v63  }
0x10d: {  	_ =	swait.ge [sflag:s15], $0x1400  }
0x10e: {  	[sflag:s15] =	ssyncset.done $0x0  }
0x10f: {  	[sflag:s15] =	ssyncadd.s32 $0xFFFFEC00  }
0x110: {  	[tilespmem:s14], [sflag:$0x3] =	stream.linear.gather [spmem:s10], $0x1400, $0x38;
	[tilespmem:$0x1D000] =	vst v63  }
0x111: {  	_ =	swait.ge [sflag:s15], $0x1400  }
0x112: {  	[sflag:s15] =	ssyncset.done $0x0  }
0x113: {  	s22 =	smov.u32 s7;
	s7 =	rddreg [dreg:$0x8];
	[sflag:s15] =	ssyncadd.s32 $0xFFFFEC00  }
0x114: {  	[hbm4b:s7+s17] =	stream.linear.scatter [tilespmem:s14], [sflag:$0x3], $0x1400, $0x38;
	[tilespmem:$0x1D000] =	vst v63  }
0x115: {  	_ =	swait.ge [sflag:s15], $0x1400  }
0x116: {  	[sflag:s15] =	ssyncset.done $0x0  }
0x117: {  	[sflag:s15] =	ssyncadd.s32 $0xFFFFEC00  }
0x118: {  	[tilespmem:s14], [sflag:$0x3] =	stream.linear.gather [spmem:s11], $0x1400, $0x38;
	[tilespmem:$0x1D000] =	vst v63  }
0x119: {  	_ =	swait.ge [sflag:s15], $0x1400  }
0x11a: {  	[sflag:s15] =	ssyncset.done $0x0  }
0x11b: {  	s1 =	smov.u32 s8;
	s8 =	rddreg [dreg:$0x9];
	[sflag:s15] =	ssyncadd.s32 $0xFFFFEC00  }
0x11c: {  	[hbm4b:s8+s17] =	stream.linear.scatter [tilespmem:s14], [sflag:$0x3], $0x1400, $0x38;
	[tilespmem:$0x1D000] =	vst v63  }
0x11d: {  	_ =	swait.ge [sflag:s15], $0x1400  }
0x11e: {  	[sflag:s15] =	ssyncset.done $0x0  }
0x11f: {  	[sflag:s15] =	ssyncadd.s32 $0xFFFFEC00  }
0x120: {  	[tilespmem:s14], [sflag:$0x3] =	stream.linear.gather [spmem:s12], $0x1400, $0x38;
	[tilespmem:$0x1D000] =	vst v63  }
0x121: {  	_ =	swait.ge [sflag:s15], $0x1400  }
0x122: {  	[sflag:s15] =	ssyncset.done $0x0  }
0x123: {  	s2 =	smov.u32 s9;
	s9 =	rddreg [dreg:$0xa];
	[sflag:s15] =	ssyncadd.s32 $0xFFFFEC00  }
0x124: {  	[hbm4b:s9+s17] =	stream.linear.scatter [tilespmem:s14], [sflag:$0x3], $0x1400, $0x38;
	[tilespmem:$0x1D000] =	vst v63  }
0x125: {  	_ =	swait.ge [sflag:s15], $0x1400  }
0x126: {  	[sflag:s15] =	ssyncset.done $0x0  }
0x127: {  	s26 =	rddreg [dreg:$0x1c];
	[sflag:s15] =	ssyncadd.s32 $0xFFFFEC00  }
0x128: {  	[tilespmem:s14], [sflag:$0x3] =	stream.linear.gather [spmem:s26], $0x1400, $0x38;
	[tilespmem:$0x1D000] =	vst v63  }
0x129: {  	_ =	swait.ge [sflag:s15], $0x1400  }
0x12a: {  	[sflag:s15] =	ssyncset.done $0x0  }
0x12b: {  	s3 =	smov.u32 s10;
	s10 =	rddreg [dreg:$0xb];
	[sflag:s15] =	ssyncadd.s32 $0xFFFFEC00  }
0x12c: {  	[hbm4b:s10+s17] =	stream.linear.scatter [tilespmem:s14], [sflag:$0x3], $0x1400, $0x38;
	[tilespmem:$0x1D000] =	vst v63  }
0x12d: {  	_ =	swait.ge [sflag:s15], $0x1400  }
0x12e: {  	[sflag:s15] =	ssyncset.done $0x0  }
0x12f: {  	s28 =	rddreg [dreg:$0x1d];
	[sflag:s15] =	ssyncadd.s32 $0xFFFFEC00  }
0x130: {  	[tilespmem:s14], [sflag:$0x3] =	stream.linear.gather [spmem:s28], $0x1400, $0x38;
	[tilespmem:$0x1D000] =	vst v63  }
0x131: {  	_ =	swait.ge [sflag:s15], $0x1400  }
0x132: {  	[sflag:s15] =	ssyncset.done $0x0  }
0x133: {  	s4 =	smov.u32 s11;
	s11 =	rddreg [dreg:$0xc];
	[sflag:s15] =	ssyncadd.s32 $0xFFFFEC00  }
0x134: {  	[hbm4b:s11+s17] =	stream.linear.scatter [tilespmem:s14], [sflag:$0x3], $0x1400, $0x38;
	[tilespmem:$0x1D000] =	vst v63  }
0x135: {  	_ =	swait.ge [sflag:s15], $0x1400  }
0x136: {  	[sflag:s15] =	ssyncset.done $0x0  }
0x137: {  	s29 =	rddreg [dreg:$0x1e];
	[sflag:s15] =	ssyncadd.s32 $0xFFFFEC00  }
0x138: {  	[tilespmem:s14], [sflag:$0x3] =	stream.linear.gather [spmem:s29], $0x1400, $0x38;
	[tilespmem:$0x1D000] =	vst v63  }
0x139: {  	_ =	swait.ge [sflag:s15], $0x1400  }
0x13a: {  	[sflag:s15] =	ssyncset.done $0x0  }
0x13b: {  	s5 =	smov.u32 s12;
	s12 =	rddreg [dreg:$0xd];
	[sflag:s15] =	ssyncadd.s32 $0xFFFFEC00  }
0x13c: {  	[hbm4b:s12+s17] =	stream.linear.scatter [tilespmem:s14], [sflag:$0x3], $0x1400, $0x38;
	[tilespmem:$0x1D000] =	vst v63  }
0x13d: {  	_ =	swait.ge [sflag:s15], $0x1400  }
0x13e: {  	[sflag:s15] =	ssyncset.done $0x0  }
0x13f: {  	s30 =	rddreg [dreg:$0x1f];
	[sflag:s15] =	ssyncadd.s32 $0xFFFFEC00  }
0x140: {  	[tilespmem:s14], [sflag:$0x3] =	stream.linear.gather [spmem:s30], $0x1400, $0x38;
	[tilespmem:$0x1D000] =	vst v63  }
0x141: {  	_ =	swait.ge [sflag:s15], $0x1400  }
0x142: {  	[sflag:s15] =	ssyncset.done $0x0  }
0x143: {  	s13 =	rddreg [dreg:$0xe];
	[sflag:s15] =	ssyncadd.s32 $0xFFFFEC00  }
0x144: {  	[hbm4b:s13+s17] =	stream.linear.scatter [tilespmem:s14], [sflag:$0x3], $0x1400, $0x38;
	[tilespmem:$0x1D000] =	vst v63  }
0x145: {  	_ =	swait.ge [sflag:s15], $0x1400  }
0x146: {  	s31 =	sld [smem:$0x7FD]  }
0x147: {  	[sflag:s15] =	ssyncset.done $0x0  }
0x148: {  	[sflag:s15] =	ssyncadd.s32 $0xFFFFEC00  }
0x149: {  	[tilespmem:s14], [sflag:$0x3] =	stream.linear.gather [spmem:s31], $0x1400, $0x38;
	[tilespmem:$0x1D000] =	vst v63  }
0x14a: {  	_ =	swait.ge [sflag:s15], $0x1400  }
0x14b: {  	[sflag:s15] =	ssyncset.done $0x0  }
0x14c: {  	s16 =	rddreg [dreg:$0xf];
	[sflag:s15] =	ssyncadd.s32 $0xFFFFEC00  }
0x14d: {  	[hbm4b:s16+s17] =	stream.linear.scatter [tilespmem:s14], [sflag:$0x3], $0x1400, $0x38;
	[tilespmem:$0x1D000] =	vst v63  }
0x14e: {  	_ =	swait.ge [sflag:s15], $0x1400  }
0x14f: {  	s6 =	sld [smem:$0x7F8]  }
0x150: {  	[sflag:s15] =	ssyncset.done $0x0  }
0x151: {  	[sflag:s15] =	ssyncadd.s32 $0xFFFFEC00  }
0x152: {  	[tilespmem:s14], [sflag:$0x3] =	stream.linear.gather [spmem:s6], $0x1400, $0x38;
	[tilespmem:$0x1D000] =	vst v63  }
0x153: {  	_ =	swait.ge [sflag:s15], $0x1400  }
0x154: {  	[sflag:s15] =	ssyncset.done $0x0  }
0x155: {  	s7 =	rddreg [dreg:$0x10];
	[sflag:s15] =	ssyncadd.s32 $0xFFFFEC00  }
0x156: {  	[hbm4b:s7+s17] =	stream.linear.scatter [tilespmem:s14], [sflag:$0x3], $0x1400, $0x38;
	[tilespmem:$0x1D000] =	vst v63  }
0x157: {  	_ =	swait.ge [sflag:s15], $0x1400  }
0x158: {  	s8 =	sld [smem:$0x7F9]  }
0x159: {  	[sflag:s15] =	ssyncset.done $0x0  }
0x15a: {  	[sflag:s15] =	ssyncadd.s32 $0xFFFFEC00  }
0x15b: {  	[tilespmem:s14], [sflag:$0x3] =	stream.linear.gather [spmem:s8], $0x1400, $0x38;
	[tilespmem:$0x1D000] =	vst v63  }
0x15c: {  	_ =	swait.ge [sflag:s15], $0x1400  }
0x15d: {  	[sflag:s15] =	ssyncset.done $0x0  }
0x15e: {  	s9 =	rddreg [dreg:$0x11];
	[sflag:s15] =	ssyncadd.s32 $0xFFFFEC00  }
0x15f: {  	[hbm4b:s9+s17] =	stream.linear.scatter [tilespmem:s14], [sflag:$0x3], $0x1400, $0x38;
	[tilespmem:$0x1D000] =	vst v63  }
0x160: {  	_ =	swait.ge [sflag:s15], $0x1400  }
0x161: {  	s10 =	sld [smem:$0x7FA]  }
0x162: {  	[sflag:s15] =	ssyncset.done $0x0  }
0x163: {  	[sflag:s15] =	ssyncadd.s32 $0xFFFFEC00  }
0x164: {  	[tilespmem:s14], [sflag:$0x3] =	stream.linear.gather [spmem:s10], $0x1400, $0x38;
	[tilespmem:$0x1D000] =	vst v63  }
0x165: {  	_ =	swait.ge [sflag:s15], $0x1400  }
0x166: {  	[sflag:s15] =	ssyncset.done $0x0  }
0x167: {  	s11 =	rddreg [dreg:$0x12];
	[sflag:s15] =	ssyncadd.s32 $0xFFFFEC00  }
0x168: {  	[hbm4b:s11+s17] =	stream.linear.scatter [tilespmem:s14], [sflag:$0x3], $0x1400, $0x38;
	[tilespmem:$0x1D000] =	vst v63  }
0x169: {  	_ =	swait.ge [sflag:s15], $0x1400  }
0x16a: {  	s12 =	sld [smem:$0x7FB]  }
0x16b: {  	[sflag:s15] =	ssyncset.done $0x0  }
0x16c: {  	[sflag:s15] =	ssyncadd.s32 $0xFFFFEC00  }
0x16d: {  	[tilespmem:s14], [sflag:$0x3] =	stream.linear.gather [spmem:s12], $0x1400, $0x38;
	[tilespmem:$0x1D000] =	vst v63  }
0x16e: {  	_ =	swait.ge [sflag:s15], $0x1400  }
0x16f: {  	[sflag:s15] =	ssyncset.done $0x0  }
0x170: {  	s13 =	rddreg [dreg:$0x13];
	[sflag:s15] =	ssyncadd.s32 $0xFFFFEC00  }
0x171: {  	[hbm4b:s13+s17] =	stream.linear.scatter [tilespmem:s14], [sflag:$0x3], $0x1400, $0x38;
	[tilespmem:$0x1D000] =	vst v63  }
0x172: {  	_ =	swait.ge [sflag:s15], $0x1400  }
0x173: {  	s16 =	sld [smem:$0x7FC];
	_ =	sdelay $0x1  }
0x174: {  	s25 =	sadd.s32 $0x1, s25  }
0x175: {  	p0 =	sne.s32 s25, s16  }
.Ltmp2:
0x176: {  	_ = 	snop;
	(pc) =	sbr.rel @p0 .LBB2_1-.Ltmp2, $3  }
0x177: {  	_ =	sdelay $0x1  }
0x178: {  	[sflag:s15] =	ssyncset.done $0x0  }
0x179: {  	[sflag:s15] =	ssyncadd.s32 $0xFFFFEC00  }
0x17a: {  	_ =	sfence.sel $0x180000  }
0x17b: {  	[bflag:$0x0] =	sbarrier.arrive $0xFFFF  }
0x17c: {  	_ =	strace $0x9000004A  }
0x17d: {  	s0 =	stileid.u32;
	[bflag:$0x2] =	sbarrier.arrive $0xFFFF  }
0x17e: {  	p0 =	sne.s32 s0, $0x0;
	s0 =	rddreg [dreg:$0x3]  }
0x17f: {  	s0 =	sadd.s32 @!p0 $0x100000, s0  }
0x180: {  	[sflag:s0] =	ssyncadd.tile.s32 @!p0 $0x1;
	_ =	shalt  }
.Lfunc_end2:
_tile_overlayer_lowered:
.L_overlay_start_2:
0x181: {  	(tag) =	ssettag $0x2  }
0x182: {  	s0 =	rddreg [dreg:$0x0];
	s2 =	stileid.u32  }
0x183: {  	s1 =	rddreg [dreg:$0x1];
	p0 =	sne.s32 s2, $0x0  }
0x184: {  	s3 =	rddreg [dreg:$0x2];
	[bflag:$0x3] =	sbarrier.arrive $0xFFFF;
	s2 =	simm.s32 @!p0 $0x1C03  }
0x185: {  	[timem:s3], [sflag:s2] =	dma.local @!p0 [hbm:s0], s1  }
0x186: {  	s0 =	simm.s32 @!p0 $0x3  }
0x187: {  	_ =	swait.ge @!p0 [sflag:s0], s1  }
0x188: {  	s1 =	ssub.s32 @!p0 $0x0, s1;
	[sflag:s0] =	ssyncset.done @!p0 $0x0  }
0x189: {  	[sflag:s0] =	ssyncadd.s32 @!p0 s1  }
0x18a: {  	[bflag:$0x3] =	sbarrier.arrive $0xFFFF  }
0x18b: {  	_ =	shalt  }

</sc_bundles>
